<compile_context>
chip_gen: v7x
topology: tpu7x:2x2x1
jax: 0.10.2.dev20260603
libtpu: 0.0.44.dev20260713+nightly
codegen_flags: <defaults>
</compile_context>

<pallas_src>
import functools

import jax
import jax.numpy as jnp
from jax import lax
from jax.experimental import pallas as pl
from jax.experimental.pallas import tpu as pltpu
from jax.experimental.pallas import tpu_sc as plsc

N = 10000
E = 320000
D = 128
H = 128
B = 64
OUT = 10

NW = 32
EW = E // NW
C = 80
JW = EW // C
KB = 5
ROWS_D = N // 10

_mesh = plsc.VectorSubcoreMesh(core_axis_name="c", subcore_axis_name="s")


C2 = 40
KB2 = 5
CB = KB2 * C2
STEPS = EW // CB


def _make_sc_agg(compute_deg):
    outs = [jax.ShapeDtypeStruct((2 * N, H), jnp.float32)]
    scratch = [
        pltpu.VMEM((CB,), jnp.int32),
        pltpu.VMEM((CB,), jnp.int32),
        pltpu.VMEM((2 * KB2, C2), jnp.int32),
        pltpu.VMEM((CB, H), jnp.float32),
        pltpu.VMEM_SHARED((N, H), jnp.float32),
        pltpu.SemaphoreType.DMA,
        pltpu.SemaphoreType.DMA,
        pltpu.SemaphoreType.DMA,
        pltpu.SemaphoreType.DMA,
    ]
    if compute_deg:
        outs.append(jax.ShapeDtypeStruct((2 * N,), jnp.float32))
        scratch += [
            pltpu.VMEM((C2,), jnp.float32),
            pltpu.VMEM((ROWS_D,), jnp.float32),
            pltpu.VMEM_SHARED((N,), jnp.float32),
        ]

    @functools.partial(pl.kernel, mesh=_mesh, out_type=outs,
                       scratch_types=scratch)
    def _sc(x_hbm, src_hbm, dst_hbm, zeros2_hbm, *rest):
        if compute_deg:
            (zeros1_hbm, ones_hbm, agg_out, deg_out, srcb0, srcb1, dstb,
             rows_v, agg_sh, semi0, semi1, sem_g, sem_s, ones_v, deg_tmp,
             deg_sh) = rest
        else:
            (agg_out, srcb0, srcb1, dstb, rows_v, agg_sh, semi0, semi1,
             sem_g, sem_s) = rest
        c = lax.axis_index("c")
        s = lax.axis_index("s")
        wid = s * 2 + c
        base = wid * EW
        semi = (semi0, semi1)
        srcbufs = (srcb0, srcb1)

        def load_idx(step, pp):
            off = base + step * CB
            pltpu.async_copy(src_hbm.at[pl.ds(off, CB)], srcbufs[pp],
                             semi[pp])
            for b in range(KB2):
                pltpu.async_copy(dst_hbm.at[pl.ds(off + b * C2, C2)],
                                 dstb.at[pp * KB2 + b], semi[pp])

        def drain_idx(pp):
            pltpu.make_async_copy(src_hbm.at[pl.ds(0, CB)], srcbufs[pp],
                                  semi[pp]).wait()
            for b in range(KB2):
                pltpu.make_async_copy(dst_hbm.at[pl.ds(0, C2)],
                                      dstb.at[pp * KB2 + b], semi[pp]).wait()

        load_idx(0, 0)
        if compute_deg:
            pltpu.sync_copy(ones_hbm, ones_v)

        @pl.when(s < 10)
        def _():
            pltpu.sync_copy(zeros2_hbm.at[pl.ds(s * ROWS_D, ROWS_D)],
                            agg_sh.at[pl.ds(s * ROWS_D, ROWS_D)])
            if compute_deg:
                pltpu.sync_copy(zeros1_hbm.at[pl.ds(s * ROWS_D, ROWS_D)],
                                deg_tmp)
                pltpu.sync_copy(deg_tmp, deg_sh.at[pl.ds(s * ROWS_D, ROWS_D)])

        plsc.subcore_barrier()

        def outer(i, carry):
            for pp in range(2):
                step = i * 2 + pp

                @pl.when(step + 1 < STEPS)
                def _():
                    load_idx(step + 1, 1 - pp)

                drain_idx(pp)
                pltpu.async_copy(x_hbm.at[srcbufs[pp]], rows_v,
                                 sem_g).wait()
                ss = []
                for b in range(KB2):
                    ss.append(pltpu.async_copy(
                        rows_v.at[pl.ds(b * C2, C2)],
                        agg_sh.at[dstb.at[pp * KB2 + b]], sem_s, add=True))
                    if compute_deg:
                        ss.append(pltpu.async_copy(
                            ones_v, deg_sh.at[dstb.at[pp * KB2 + b]],
                            sem_s, add=True))
                for h in ss:
                    h.wait()
            return carry

        lax.fori_loop(0, STEPS // 2, outer, 0)
        plsc.subcore_barrier()

        @pl.when(s < 10)
        def _():
            pltpu.sync_copy(agg_sh.at[pl.ds(s * ROWS_D, ROWS_D)],
                            agg_out.at[pl.ds(c * N + s * ROWS_D, ROWS_D)])
            if compute_deg:
                pltpu.sync_copy(deg_sh.at[pl.ds(s * ROWS_D, ROWS_D)],
                                deg_tmp)
                pltpu.sync_copy(
                    deg_tmp, deg_out.at[pl.ds(c * N + s * ROWS_D, ROWS_D)])

    return _sc


_sc_agg_deg = _make_sc_agg(True)
_sc_agg_nodeg = _make_sc_agg(False)


def _layer_math(x, agg_ref, deg_ref, wl_ref, bl_ref, wr_ref, g_ref, be_ref):
    a = agg_ref[0:N, :] + agg_ref[N:2 * N, :]
    d = jnp.maximum(deg_ref[...], 1.0)
    t = (jnp.dot(a / d, wl_ref[...], preferred_element_type=jnp.float32)
         + bl_ref[...]
         + jnp.dot(x, wr_ref[...], preferred_element_type=jnp.float32))
    t = jnp.maximum(t, 0.0)
    mu = jnp.mean(t, axis=0, keepdims=True)
    v = jnp.mean((t - mu) ** 2, axis=0, keepdims=True)
    return (t - mu) * lax.rsqrt(v + 1e-5) * g_ref[...] + be_ref[...]


def _tc_layer1(x_ref, agg_ref, deg_ref, wl_ref, bl_ref, wr_ref, g_ref,
               be_ref, out_ref):
    out_ref[...] = _layer_math(x_ref[...], agg_ref, deg_ref, wl_ref, bl_ref,
                               wr_ref, g_ref, be_ref)


def _tc_layer2_head(h_ref, agg_ref, deg_ref, wl_ref, bl_ref, wr_ref, g_ref,
                    be_ref, bcol_ref, brow_ref, w1_ref, b1_ref, w2_ref,
                    b2_ref, out_ref):
    h2 = _layer_math(h_ref[...], agg_ref, deg_ref, wl_ref, bl_ref, wr_ref,
                     g_ref, be_ref)
    brow = brow_ref[...]
    iota_b = lax.broadcasted_iota(jnp.int32, (B, 1), 0)
    iota_row = lax.broadcasted_iota(jnp.int32, (1, N), 1)

    onehot_t = jnp.where(iota_b == brow, 1.0, 0.0)
    sums = jnp.dot(onehot_t, h2, preferred_element_type=jnp.float32)
    cnt = jnp.dot(onehot_t, jnp.full((N, 1), 1.0, jnp.float32),
                  preferred_element_type=jnp.float32)
    x2 = sums / jnp.maximum(cnt, 1.0)

    firsts = jnp.min(jnp.where(brow >= iota_b, iota_row, N), axis=1,
                     keepdims=True)
    firstsel = jnp.where(jnp.minimum(firsts, N - 1) == iota_row, 1.0, 0.0)
    x3 = jnp.dot(firstsel, h2, preferred_element_type=jnp.float32)

    bcol = bcol_ref[...]

    def seg(b, x1acc):
        row = jnp.max(jnp.where(bcol == b, h2, -jnp.inf), axis=0,
                      keepdims=True)
        return jnp.where(iota_b == b, row, x1acc)

    x1 = lax.fori_loop(0, B, seg, jnp.full((B, H), -jnp.inf, jnp.float32))

    z = jnp.concatenate([x1, x2, x3], axis=1)
    r = jnp.dot(z, w1_ref[...], preferred_element_type=jnp.float32) + b1_ref[...]
    r = jnp.dot(r, w2_ref[...], preferred_element_type=jnp.float32) + b2_ref[...]
    m = jnp.max(r, axis=1, keepdims=True)
    e = r - m
    out_ref[...] = e - jnp.log(jnp.sum(jnp.exp(e), axis=1, keepdims=True))


def kernel(x, edge_index, batch, Wl0, bl0, Wr0, g0, be0, Wl1, bl1, Wr1, g1,
           be1, W1, b1, W2, b2):
    src = edge_index[0]
    dst = edge_index[1]
    zeros2 = jnp.zeros((N, H), jnp.float32)
    zeros1 = jnp.zeros((N,), jnp.float32)
    onesc = jnp.ones((C2,), jnp.float32)
    bcol = batch.reshape(N, 1).astype(jnp.int32)
    brow = batch.reshape(1, N).astype(jnp.int32)

    agg1, deg1 = _sc_agg_deg(x, src, dst, zeros2, zeros1, onesc)
    degp = (deg1[0:N] + deg1[N:2 * N]).reshape(N, 1)

    h1 = pl.pallas_call(
        _tc_layer1,
        out_shape=jax.ShapeDtypeStruct((N, H), jnp.float32),
    )(x, agg1, degp, Wl0, bl0.reshape(1, H), Wr0, g0.reshape(1, H),
      be0.reshape(1, H))

    agg2 = _sc_agg_nodeg(h1, src, dst, zeros2)
    if isinstance(agg2, (list, tuple)):
        agg2 = agg2[0]

    out = pl.pallas_call(
        _tc_layer2_head,
        out_shape=jax.ShapeDtypeStruct((B, OUT), jnp.float32),
    )(h1, agg2, degp, Wl1, bl1.reshape(1, H), Wr1, g1.reshape(1, H),
      be1.reshape(1, H), bcol, brow, W1, b1.reshape(1, 3 * H), W2,
      b2.reshape(1, OUT))
    return out

# --- scband reference (transcript-rebuilt; emitter-appended) ---
"""Pipeline reference for scband-gnnstack-17214228922756 (READ-ONLY COPY).

The authoritative reference and input builder live on the scoring server;
editing this copy changes nothing except your own understanding.
"""

import jax, jax.numpy as jnp
import numpy as np

N = 10000
E = 320000
D = 128
H = 128
B = 64
OUT = 10


def setup_inputs(seed: int = 0):
    key = jax.random.key(seed)
    ks = jax.random.split(key, 20)
    inp = {}
    inp['x'] = jax.random.normal(ks[0], (N, D), dtype=jnp.float32)
    inp['edge_index'] = jax.random.randint(ks[1], (2, E), 0, N)
    inp['batch'] = jnp.sort(jax.random.randint(ks[2], (N,), 0, B))

    def lin(k, fan_in, fan_out):
        s = 1.0 / np.sqrt(fan_in)
        return jax.random.uniform(k, (fan_in, fan_out), minval=-s, maxval=s, dtype=jnp.float32)

    dims = [D, H]
    for i in range(2):
        di = dims[i]
        inp['Wl%d' % i] = lin(ks[3 + 4 * i], di, H)
        inp['bl%d' % i] = jnp.zeros((H,), dtype=jnp.float32)
        inp['Wr%d' % i] = lin(ks[4 + 4 * i], di, H)
        inp['g%d' % i] = jnp.ones((H,), dtype=jnp.float32)
        inp['be%d' % i] = jnp.zeros((H,), dtype=jnp.float32)
    inp['W1'] = lin(ks[12], 3 * H, 3 * H)
    inp['b1'] = jnp.zeros((3 * H,), dtype=jnp.float32)
    inp['W2'] = lin(ks[13], 3 * H, OUT)
    inp['b2'] = jnp.zeros((OUT,), dtype=jnp.float32)
    return inp


def _bn(x, g, b):
    mu = jnp.mean(x, axis=0)
    var = jnp.var(x, axis=0)
    return (x - mu) / jnp.sqrt(var + 1e-5) * g + b


def _sage(x, src, dst, Wl, bl, Wr):
    msgs = x[src]
    agg = jax.ops.segment_sum(msgs, dst, num_segments=N)
    deg = jax.ops.segment_sum(jnp.ones((src.shape[0],), dtype=x.dtype), dst, num_segments=N)
    agg = agg / jnp.maximum(deg, 1.0)[:, None]
    return agg @ Wl + bl + x @ Wr


def reference(x, edge_index, batch, Wl0, bl0, Wr0, g0, be0, Wl1, bl1, Wr1, g1, be1, W1, b1, W2, b2):
    src, dst = edge_index[0], edge_index[1]
    params = [(Wl0, bl0, Wr0, g0, be0), (Wl1, bl1, Wr1, g1, be1)]
    h = x
    for (Wl, bl, Wr, g, be) in params:
        h = _sage(h, src, dst, Wl, bl, Wr)
        h = jax.nn.relu(h)
        h = _bn(h, g, be)
    x1 = jax.ops.segment_max(h, batch, num_segments=B)
    cnt = jax.ops.segment_sum(jnp.ones((N,), dtype=h.dtype), batch, num_segments=B)
    x2 = jax.ops.segment_sum(h, batch, num_segments=B) / jnp.maximum(cnt, 1.0)[:, None]
    first = jnp.searchsorted(batch, jnp.arange(B))
    x3 = h[first]
    z = jnp.concatenate([x1, x2, x3], axis=1)
    z = z @ W1 + b1
    z = z @ W2 + b2
    return jax.nn.log_softmax(z, axis=1)

if __name__ == "__main__":
    import jax
    _d = setup_inputs()
    print(jax.jit(kernel)(*tuple(_d.values())))

</pallas_src>

<mosaic_0001>
#map = affine_map<(d0, d1) -> (0, 0)>
#map1 = affine_map<(d0, d1) -> (0)>
module attributes {stable_mosaic.version = 14 : i64} {
  func.func @_sc(%arg0: i32, %arg1: i32, %arg2: memref<10000x128xf32, #tpu.memory_space<hbm>>, %arg3: memref<320000xi32, #tpu.memory_space<hbm>>, %arg4: memref<320000xi32, #tpu.memory_space<hbm>>, %arg5: memref<10000x128xf32, #tpu.memory_space<hbm>>, %arg6: memref<10000xf32, #tpu.memory_space<hbm>>, %arg7: memref<40xf32, #tpu.memory_space<hbm>>, %arg8: memref<20000x128xf32, #tpu.memory_space<hbm>>, %arg9: memref<20000xf32, #tpu.memory_space<hbm>>, %arg10: memref<200xi32, #tpu.memory_space<vmem>>, %arg11: memref<200xi32, #tpu.memory_space<vmem>>, %arg12: memref<10x40xi32, #tpu.memory_space<vmem>>, %arg13: memref<200x128xf32, #tpu.memory_space<vmem>>, %arg14: memref<10000x128xf32, #tpu.memory_space<vmem_shared>>, %arg15: memref<!tpu.dma_semaphore, #tpu.memory_space<semaphore_mem>>, %arg16: memref<!tpu.dma_semaphore, #tpu.memory_space<semaphore_mem>>, %arg17: memref<!tpu.dma_semaphore, #tpu.memory_space<semaphore_mem>>, %arg18: memref<!tpu.dma_semaphore, #tpu.memory_space<semaphore_mem>>, %arg19: memref<40xf32, #tpu.memory_space<vmem>>, %arg20: memref<1000xf32, #tpu.memory_space<vmem>>, %arg21: memref<10000xf32, #tpu.memory_space<vmem_shared>>) attributes {dimension_semantics = [#tpu.dimension_semantics<core_parallel>, #tpu.dimension_semantics<subcore_parallel>], iteration_bounds = array<i64: 2, 16>, scalar_prefetch = 0 : i64, scratch_operands = 12 : i64, tpu.core_type = #tpu.core_type<sc_vector_subcore>, window_params = [{transform_indices = #map}, {transform_indices = #map1}, {transform_indices = #map1}, {transform_indices = #map}, {transform_indices = #map1}, {transform_indices = #map1}, {transform_indices = #map}, {transform_indices = #map1}]} {
    %mul3A = arith.constant 2 : i32
    %mul3A_0 = arith.muli %arg1, %mul3A : i32
    %add3A = arith.addi %mul3A_0, %arg0 : i32
    %mul3A_1 = arith.constant 10000 : i32
    %mul3A_2 = arith.muli %add3A, %mul3A_1 : i32
    %add3A_3 = arith.constant 0 : i32
    %add3A_4 = arith.addi %mul3A_2, %add3A_3 : i32
    %dma_start3A = tpu.memref_slice %arg3[%add3A_4] : memref<320000xi32, #tpu.memory_space<hbm>> -> memref<200xi32, #tpu.memory_space<hbm>>
    %dma_start3A_5 = tpu.memref_slice %arg3[%add3A_4] : memref<320000xi32, #tpu.memory_space<hbm>> -> memref<200xi32, #tpu.memory_space<hbm>>
    tpu.enqueue_dma source(%dma_start3A_5 : memref<200xi32, #tpu.memory_space<hbm>>) target(%arg10 : memref<200xi32, #tpu.memory_space<vmem>>) target_semaphore(%arg15 : memref<!tpu.dma_semaphore, #tpu.memory_space<semaphore_mem>>)
    %add3A_6 = arith.constant 0 : i32
    %add3A_7 = arith.addi %add3A_4, %add3A_6 : i32
    %dma_start3A_8 = arith.constant 0 : i32
    %dma_start3A_9 = arith.constant 0 : i32
    %dma_start3A_10 = tpu.memref_slice %arg12[%dma_start3A_8, %dma_start3A_9] : memref<10x40xi32, #tpu.memory_space<vmem>> -> memref<1x40xi32, #tpu.memory_space<vmem>>
    %dma_start3A_11 = tpu.memref_squeeze %dma_start3A_10 : memref<1x40xi32, #tpu.memory_space<vmem>> -> memref<40xi32, #tpu.memory_space<vmem>>
    %dma_start3A_12 = tpu.memref_slice %arg4[%add3A_7] : memref<320000xi32, #tpu.memory_space<hbm>> -> memref<40xi32, #tpu.memory_space<hbm>>
    %dma_start3A_13 = arith.constant 0 : i32
    %dma_start3A_14 = tpu.memref_slice %arg12[%dma_start3A_8, %dma_start3A_13] : memref<10x40xi32, #tpu.memory_space<vmem>> -> memref<1x40xi32, #tpu.memory_space<vmem>>
    %dma_start3A_15 = tpu.memref_squeeze %dma_start3A_14 : memref<1x40xi32, #tpu.memory_space<vmem>> -> memref<40xi32, #tpu.memory_space<vmem>>
    %dma_start3A_16 = tpu.memref_slice %arg4[%add3A_7] : memref<320000xi32, #tpu.memory_space<hbm>> -> memref<40xi32, #tpu.memory_space<hbm>>
    tpu.enqueue_dma source(%dma_start3A_16 : memref<40xi32, #tpu.memory_space<hbm>>) target(%dma_start3A_15 : memref<40xi32, #tpu.memory_space<vmem>>) target_semaphore(%arg15 : memref<!tpu.dma_semaphore, #tpu.memory_space<semaphore_mem>>)
    %add3A_17 = arith.constant 40 : i32
    %add3A_18 = arith.addi %add3A_4, %add3A_17 : i32
    %dma_start3A_19 = arith.constant 1 : i32
    %dma_start3A_20 = arith.constant 0 : i32
    %dma_start3A_21 = tpu.memref_slice %arg12[%dma_start3A_19, %dma_start3A_20] : memref<10x40xi32, #tpu.memory_space<vmem>> -> memref<1x40xi32, #tpu.memory_space<vmem>>
    %dma_start3A_22 = tpu.memref_squeeze %dma_start3A_21 : memref<1x40xi32, #tpu.memory_space<vmem>> -> memref<40xi32, #tpu.memory_space<vmem>>
    %dma_start3A_23 = tpu.memref_slice %arg4[%add3A_18] : memref<320000xi32, #tpu.memory_space<hbm>> -> memref<40xi32, #tpu.memory_space<hbm>>
    %dma_start3A_24 = arith.constant 0 : i32
    %dma_start3A_25 = tpu.memref_slice %arg12[%dma_start3A_19, %dma_start3A_24] : memref<10x40xi32, #tpu.memory_space<vmem>> -> memref<1x40xi32, #tpu.memory_space<vmem>>
    %dma_start3A_26 = tpu.memref_squeeze %dma_start3A_25 : memref<1x40xi32, #tpu.memory_space<vmem>> -> memref<40xi32, #tpu.memory_space<vmem>>
    %dma_start3A_27 = tpu.memref_slice %arg4[%add3A_18] : memref<320000xi32, #tpu.memory_space<hbm>> -> memref<40xi32, #tpu.memory_space<hbm>>
    tpu.enqueue_dma source(%dma_start3A_27 : memref<40xi32, #tpu.memory_space<hbm>>) target(%dma_start3A_26 : memref<40xi32, #tpu.memory_space<vmem>>) target_semaphore(%arg15 : memref<!tpu.dma_semaphore, #tpu.memory_space<semaphore_mem>>)
    %add3A_28 = arith.constant 80 : i32
    %add3A_29 = arith.addi %add3A_4, %add3A_28 : i32
    %dma_start3A_30 = arith.constant 2 : i32
    %dma_start3A_31 = arith.constant 0 : i32
    %dma_start3A_32 = tpu.memref_slice %arg12[%dma_start3A_30, %dma_start3A_31] : memref<10x40xi32, #tpu.memory_space<vmem>> -> memref<1x40xi32, #tpu.memory_space<vmem>>
    %dma_start3A_33 = tpu.memref_squeeze %dma_start3A_32 : memref<1x40xi32, #tpu.memory_space<vmem>> -> memref<40xi32, #tpu.memory_space<vmem>>
    %dma_start3A_34 = tpu.memref_slice %arg4[%add3A_29] : memref<320000xi32, #tpu.memory_space<hbm>> -> memref<40xi32, #tpu.memory_space<hbm>>
    %dma_start3A_35 = arith.constant 0 : i32
    %dma_start3A_36 = tpu.memref_slice %arg12[%dma_start3A_30, %dma_start3A_35] : memref<10x40xi32, #tpu.memory_space<vmem>> -> memref<1x40xi32, #tpu.memory_space<vmem>>
    %dma_start3A_37 = tpu.memref_squeeze %dma_start3A_36 : memref<1x40xi32, #tpu.memory_space<vmem>> -> memref<40xi32, #tpu.memory_space<vmem>>
    %dma_start3A_38 = tpu.memref_slice %arg4[%add3A_29] : memref<320000xi32, #tpu.memory_space<hbm>> -> memref<40xi32, #tpu.memory_space<hbm>>
    tpu.enqueue_dma source(%dma_start3A_38 : memref<40xi32, #tpu.memory_space<hbm>>) target(%dma_start3A_37 : memref<40xi32, #tpu.memory_space<vmem>>) target_semaphore(%arg15 : memref<!tpu.dma_semaphore, #tpu.memory_space<semaphore_mem>>)
    %add3A_39 = arith.constant 120 : i32
    %add3A_40 = arith.addi %add3A_4, %add3A_39 : i32
    %dma_start3A_41 = arith.constant 3 : i32
    %dma_start3A_42 = arith.constant 0 : i32
    %dma_start3A_43 = tpu.memref_slice %arg12[%dma_start3A_41, %dma_start3A_42] : memref<10x40xi32, #tpu.memory_space<vmem>> -> memref<1x40xi32, #tpu.memory_space<vmem>>
    %dma_start3A_44 = tpu.memref_squeeze %dma_start3A_43 : memref<1x40xi32, #tpu.memory_space<vmem>> -> memref<40xi32, #tpu.memory_space<vmem>>
    %dma_start3A_45 = tpu.memref_slice %arg4[%add3A_40] : memref<320000xi32, #tpu.memory_space<hbm>> -> memref<40xi32, #tpu.memory_space<hbm>>
    %dma_start3A_46 = arith.constant 0 : i32
    %dma_start3A_47 = tpu.memref_slice %arg12[%dma_start3A_41, %dma_start3A_46] : memref<10x40xi32, #tpu.memory_space<vmem>> -> memref<1x40xi32, #tpu.memory_space<vmem>>
    %dma_start3A_48 = tpu.memref_squeeze %dma_start3A_47 : memref<1x40xi32, #tpu.memory_space<vmem>> -> memref<40xi32, #tpu.memory_space<vmem>>
    %dma_start3A_49 = tpu.memref_slice %arg4[%add3A_40] : memref<320000xi32, #tpu.memory_space<hbm>> -> memref<40xi32, #tpu.memory_space<hbm>>
    tpu.enqueue_dma source(%dma_start3A_49 : memref<40xi32, #tpu.memory_space<hbm>>) target(%dma_start3A_48 : memref<40xi32, #tpu.memory_space<vmem>>) target_semaphore(%arg15 : memref<!tpu.dma_semaphore, #tpu.memory_space<semaphore_mem>>)
    %add3A_50 = arith.constant 160 : i32
    %add3A_51 = arith.addi %add3A_4, %add3A_50 : i32
    %dma_start3A_52 = arith.constant 4 : i32
    %dma_start3A_53 = arith.constant 0 : i32
    %dma_start3A_54 = tpu.memref_slice %arg12[%dma_start3A_52, %dma_start3A_53] : memref<10x40xi32, #tpu.memory_space<vmem>> -> memref<1x40xi32, #tpu.memory_space<vmem>>
    %dma_start3A_55 = tpu.memref_squeeze %dma_start3A_54 : memref<1x40xi32, #tpu.memory_space<vmem>> -> memref<40xi32, #tpu.memory_space<vmem>>
    %dma_start3A_56 = tpu.memref_slice %arg4[%add3A_51] : memref<320000xi32, #tpu.memory_space<hbm>> -> memref<40xi32, #tpu.memory_space<hbm>>
    %dma_start3A_57 = arith.constant 0 : i32
    %dma_start3A_58 = tpu.memref_slice %arg12[%dma_start3A_52, %dma_start3A_57] : memref<10x40xi32, #tpu.memory_space<vmem>> -> memref<1x40xi32, #tpu.memory_space<vmem>>
    %dma_start3A_59 = tpu.memref_squeeze %dma_start3A_58 : memref<1x40xi32, #tpu.memory_space<vmem>> -> memref<40xi32, #tpu.memory_space<vmem>>
    %dma_start3A_60 = tpu.memref_slice %arg4[%add3A_51] : memref<320000xi32, #tpu.memory_space<hbm>> -> memref<40xi32, #tpu.memory_space<hbm>>
    tpu.enqueue_dma source(%dma_start3A_60 : memref<40xi32, #tpu.memory_space<hbm>>) target(%dma_start3A_59 : memref<40xi32, #tpu.memory_space<vmem>>) target_semaphore(%arg15 : memref<!tpu.dma_semaphore, #tpu.memory_space<semaphore_mem>>)
    "tpu.region"() ({
      %run_scoped3A = tpu.sem_alloc : memref<!tpu.dma_semaphore, #tpu.memory_space<semaphore_mem>>
      tpu.enqueue_dma source(%arg7 : memref<40xf32, #tpu.memory_space<hbm>>) target(%arg19 : memref<40xf32, #tpu.memory_space<vmem>>) target_semaphore(%run_scoped3A : memref<!tpu.dma_semaphore, #tpu.memory_space<semaphore_mem>>)
      tpu.wait_dma2 semaphore(%run_scoped3A : memref<!tpu.dma_semaphore, #tpu.memory_space<semaphore_mem>>) src(%arg7 : memref<40xf32, #tpu.memory_space<hbm>>) dst(%arg19 : memref<40xf32, #tpu.memory_space<vmem>>)
      tpu.yield
    }) : () -> ()
    %lt3A = arith.constant 10 : i32
    %lt3A_61 = arith.cmpi slt, %arg1, %lt3A : i32
    %convert_element_type3A = arith.extui %lt3A_61 : i1 to i32
    %cond3A = arith.constant 0 : i32
    %cond3A_62 = arith.cmpi ne, %convert_element_type3A, %cond3A : i32
    scf.if %cond3A_62 {
      %mul3A_74 = arith.constant 1000 : i32
      %mul3A_75 = arith.muli %arg1, %mul3A_74 : i32
      %mul3A_76 = arith.constant 1000 : i32
      %mul3A_77 = arith.muli %arg1, %mul3A_76 : i32
      "tpu.region"() ({
        %run_scoped3A = tpu.sem_alloc : memref<!tpu.dma_semaphore, #tpu.memory_space<semaphore_mem>>
        %dma_start3A_82 = arith.constant 0 : i32
        %dma_start3A_83 = tpu.memref_slice %arg14[%mul3A_77, %dma_start3A_82] : memref<10000x128xf32, #tpu.memory_space<vmem_shared>> -> memref<1000x128xf32, #tpu.memory_space<vmem_shared>>
        %dma_start3A_84 = arith.constant 0 : i32
        %dma_start3A_85 = tpu.memref_slice %arg5[%mul3A_75, %dma_start3A_84] : memref<10000x128xf32, #tpu.memory_space<hbm>> -> memref<1000x128xf32, #tpu.memory_space<hbm>>
        tpu.enqueue_dma source(%dma_start3A_85 : memref<1000x128xf32, #tpu.memory_space<hbm>>) target(%dma_start3A_83 : memref<1000x128xf32, #tpu.memory_space<vmem_shared>>) target_semaphore(%run_scoped3A : memref<!tpu.dma_semaphore, #tpu.memory_space<semaphore_mem>>)
        %dma_wait3A = arith.constant 0 : i32
        %dma_wait3A_86 = tpu.memref_slice %arg14[%mul3A_77, %dma_wait3A] : memref<10000x128xf32, #tpu.memory_space<vmem_shared>> -> memref<1000x128xf32, #tpu.memory_space<vmem_shared>>
        %dma_wait3A_87 = arith.constant 0 : i32
        %dma_wait3A_88 = tpu.memref_slice %arg5[%mul3A_75, %dma_wait3A_87] : memref<10000x128xf32, #tpu.memory_space<hbm>> -> memref<1000x128xf32, #tpu.memory_space<hbm>>
        tpu.wait_dma2 semaphore(%run_scoped3A : memref<!tpu.dma_semaphore, #tpu.memory_space<semaphore_mem>>) src(%dma_wait3A_88 : memref<1000x128xf32, #tpu.memory_space<hbm>>) dst(%dma_wait3A_86 : memref<1000x128xf32, #tpu.memory_space<vmem_shared>>)
        tpu.yield
      }) : () -> ()
      %mul3A_78 = arith.constant 1000 : i32
      %mul3A_79 = arith.muli %arg1, %mul3A_78 : i32
      "tpu.region"() ({
        %run_scoped3A = tpu.sem_alloc : memref<!tpu.dma_semaphore, #tpu.memory_space<semaphore_mem>>
        %dma_start3A_82 = tpu.memref_slice %arg6[%mul3A_79] : memref<10000xf32, #tpu.memory_space<hbm>> -> memref<1000xf32, #tpu.memory_space<hbm>>
        %dma_start3A_83 = tpu.memref_slice %arg6[%mul3A_79] : memref<10000xf32, #tpu.memory_space<hbm>> -> memref<1000xf32, #tpu.memory_space<hbm>>
        tpu.enqueue_dma source(%dma_start3A_83 : memref<1000xf32, #tpu.memory_space<hbm>>) target(%arg20 : memref<1000xf32, #tpu.memory_space<vmem>>) target_semaphore(%run_scoped3A : memref<!tpu.dma_semaphore, #tpu.memory_space<semaphore_mem>>)
        %dma_wait3A = tpu.memref_slice %arg6[%mul3A_79] : memref<10000xf32, #tpu.memory_space<hbm>> -> memref<1000xf32, #tpu.memory_space<hbm>>
        %dma_wait3A_84 = tpu.memref_slice %arg6[%mul3A_79] : memref<10000xf32, #tpu.memory_space<hbm>> -> memref<1000xf32, #tpu.memory_space<hbm>>
        tpu.wait_dma2 semaphore(%run_scoped3A : memref<!tpu.dma_semaphore, #tpu.memory_space<semaphore_mem>>) src(%dma_wait3A_84 : memref<1000xf32, #tpu.memory_space<hbm>>) dst(%arg20 : memref<1000xf32, #tpu.memory_space<vmem>>)
        tpu.yield
      }) : () -> ()
      %mul3A_80 = arith.constant 1000 : i32
      %mul3A_81 = arith.muli %arg1, %mul3A_80 : i32
      "tpu.region"() ({
        %run_scoped3A = tpu.sem_alloc : memref<!tpu.dma_semaphore, #tpu.memory_space<semaphore_mem>>
        %dma_start3A_82 = tpu.memref_slice %arg21[%mul3A_81] : memref<10000xf32, #tpu.memory_space<vmem_shared>> -> memref<1000xf32, #tpu.memory_space<vmem_shared>>
        %dma_start3A_83 = tpu.memref_slice %arg21[%mul3A_81] : memref<10000xf32, #tpu.memory_space<vmem_shared>> -> memref<1000xf32, #tpu.memory_space<vmem_shared>>
        tpu.enqueue_dma source(%arg20 : memref<1000xf32, #tpu.memory_space<vmem>>) target(%dma_start3A_83 : memref<1000xf32, #tpu.memory_space<vmem_shared>>) target_semaphore(%run_scoped3A : memref<!tpu.dma_semaphore, #tpu.memory_space<semaphore_mem>>)
        %dma_wait3A = tpu.memref_slice %arg21[%mul3A_81] : memref<10000xf32, #tpu.memory_space<vmem_shared>> -> memref<1000xf32, #tpu.memory_space<vmem_shared>>
        %dma_wait3A_84 = tpu.memref_slice %arg21[%mul3A_81] : memref<10000xf32, #tpu.memory_space<vmem_shared>> -> memref<1000xf32, #tpu.memory_space<vmem_shared>>
        tpu.wait_dma2 semaphore(%run_scoped3A : memref<!tpu.dma_semaphore, #tpu.memory_space<semaphore_mem>>) src(%arg20 : memref<1000xf32, #tpu.memory_space<vmem>>) dst(%dma_wait3A_84 : memref<1000xf32, #tpu.memory_space<vmem_shared>>)
        tpu.yield
      }) : () -> ()
    } else {
    }
    %barrier3A = arith.constant 0 : index
    tpu.barrier barrier_id(%barrier3A)
    %scan3A = arith.constant 0 : i32
    %scan3A_63 = arith.constant 0 : i32
    %scan3A_64 = arith.constant 25 : i32
    %scan3A_65 = arith.addi %scan3A_63, %scan3A_64 : i32
    %scan3A_66 = arith.constant 1 : i32
    scf.for %scan3A_74 = %scan3A_63 to %scan3A_65 step %scan3A_66  : i32 {
      %mul3A_75 = arith.constant 2 : i32
      %mul3A_76 = arith.muli %scan3A_74, %mul3A_75 : i32
      %add3A_77 = arith.constant 0 : i32
      %add3A_78 = arith.addi %mul3A_76, %add3A_77 : i32
      %add3A_79 = arith.constant 1 : i32
      %add3A_80 = arith.addi %add3A_78, %add3A_79 : i32
      %lt3A_81 = arith.constant 50 : i32
      %lt3A_82 = arith.cmpi slt, %add3A_80, %lt3A_81 : i32
      %convert_element_type3A_83 = arith.extui %lt3A_82 : i1 to i32
      %cond3A_84 = arith.constant 0 : i32
      %cond3A_85 = arith.cmpi ne, %convert_element_type3A_83, %cond3A_84 : i32
      scf.if %cond3A_85 {
        %add3A_546 = arith.constant 1 : i32
        %add3A_547 = arith.addi %add3A_78, %add3A_546 : i32
        %mul3A_548 = arith.constant 200 : i32
        %mul3A_549 = arith.muli %add3A_547, %mul3A_548 : i32
        %add3A_550 = arith.addi %mul3A_2, %mul3A_549 : i32
        %dma_start3A_551 = tpu.memref_slice %arg3[%add3A_550] : memref<320000xi32, #tpu.memory_space<hbm>> -> memref<200xi32, #tpu.memory_space<hbm>>
        %dma_start3A_552 = tpu.memref_slice %arg3[%add3A_550] : memref<320000xi32, #tpu.memory_space<hbm>> -> memref<200xi32, #tpu.memory_space<hbm>>
        tpu.enqueue_dma source(%dma_start3A_552 : memref<200xi32, #tpu.memory_space<hbm>>) target(%arg11 : memref<200xi32, #tpu.memory_space<vmem>>) target_semaphore(%arg16 : memref<!tpu.dma_semaphore, #tpu.memory_space<semaphore_mem>>)
        %add3A_553 = arith.constant 0 : i32
        %add3A_554 = arith.addi %add3A_550, %add3A_553 : i32
        %dma_start3A_555 = arith.constant 5 : i32
        %dma_start3A_556 = arith.constant 0 : i32
        %dma_start3A_557 = tpu.memref_slice %arg12[%dma_start3A_555, %dma_start3A_556] : memref<10x40xi32, #tpu.memory_space<vmem>> -> memref<1x40xi32, #tpu.memory_space<vmem>>
        %dma_start3A_558 = tpu.memref_squeeze %dma_start3A_557 : memref<1x40xi32, #tpu.memory_space<vmem>> -> memref<40xi32, #tpu.memory_space<vmem>>
        %dma_start3A_559 = tpu.memref_slice %arg4[%add3A_554] : memref<320000xi32, #tpu.memory_space<hbm>> -> memref<40xi32, #tpu.memory_space<hbm>>
        %dma_start3A_560 = arith.constant 0 : i32
        %dma_start3A_561 = tpu.memref_slice %arg12[%dma_start3A_555, %dma_start3A_560] : memref<10x40xi32, #tpu.memory_space<vmem>> -> memref<1x40xi32, #tpu.memory_space<vmem>>
        %dma_start3A_562 = tpu.memref_squeeze %dma_start3A_561 : memref<1x40xi32, #tpu.memory_space<vmem>> -> memref<40xi32, #tpu.memory_space<vmem>>
        %dma_start3A_563 = tpu.memref_slice %arg4[%add3A_554] : memref<320000xi32, #tpu.memory_space<hbm>> -> memref<40xi32, #tpu.memory_space<hbm>>
        tpu.enqueue_dma source(%dma_start3A_563 : memref<40xi32, #tpu.memory_space<hbm>>) target(%dma_start3A_562 : memref<40xi32, #tpu.memory_space<vmem>>) target_semaphore(%arg16 : memref<!tpu.dma_semaphore, #tpu.memory_space<semaphore_mem>>)
        %add3A_564 = arith.constant 40 : i32
        %add3A_565 = arith.addi %add3A_550, %add3A_564 : i32
        %dma_start3A_566 = arith.constant 6 : i32
        %dma_start3A_567 = arith.constant 0 : i32
        %dma_start3A_568 = tpu.memref_slice %arg12[%dma_start3A_566, %dma_start3A_567] : memref<10x40xi32, #tpu.memory_space<vmem>> -> memref<1x40xi32, #tpu.memory_space<vmem>>
        %dma_start3A_569 = tpu.memref_squeeze %dma_start3A_568 : memref<1x40xi32, #tpu.memory_space<vmem>> -> memref<40xi32, #tpu.memory_space<vmem>>
        %dma_start3A_570 = tpu.memref_slice %arg4[%add3A_565] : memref<320000xi32, #tpu.memory_space<hbm>> -> memref<40xi32, #tpu.memory_space<hbm>>
        %dma_start3A_571 = arith.constant 0 : i32
        %dma_start3A_572 = tpu.memref_slice %arg12[%dma_start3A_566, %dma_start3A_571] : memref<10x40xi32, #tpu.memory_space<vmem>> -> memref<1x40xi32, #tpu.memory_space<vmem>>
        %dma_start3A_573 = tpu.memref_squeeze %dma_start3A_572 : memref<1x40xi32, #tpu.memory_space<vmem>> -> memref<40xi32, #tpu.memory_space<vmem>>
        %dma_start3A_574 = tpu.memref_slice %arg4[%add3A_565] : memref<320000xi32, #tpu.memory_space<hbm>> -> memref<40xi32, #tpu.memory_space<hbm>>
        tpu.enqueue_dma source(%dma_start3A_574 : memref<40xi32, #tpu.memory_space<hbm>>) target(%dma_start3A_573 : memref<40xi32, #tpu.memory_space<vmem>>) target_semaphore(%arg16 : memref<!tpu.dma_semaphore, #tpu.memory_space<semaphore_mem>>)
        %add3A_575 = arith.constant 80 : i32
        %add3A_576 = arith.addi %add3A_550, %add3A_575 : i32
        %dma_start3A_577 = arith.constant 7 : i32
        %dma_start3A_578 = arith.constant 0 : i32
        %dma_start3A_579 = tpu.memref_slice %arg12[%dma_start3A_577, %dma_start3A_578] : memref<10x40xi32, #tpu.memory_space<vmem>> -> memref<1x40xi32, #tpu.memory_space<vmem>>
        %dma_start3A_580 = tpu.memref_squeeze %dma_start3A_579 : memref<1x40xi32, #tpu.memory_space<vmem>> -> memref<40xi32, #tpu.memory_space<vmem>>
        %dma_start3A_581 = tpu.memref_slice %arg4[%add3A_576] : memref<320000xi32, #tpu.memory_space<hbm>> -> memref<40xi32, #tpu.memory_space<hbm>>
        %dma_start3A_582 = arith.constant 0 : i32
        %dma_start3A_583 = tpu.memref_slice %arg12[%dma_start3A_577, %dma_start3A_582] : memref<10x40xi32, #tpu.memory_space<vmem>> -> memref<1x40xi32, #tpu.memory_space<vmem>>
        %dma_start3A_584 = tpu.memref_squeeze %dma_start3A_583 : memref<1x40xi32, #tpu.memory_space<vmem>> -> memref<40xi32, #tpu.memory_space<vmem>>
        %dma_start3A_585 = tpu.memref_slice %arg4[%add3A_576] : memref<320000xi32, #tpu.memory_space<hbm>> -> memref<40xi32, #tpu.memory_space<hbm>>
        tpu.enqueue_dma source(%dma_start3A_585 : memref<40xi32, #tpu.memory_space<hbm>>) target(%dma_start3A_584 : memref<40xi32, #tpu.memory_space<vmem>>) target_semaphore(%arg16 : memref<!tpu.dma_semaphore, #tpu.memory_space<semaphore_mem>>)
        %add3A_586 = arith.constant 120 : i32
        %add3A_587 = arith.addi %add3A_550, %add3A_586 : i32
        %dma_start3A_588 = arith.constant 8 : i32
        %dma_start3A_589 = arith.constant 0 : i32
        %dma_start3A_590 = tpu.memref_slice %arg12[%dma_start3A_588, %dma_start3A_589] : memref<10x40xi32, #tpu.memory_space<vmem>> -> memref<1x40xi32, #tpu.memory_space<vmem>>
        %dma_start3A_591 = tpu.memref_squeeze %dma_start3A_590 : memref<1x40xi32, #tpu.memory_space<vmem>> -> memref<40xi32, #tpu.memory_space<vmem>>
        %dma_start3A_592 = tpu.memref_slice %arg4[%add3A_587] : memref<320000xi32, #tpu.memory_space<hbm>> -> memref<40xi32, #tpu.memory_space<hbm>>
        %dma_start3A_593 = arith.constant 0 : i32
        %dma_start3A_594 = tpu.memref_slice %arg12[%dma_start3A_588, %dma_start3A_593] : memref<10x40xi32, #tpu.memory_space<vmem>> -> memref<1x40xi32, #tpu.memory_space<vmem>>
        %dma_start3A_595 = tpu.memref_squeeze %dma_start3A_594 : memref<1x40xi32, #tpu.memory_space<vmem>> -> memref<40xi32, #tpu.memory_space<vmem>>
        %dma_start3A_596 = tpu.memref_slice %arg4[%add3A_587] : memref<320000xi32, #tpu.memory_space<hbm>> -> memref<40xi32, #tpu.memory_space<hbm>>
        tpu.enqueue_dma source(%dma_start3A_596 : memref<40xi32, #tpu.memory_space<hbm>>) target(%dma_start3A_595 : memref<40xi32, #tpu.memory_space<vmem>>) target_semaphore(%arg16 : memref<!tpu.dma_semaphore, #tpu.memory_space<semaphore_mem>>)
        %add3A_597 = arith.constant 160 : i32
        %add3A_598 = arith.addi %add3A_550, %add3A_597 : i32
        %dma_start3A_599 = arith.constant 9 : i32
        %dma_start3A_600 = arith.constant 0 : i32
        %dma_start3A_601 = tpu.memref_slice %arg12[%dma_start3A_599, %dma_start3A_600] : memref<10x40xi32, #tpu.memory_space<vmem>> -> memref<1x40xi32, #tpu.memory_space<vmem>>
        %dma_start3A_602 = tpu.memref_squeeze %dma_start3A_601 : memref<1x40xi32, #tpu.memory_space<vmem>> -> memref<40xi32, #tpu.memory_space<vmem>>
        %dma_start3A_603 = tpu.memref_slice %arg4[%add3A_598] : memref<320000xi32, #tpu.memory_space<hbm>> -> memref<40xi32, #tpu.memory_space<hbm>>
        %dma_start3A_604 = arith.constant 0 : i32
        %dma_start3A_605 = tpu.memref_slice %arg12[%dma_start3A_599, %dma_start3A_604] : memref<10x40xi32, #tpu.memory_space<vmem>> -> memref<1x40xi32, #tpu.memory_space<vmem>>
        %dma_start3A_606 = tpu.memref_squeeze %dma_start3A_605 : memref<1x40xi32, #tpu.memory_space<vmem>> -> memref<40xi32, #tpu.memory_space<vmem>>
        %dma_start3A_607 = tpu.memref_slice %arg4[%add3A_598] : memref<320000xi32, #tpu.memory_space<hbm>> -> memref<40xi32, #tpu.memory_space<hbm>>
        tpu.enqueue_dma source(%dma_start3A_607 : memref<40xi32, #tpu.memory_space<hbm>>) target(%dma_start3A_606 : memref<40xi32, #tpu.memory_space<vmem>>) target_semaphore(%arg16 : memref<!tpu.dma_semaphore, #tpu.memory_space<semaphore_mem>>)
      } else {
      }
      %dma_wait3A = arith.constant 0 : i32
      %dma_wait3A_86 = tpu.memref_slice %arg3[%dma_wait3A] : memref<320000xi32, #tpu.memory_space<hbm>> -> memref<200xi32, #tpu.memory_space<hbm>>
      %dma_wait3A_87 = arith.constant 0 : i32
      %dma_wait3A_88 = tpu.memref_slice %arg3[%dma_wait3A_87] : memref<320000xi32, #tpu.memory_space<hbm>> -> memref<200xi32, #tpu.memory_space<hbm>>
      tpu.wait_dma2 semaphore(%arg15 : memref<!tpu.dma_semaphore, #tpu.memory_space<semaphore_mem>>) src(%dma_wait3A_88 : memref<200xi32, #tpu.memory_space<hbm>>) dst(%arg10 : memref<200xi32, #tpu.memory_space<vmem>>)
      %dma_wait3A_89 = arith.constant 0 : i32
      %dma_wait3A_90 = arith.constant 0 : i32
      %dma_wait3A_91 = tpu.memref_slice %arg12[%dma_wait3A_89, %dma_wait3A_90] : memref<10x40xi32, #tpu.memory_space<vmem>> -> memref<1x40xi32, #tpu.memory_space<vmem>>
      %dma_wait3A_92 = tpu.memref_squeeze %dma_wait3A_91 : memref<1x40xi32, #tpu.memory_space<vmem>> -> memref<40xi32, #tpu.memory_space<vmem>>
      %dma_wait3A_93 = arith.constant 0 : i32
      %dma_wait3A_94 = tpu.memref_slice %arg4[%dma_wait3A_93] : memref<320000xi32, #tpu.memory_space<hbm>> -> memref<40xi32, #tpu.memory_space<hbm>>
      %dma_wait3A_95 = arith.constant 0 : i32
      %dma_wait3A_96 = tpu.memref_slice %arg12[%dma_wait3A_89, %dma_wait3A_95] : memref<10x40xi32, #tpu.memory_space<vmem>> -> memref<1x40xi32, #tpu.memory_space<vmem>>
      %dma_wait3A_97 = tpu.memref_squeeze %dma_wait3A_96 : memref<1x40xi32, #tpu.memory_space<vmem>> -> memref<40xi32, #tpu.memory_space<vmem>>
      %dma_wait3A_98 = arith.constant 0 : i32
      %dma_wait3A_99 = tpu.memref_slice %arg4[%dma_wait3A_98] : memref<320000xi32, #tpu.memory_space<hbm>> -> memref<40xi32, #tpu.memory_space<hbm>>
      tpu.wait_dma2 semaphore(%arg15 : memref<!tpu.dma_semaphore, #tpu.memory_space<semaphore_mem>>) src(%dma_wait3A_99 : memref<40xi32, #tpu.memory_space<hbm>>) dst(%dma_wait3A_97 : memref<40xi32, #tpu.memory_space<vmem>>)
      %dma_wait3A_100 = arith.constant 1 : i32
      %dma_wait3A_101 = arith.constant 0 : i32
      %dma_wait3A_102 = tpu.memref_slice %arg12[%dma_wait3A_100, %dma_wait3A_101] : memref<10x40xi32, #tpu.memory_space<vmem>> -> memref<1x40xi32, #tpu.memory_space<vmem>>
      %dma_wait3A_103 = tpu.memref_squeeze %dma_wait3A_102 : memref<1x40xi32, #tpu.memory_space<vmem>> -> memref<40xi32, #tpu.memory_space<vmem>>
      %dma_wait3A_104 = arith.constant 0 : i32
      %dma_wait3A_105 = tpu.memref_slice %arg4[%dma_wait3A_104] : memref<320000xi32, #tpu.memory_space<hbm>> -> memref<40xi32, #tpu.memory_space<hbm>>
      %dma_wait3A_106 = arith.constant 0 : i32
      %dma_wait3A_107 = tpu.memref_slice %arg12[%dma_wait3A_100, %dma_wait3A_106] : memref<10x40xi32, #tpu.memory_space<vmem>> -> memref<1x40xi32, #tpu.memory_space<vmem>>
      %dma_wait3A_108 = tpu.memref_squeeze %dma_wait3A_107 : memref<1x40xi32, #tpu.memory_space<vmem>> -> memref<40xi32, #tpu.memory_space<vmem>>
      %dma_wait3A_109 = arith.constant 0 : i32
      %dma_wait3A_110 = tpu.memref_slice %arg4[%dma_wait3A_109] : memref<320000xi32, #tpu.memory_space<hbm>> -> memref<40xi32, #tpu.memory_space<hbm>>
      tpu.wait_dma2 semaphore(%arg15 : memref<!tpu.dma_semaphore, #tpu.memory_space<semaphore_mem>>) src(%dma_wait3A_110 : memref<40xi32, #tpu.memory_space<hbm>>) dst(%dma_wait3A_108 : memref<40xi32, #tpu.memory_space<vmem>>)
      %dma_wait3A_111 = arith.constant 2 : i32
      %dma_wait3A_112 = arith.constant 0 : i32
      %dma_wait3A_113 = tpu.memref_slice %arg12[%dma_wait3A_111, %dma_wait3A_112] : memref<10x40xi32, #tpu.memory_space<vmem>> -> memref<1x40xi32, #tpu.memory_space<vmem>>
      %dma_wait3A_114 = tpu.memref_squeeze %dma_wait3A_113 : memref<1x40xi32, #tpu.memory_space<vmem>> -> memref<40xi32, #tpu.memory_space<vmem>>
      %dma_wait3A_115 = arith.constant 0 : i32
      %dma_wait3A_116 = tpu.memref_slice %arg4[%dma_wait3A_115] : memref<320000xi32, #tpu.memory_space<hbm>> -> memref<40xi32, #tpu.memory_space<hbm>>
      %dma_wait3A_117 = arith.constant 0 : i32
      %dma_wait3A_118 = tpu.memref_slice %arg12[%dma_wait3A_111, %dma_wait3A_117] : memref<10x40xi32, #tpu.memory_space<vmem>> -> memref<1x40xi32, #tpu.memory_space<vmem>>
      %dma_wait3A_119 = tpu.memref_squeeze %dma_wait3A_118 : memref<1x40xi32, #tpu.memory_space<vmem>> -> memref<40xi32, #tpu.memory_space<vmem>>
      %dma_wait3A_120 = arith.constant 0 : i32
      %dma_wait3A_121 = tpu.memref_slice %arg4[%dma_wait3A_120] : memref<320000xi32, #tpu.memory_space<hbm>> -> memref<40xi32, #tpu.memory_space<hbm>>
      tpu.wait_dma2 semaphore(%arg15 : memref<!tpu.dma_semaphore, #tpu.memory_space<semaphore_mem>>) src(%dma_wait3A_121 : memref<40xi32, #tpu.memory_space<hbm>>) dst(%dma_wait3A_119 : memref<40xi32, #tpu.memory_space<vmem>>)
      %dma_wait3A_122 = arith.constant 3 : i32
      %dma_wait3A_123 = arith.constant 0 : i32
      %dma_wait3A_124 = tpu.memref_slice %arg12[%dma_wait3A_122, %dma_wait3A_123] : memref<10x40xi32, #tpu.memory_space<vmem>> -> memref<1x40xi32, #tpu.memory_space<vmem>>
      %dma_wait3A_125 = tpu.memref_squeeze %dma_wait3A_124 : memref<1x40xi32, #tpu.memory_space<vmem>> -> memref<40xi32, #tpu.memory_space<vmem>>
      %dma_wait3A_126 = arith.constant 0 : i32
      %dma_wait3A_127 = tpu.memref_slice %arg4[%dma_wait3A_126] : memref<320000xi32, #tpu.memory_space<hbm>> -> memref<40xi32, #tpu.memory_space<hbm>>
      %dma_wait3A_128 = arith.constant 0 : i32
      %dma_wait3A_129 = tpu.memref_slice %arg12[%dma_wait3A_122, %dma_wait3A_128] : memref<10x40xi32, #tpu.memory_space<vmem>> -> memref<1x40xi32, #tpu.memory_space<vmem>>
      %dma_wait3A_130 = tpu.memref_squeeze %dma_wait3A_129 : memref<1x40xi32, #tpu.memory_space<vmem>> -> memref<40xi32, #tpu.memory_space<vmem>>
      %dma_wait3A_131 = arith.constant 0 : i32
      %dma_wait3A_132 = tpu.memref_slice %arg4[%dma_wait3A_131] : memref<320000xi32, #tpu.memory_space<hbm>> -> memref<40xi32, #tpu.memory_space<hbm>>
      tpu.wait_dma2 semaphore(%arg15 : memref<!tpu.dma_semaphore, #tpu.memory_space<semaphore_mem>>) src(%dma_wait3A_132 : memref<40xi32, #tpu.memory_space<hbm>>) dst(%dma_wait3A_130 : memref<40xi32, #tpu.memory_space<vmem>>)
      %dma_wait3A_133 = arith.constant 4 : i32
      %dma_wait3A_134 = arith.constant 0 : i32
      %dma_wait3A_135 = tpu.memref_slice %arg12[%dma_wait3A_133, %dma_wait3A_134] : memref<10x40xi32, #tpu.memory_space<vmem>> -> memref<1x40xi32, #tpu.memory_space<vmem>>
      %dma_wait3A_136 = tpu.memref_squeeze %dma_wait3A_135 : memref<1x40xi32, #tpu.memory_space<vmem>> -> memref<40xi32, #tpu.memory_space<vmem>>
      %dma_wait3A_137 = arith.constant 0 : i32
      %dma_wait3A_138 = tpu.memref_slice %arg4[%dma_wait3A_137] : memref<320000xi32, #tpu.memory_space<hbm>> -> memref<40xi32, #tpu.memory_space<hbm>>
      %dma_wait3A_139 = arith.constant 0 : i32
      %dma_wait3A_140 = tpu.memref_slice %arg12[%dma_wait3A_133, %dma_wait3A_139] : memref<10x40xi32, #tpu.memory_space<vmem>> -> memref<1x40xi32, #tpu.memory_space<vmem>>
      %dma_wait3A_141 = tpu.memref_squeeze %dma_wait3A_140 : memref<1x40xi32, #tpu.memory_space<vmem>> -> memref<40xi32, #tpu.memory_space<vmem>>
      %dma_wait3A_142 = arith.constant 0 : i32
      %dma_wait3A_143 = tpu.memref_slice %arg4[%dma_wait3A_142] : memref<320000xi32, #tpu.memory_space<hbm>> -> memref<40xi32, #tpu.memory_space<hbm>>
      tpu.wait_dma2 semaphore(%arg15 : memref<!tpu.dma_semaphore, #tpu.memory_space<semaphore_mem>>) src(%dma_wait3A_143 : memref<40xi32, #tpu.memory_space<hbm>>) dst(%dma_wait3A_141 : memref<40xi32, #tpu.memory_space<vmem>>)
      %dma_start3A_144 = arith.constant 0 : i32
      %dma_start3A_145 = arith.constant 0 : i32
      %dma_start3A_146 = tpu.memref_slice %arg2[%dma_start3A_144, %dma_start3A_145] : memref<10000x128xf32, #tpu.memory_space<hbm>> -> memref<10000x128xf32, #tpu.memory_space<hbm>>
      tpu.enqueue_indirect_dma source(%dma_start3A_146 : memref<10000x128xf32, #tpu.memory_space<hbm>>) target(%arg13 : memref<200x128xf32, #tpu.memory_space<vmem>>) offsets(%arg10 : memref<200xi32, #tpu.memory_space<vmem>>) semaphore(%arg17 : memref<!tpu.dma_semaphore, #tpu.memory_space<semaphore_mem>>)
      %dma_wait3A_147 = arith.constant 0 : i32
      %dma_wait3A_148 = arith.constant 0 : i32
      %dma_wait3A_149 = tpu.memref_slice %arg2[%dma_wait3A_147, %dma_wait3A_148] : memref<10000x128xf32, #tpu.memory_space<hbm>> -> memref<10000x128xf32, #tpu.memory_space<hbm>>
      tpu.wait_indirect_dma semaphore(%arg17 : memref<!tpu.dma_semaphore, #tpu.memory_space<semaphore_mem>>) src(%dma_wait3A_149 : memref<10000x128xf32, #tpu.memory_space<hbm>>) dst(%arg13 : memref<200x128xf32, #tpu.memory_space<vmem>>)
      %dma_start3A_150 = arith.constant 0 : i32
      %dma_start3A_151 = arith.constant 0 : i32
      %dma_start3A_152 = arith.constant 0 : i32
      %dma_start3A_153 = tpu.memref_slice %arg13[%dma_start3A_151, %dma_start3A_152] : memref<200x128xf32, #tpu.memory_space<vmem>> -> memref<40x128xf32, #tpu.memory_space<vmem>>
      %dma_start3A_154 = arith.constant 0 : i32
      %dma_start3A_155 = tpu.memref_slice %arg12[%dma_start3A_150, %dma_start3A_154] : memref<10x40xi32, #tpu.memory_space<vmem>> -> memref<1x40xi32, #tpu.memory_space<vmem>>
      %dma_start3A_156 = tpu.memref_squeeze %dma_start3A_155 : memref<1x40xi32, #tpu.memory_space<vmem>> -> memref<40xi32, #tpu.memory_space<vmem>>
      %dma_start3A_157 = arith.constant 0 : i32
      %dma_start3A_158 = arith.constant 0 : i32
      %dma_start3A_159 = tpu.memref_slice %arg14[%dma_start3A_157, %dma_start3A_158] : memref<10000x128xf32, #tpu.memory_space<vmem_shared>> -> memref<10000x128xf32, #tpu.memory_space<vmem_shared>>
      tpu.enqueue_indirect_dma source(%dma_start3A_153 : memref<40x128xf32, #tpu.memory_space<vmem>>) target(%dma_start3A_159 : memref<10000x128xf32, #tpu.memory_space<vmem_shared>>) offsets(%dma_start3A_156 : memref<40xi32, #tpu.memory_space<vmem>>) semaphore(%arg18 : memref<!tpu.dma_semaphore, #tpu.memory_space<semaphore_mem>>) {add = true}
      %dma_start3A_160 = arith.constant 0 : i32
      %dma_start3A_161 = arith.constant 0 : i32
      %dma_start3A_162 = tpu.memref_slice %arg12[%dma_start3A_160, %dma_start3A_161] : memref<10x40xi32, #tpu.memory_space<vmem>> -> memref<1x40xi32, #tpu.memory_space<vmem>>
      %dma_start3A_163 = tpu.memref_squeeze %dma_start3A_162 : memref<1x40xi32, #tpu.memory_space<vmem>> -> memref<40xi32, #tpu.memory_space<vmem>>
      %dma_start3A_164 = arith.constant 0 : i32
      %dma_start3A_165 = tpu.memref_slice %arg21[%dma_start3A_164] : memref<10000xf32, #tpu.memory_space<vmem_shared>> -> memref<10000xf32, #tpu.memory_space<vmem_shared>>
      tpu.enqueue_indirect_dma source(%arg19 : memref<40xf32, #tpu.memory_space<vmem>>) target(%dma_start3A_165 : memref<10000xf32, #tpu.memory_space<vmem_shared>>) offsets(%dma_start3A_163 : memref<40xi32, #tpu.memory_space<vmem>>) semaphore(%arg18 : memref<!tpu.dma_semaphore, #tpu.memory_space<semaphore_mem>>) {add = true}
      %dma_start3A_166 = arith.constant 1 : i32
      %dma_start3A_167 = arith.constant 40 : i32
      %dma_start3A_168 = arith.constant 0 : i32
      %dma_start3A_169 = tpu.memref_slice %arg13[%dma_start3A_167, %dma_start3A_168] : memref<200x128xf32, #tpu.memory_space<vmem>> -> memref<40x128xf32, #tpu.memory_space<vmem>>
      %dma_start3A_170 = arith.constant 0 : i32
      %dma_start3A_171 = tpu.memref_slice %arg12[%dma_start3A_166, %dma_start3A_170] : memref<10x40xi32, #tpu.memory_space<vmem>> -> memref<1x40xi32, #tpu.memory_space<vmem>>
      %dma_start3A_172 = tpu.memref_squeeze %dma_start3A_171 : memref<1x40xi32, #tpu.memory_space<vmem>> -> memref<40xi32, #tpu.memory_space<vmem>>
      %dma_start3A_173 = arith.constant 0 : i32
      %dma_start3A_174 = arith.constant 0 : i32
      %dma_start3A_175 = tpu.memref_slice %arg14[%dma_start3A_173, %dma_start3A_174] : memref<10000x128xf32, #tpu.memory_space<vmem_shared>> -> memref<10000x128xf32, #tpu.memory_space<vmem_shared>>
      tpu.enqueue_indirect_dma source(%dma_start3A_169 : memref<40x128xf32, #tpu.memory_space<vmem>>) target(%dma_start3A_175 : memref<10000x128xf32, #tpu.memory_space<vmem_shared>>) offsets(%dma_start3A_172 : memref<40xi32, #tpu.memory_space<vmem>>) semaphore(%arg18 : memref<!tpu.dma_semaphore, #tpu.memory_space<semaphore_mem>>) {add = true}
      %dma_start3A_176 = arith.constant 1 : i32
      %dma_start3A_177 = arith.constant 0 : i32
      %dma_start3A_178 = tpu.memref_slice %arg12[%dma_start3A_176, %dma_start3A_177] : memref<10x40xi32, #tpu.memory_space<vmem>> -> memref<1x40xi32, #tpu.memory_space<vmem>>
      %dma_start3A_179 = tpu.memref_squeeze %dma_start3A_178 : memref<1x40xi32, #tpu.memory_space<vmem>> -> memref<40xi32, #tpu.memory_space<vmem>>
      %dma_start3A_180 = arith.constant 0 : i32
      %dma_start3A_181 = tpu.memref_slice %arg21[%dma_start3A_180] : memref<10000xf32, #tpu.memory_space<vmem_shared>> -> memref<10000xf32, #tpu.memory_space<vmem_shared>>
      tpu.enqueue_indirect_dma source(%arg19 : memref<40xf32, #tpu.memory_space<vmem>>) target(%dma_start3A_181 : memref<10000xf32, #tpu.memory_space<vmem_shared>>) offsets(%dma_start3A_179 : memref<40xi32, #tpu.memory_space<vmem>>) semaphore(%arg18 : memref<!tpu.dma_semaphore, #tpu.memory_space<semaphore_mem>>) {add = true}
      %dma_start3A_182 = arith.constant 2 : i32
      %dma_start3A_183 = arith.constant 80 : i32
      %dma_start3A_184 = arith.constant 0 : i32
      %dma_start3A_185 = tpu.memref_slice %arg13[%dma_start3A_183, %dma_start3A_184] : memref<200x128xf32, #tpu.memory_space<vmem>> -> memref<40x128xf32, #tpu.memory_space<vmem>>
      %dma_start3A_186 = arith.constant 0 : i32
      %dma_start3A_187 = tpu.memref_slice %arg12[%dma_start3A_182, %dma_start3A_186] : memref<10x40xi32, #tpu.memory_space<vmem>> -> memref<1x40xi32, #tpu.memory_space<vmem>>
      %dma_start3A_188 = tpu.memref_squeeze %dma_start3A_187 : memref<1x40xi32, #tpu.memory_space<vmem>> -> memref<40xi32, #tpu.memory_space<vmem>>
      %dma_start3A_189 = arith.constant 0 : i32
      %dma_start3A_190 = arith.constant 0 : i32
      %dma_start3A_191 = tpu.memref_slice %arg14[%dma_start3A_189, %dma_start3A_190] : memref<10000x128xf32, #tpu.memory_space<vmem_shared>> -> memref<10000x128xf32, #tpu.memory_space<vmem_shared>>
      tpu.enqueue_indirect_dma source(%dma_start3A_185 : memref<40x128xf32, #tpu.memory_space<vmem>>) target(%dma_start3A_191 : memref<10000x128xf32, #tpu.memory_space<vmem_shared>>) offsets(%dma_start3A_188 : memref<40xi32, #tpu.memory_space<vmem>>) semaphore(%arg18 : memref<!tpu.dma_semaphore, #tpu.memory_space<semaphore_mem>>) {add = true}
      %dma_start3A_192 = arith.constant 2 : i32
      %dma_start3A_193 = arith.constant 0 : i32
      %dma_start3A_194 = tpu.memref_slice %arg12[%dma_start3A_192, %dma_start3A_193] : memref<10x40xi32, #tpu.memory_space<vmem>> -> memref<1x40xi32, #tpu.memory_space<vmem>>
      %dma_start3A_195 = tpu.memref_squeeze %dma_start3A_194 : memref<1x40xi32, #tpu.memory_space<vmem>> -> memref<40xi32, #tpu.memory_space<vmem>>
      %dma_start3A_196 = arith.constant 0 : i32
      %dma_start3A_197 = tpu.memref_slice %arg21[%dma_start3A_196] : memref<10000xf32, #tpu.memory_space<vmem_shared>> -> memref<10000xf32, #tpu.memory_space<vmem_shared>>
      tpu.enqueue_indirect_dma source(%arg19 : memref<40xf32, #tpu.memory_space<vmem>>) target(%dma_start3A_197 : memref<10000xf32, #tpu.memory_space<vmem_shared>>) offsets(%dma_start3A_195 : memref<40xi32, #tpu.memory_space<vmem>>) semaphore(%arg18 : memref<!tpu.dma_semaphore, #tpu.memory_space<semaphore_mem>>) {add = true}
      %dma_start3A_198 = arith.constant 3 : i32
      %dma_start3A_199 = arith.constant 120 : i32
      %dma_start3A_200 = arith.constant 0 : i32
      %dma_start3A_201 = tpu.memref_slice %arg13[%dma_start3A_199, %dma_start3A_200] : memref<200x128xf32, #tpu.memory_space<vmem>> -> memref<40x128xf32, #tpu.memory_space<vmem>>
      %dma_start3A_202 = arith.constant 0 : i32
      %dma_start3A_203 = tpu.memref_slice %arg12[%dma_start3A_198, %dma_start3A_202] : memref<10x40xi32, #tpu.memory_space<vmem>> -> memref<1x40xi32, #tpu.memory_space<vmem>>
      %dma_start3A_204 = tpu.memref_squeeze %dma_start3A_203 : memref<1x40xi32, #tpu.memory_space<vmem>> -> memref<40xi32, #tpu.memory_space<vmem>>
      %dma_start3A_205 = arith.constant 0 : i32
      %dma_start3A_206 = arith.constant 0 : i32
      %dma_start3A_207 = tpu.memref_slice %arg14[%dma_start3A_205, %dma_start3A_206] : memref<10000x128xf32, #tpu.memory_space<vmem_shared>> -> memref<10000x128xf32, #tpu.memory_space<vmem_shared>>
      tpu.enqueue_indirect_dma source(%dma_start3A_201 : memref<40x128xf32, #tpu.memory_space<vmem>>) target(%dma_start3A_207 : memref<10000x128xf32, #tpu.memory_space<vmem_shared>>) offsets(%dma_start3A_204 : memref<40xi32, #tpu.memory_space<vmem>>) semaphore(%arg18 : memref<!tpu.dma_semaphore, #tpu.memory_space<semaphore_mem>>) {add = true}
      %dma_start3A_208 = arith.constant 3 : i32
      %dma_start3A_209 = arith.constant 0 : i32
      %dma_start3A_210 = tpu.memref_slice %arg12[%dma_start3A_208, %dma_start3A_209] : memref<10x40xi32, #tpu.memory_space<vmem>> -> memref<1x40xi32, #tpu.memory_space<vmem>>
      %dma_start3A_211 = tpu.memref_squeeze %dma_start3A_210 : memref<1x40xi32, #tpu.memory_space<vmem>> -> memref<40xi32, #tpu.memory_space<vmem>>
      %dma_start3A_212 = arith.constant 0 : i32
      %dma_start3A_213 = tpu.memref_slice %arg21[%dma_start3A_212] : memref<10000xf32, #tpu.memory_space<vmem_shared>> -> memref<10000xf32, #tpu.memory_space<vmem_shared>>
      tpu.enqueue_indirect_dma source(%arg19 : memref<40xf32, #tpu.memory_space<vmem>>) target(%dma_start3A_213 : memref<10000xf32, #tpu.memory_space<vmem_shared>>) offsets(%dma_start3A_211 : memref<40xi32, #tpu.memory_space<vmem>>) semaphore(%arg18 : memref<!tpu.dma_semaphore, #tpu.memory_space<semaphore_mem>>) {add = true}
      %dma_start3A_214 = arith.constant 4 : i32
      %dma_start3A_215 = arith.constant 160 : i32
      %dma_start3A_216 = arith.constant 0 : i32
      %dma_start3A_217 = tpu.memref_slice %arg13[%dma_start3A_215, %dma_start3A_216] : memref<200x128xf32, #tpu.memory_space<vmem>> -> memref<40x128xf32, #tpu.memory_space<vmem>>
      %dma_start3A_218 = arith.constant 0 : i32
      %dma_start3A_219 = tpu.memref_slice %arg12[%dma_start3A_214, %dma_start3A_218] : memref<10x40xi32, #tpu.memory_space<vmem>> -> memref<1x40xi32, #tpu.memory_space<vmem>>
      %dma_start3A_220 = tpu.memref_squeeze %dma_start3A_219 : memref<1x40xi32, #tpu.memory_space<vmem>> -> memref<40xi32, #tpu.memory_space<vmem>>
      %dma_start3A_221 = arith.constant 0 : i32
      %dma_start3A_222 = arith.constant 0 : i32
      %dma_start3A_223 = tpu.memref_slice %arg14[%dma_start3A_221, %dma_start3A_222] : memref<10000x128xf32, #tpu.memory_space<vmem_shared>> -> memref<10000x128xf32, #tpu.memory_space<vmem_shared>>
      tpu.enqueue_indirect_dma source(%dma_start3A_217 : memref<40x128xf32, #tpu.memory_space<vmem>>) target(%dma_start3A_223 : memref<10000x128xf32, #tpu.memory_space<vmem_shared>>) offsets(%dma_start3A_220 : memref<40xi32, #tpu.memory_space<vmem>>) semaphore(%arg18 : memref<!tpu.dma_semaphore, #tpu.memory_space<semaphore_mem>>) {add = true}
      %dma_start3A_224 = arith.constant 4 : i32
      %dma_start3A_225 = arith.constant 0 : i32
      %dma_start3A_226 = tpu.memref_slice %arg12[%dma_start3A_224, %dma_start3A_225] : memref<10x40xi32, #tpu.memory_space<vmem>> -> memref<1x40xi32, #tpu.memory_space<vmem>>
      %dma_start3A_227 = tpu.memref_squeeze %dma_start3A_226 : memref<1x40xi32, #tpu.memory_space<vmem>> -> memref<40xi32, #tpu.memory_space<vmem>>
      %dma_start3A_228 = arith.constant 0 : i32
      %dma_start3A_229 = tpu.memref_slice %arg21[%dma_start3A_228] : memref<10000xf32, #tpu.memory_space<vmem_shared>> -> memref<10000xf32, #tpu.memory_space<vmem_shared>>
      tpu.enqueue_indirect_dma source(%arg19 : memref<40xf32, #tpu.memory_space<vmem>>) target(%dma_start3A_229 : memref<10000xf32, #tpu.memory_space<vmem_shared>>) offsets(%dma_start3A_227 : memref<40xi32, #tpu.memory_space<vmem>>) semaphore(%arg18 : memref<!tpu.dma_semaphore, #tpu.memory_space<semaphore_mem>>) {add = true}
      %dma_wait3A_230 = arith.constant 0 : i32
      %dma_wait3A_231 = arith.constant 0 : i32
      %dma_wait3A_232 = arith.constant 0 : i32
      %dma_wait3A_233 = tpu.memref_slice %arg13[%dma_wait3A_231, %dma_wait3A_232] : memref<200x128xf32, #tpu.memory_space<vmem>> -> memref<40x128xf32, #tpu.memory_space<vmem>>
      %dma_wait3A_234 = arith.constant 0 : i32
      %dma_wait3A_235 = tpu.memref_slice %arg12[%dma_wait3A_230, %dma_wait3A_234] : memref<10x40xi32, #tpu.memory_space<vmem>> -> memref<1x40xi32, #tpu.memory_space<vmem>>
      %dma_wait3A_236 = tpu.memref_squeeze %dma_wait3A_235 : memref<1x40xi32, #tpu.memory_space<vmem>> -> memref<40xi32, #tpu.memory_space<vmem>>
      %dma_wait3A_237 = arith.constant 0 : i32
      %dma_wait3A_238 = arith.constant 0 : i32
      %dma_wait3A_239 = tpu.memref_slice %arg14[%dma_wait3A_237, %dma_wait3A_238] : memref<10000x128xf32, #tpu.memory_space<vmem_shared>> -> memref<10000x128xf32, #tpu.memory_space<vmem_shared>>
      tpu.wait_indirect_dma semaphore(%arg18 : memref<!tpu.dma_semaphore, #tpu.memory_space<semaphore_mem>>) src(%dma_wait3A_233 : memref<40x128xf32, #tpu.memory_space<vmem>>) dst(%dma_wait3A_239 : memref<10000x128xf32, #tpu.memory_space<vmem_shared>>)
      %dma_wait3A_240 = arith.constant 0 : i32
      %dma_wait3A_241 = arith.constant 0 : i32
      %dma_wait3A_242 = tpu.memref_slice %arg12[%dma_wait3A_240, %dma_wait3A_241] : memref<10x40xi32, #tpu.memory_space<vmem>> -> memref<1x40xi32, #tpu.memory_space<vmem>>
      %dma_wait3A_243 = tpu.memref_squeeze %dma_wait3A_242 : memref<1x40xi32, #tpu.memory_space<vmem>> -> memref<40xi32, #tpu.memory_space<vmem>>
      %dma_wait3A_244 = arith.constant 0 : i32
      %dma_wait3A_245 = tpu.memref_slice %arg21[%dma_wait3A_244] : memref<10000xf32, #tpu.memory_space<vmem_shared>> -> memref<10000xf32, #tpu.memory_space<vmem_shared>>
      tpu.wait_indirect_dma semaphore(%arg18 : memref<!tpu.dma_semaphore, #tpu.memory_space<semaphore_mem>>) src(%arg19 : memref<40xf32, #tpu.memory_space<vmem>>) dst(%dma_wait3A_245 : memref<10000xf32, #tpu.memory_space<vmem_shared>>)
      %dma_wait3A_246 = arith.constant 1 : i32
      %dma_wait3A_247 = arith.constant 40 : i32
      %dma_wait3A_248 = arith.constant 0 : i32
      %dma_wait3A_249 = tpu.memref_slice %arg13[%dma_wait3A_247, %dma_wait3A_248] : memref<200x128xf32, #tpu.memory_space<vmem>> -> memref<40x128xf32, #tpu.memory_space<vmem>>
      %dma_wait3A_250 = arith.constant 0 : i32
      %dma_wait3A_251 = tpu.memref_slice %arg12[%dma_wait3A_246, %dma_wait3A_250] : memref<10x40xi32, #tpu.memory_space<vmem>> -> memref<1x40xi32, #tpu.memory_space<vmem>>
      %dma_wait3A_252 = tpu.memref_squeeze %dma_wait3A_251 : memref<1x40xi32, #tpu.memory_space<vmem>> -> memref<40xi32, #tpu.memory_space<vmem>>
      %dma_wait3A_253 = arith.constant 0 : i32
      %dma_wait3A_254 = arith.constant 0 : i32
      %dma_wait3A_255 = tpu.memref_slice %arg14[%dma_wait3A_253, %dma_wait3A_254] : memref<10000x128xf32, #tpu.memory_space<vmem_shared>> -> memref<10000x128xf32, #tpu.memory_space<vmem_shared>>
      tpu.wait_indirect_dma semaphore(%arg18 : memref<!tpu.dma_semaphore, #tpu.memory_space<semaphore_mem>>) src(%dma_wait3A_249 : memref<40x128xf32, #tpu.memory_space<vmem>>) dst(%dma_wait3A_255 : memref<10000x128xf32, #tpu.memory_space<vmem_shared>>)
      %dma_wait3A_256 = arith.constant 1 : i32
      %dma_wait3A_257 = arith.constant 0 : i32
      %dma_wait3A_258 = tpu.memref_slice %arg12[%dma_wait3A_256, %dma_wait3A_257] : memref<10x40xi32, #tpu.memory_space<vmem>> -> memref<1x40xi32, #tpu.memory_space<vmem>>
      %dma_wait3A_259 = tpu.memref_squeeze %dma_wait3A_258 : memref<1x40xi32, #tpu.memory_space<vmem>> -> memref<40xi32, #tpu.memory_space<vmem>>
      %dma_wait3A_260 = arith.constant 0 : i32
      %dma_wait3A_261 = tpu.memref_slice %arg21[%dma_wait3A_260] : memref<10000xf32, #tpu.memory_space<vmem_shared>> -> memref<10000xf32, #tpu.memory_space<vmem_shared>>
      tpu.wait_indirect_dma semaphore(%arg18 : memref<!tpu.dma_semaphore, #tpu.memory_space<semaphore_mem>>) src(%arg19 : memref<40xf32, #tpu.memory_space<vmem>>) dst(%dma_wait3A_261 : memref<10000xf32, #tpu.memory_space<vmem_shared>>)
      %dma_wait3A_262 = arith.constant 2 : i32
      %dma_wait3A_263 = arith.constant 80 : i32
      %dma_wait3A_264 = arith.constant 0 : i32
      %dma_wait3A_265 = tpu.memref_slice %arg13[%dma_wait3A_263, %dma_wait3A_264] : memref<200x128xf32, #tpu.memory_space<vmem>> -> memref<40x128xf32, #tpu.memory_space<vmem>>
      %dma_wait3A_266 = arith.constant 0 : i32
      %dma_wait3A_267 = tpu.memref_slice %arg12[%dma_wait3A_262, %dma_wait3A_266] : memref<10x40xi32, #tpu.memory_space<vmem>> -> memref<1x40xi32, #tpu.memory_space<vmem>>
      %dma_wait3A_268 = tpu.memref_squeeze %dma_wait3A_267 : memref<1x40xi32, #tpu.memory_space<vmem>> -> memref<40xi32, #tpu.memory_space<vmem>>
      %dma_wait3A_269 = arith.constant 0 : i32
      %dma_wait3A_270 = arith.constant 0 : i32
      %dma_wait3A_271 = tpu.memref_slice %arg14[%dma_wait3A_269, %dma_wait3A_270] : memref<10000x128xf32, #tpu.memory_space<vmem_shared>> -> memref<10000x128xf32, #tpu.memory_space<vmem_shared>>
      tpu.wait_indirect_dma semaphore(%arg18 : memref<!tpu.dma_semaphore, #tpu.memory_space<semaphore_mem>>) src(%dma_wait3A_265 : memref<40x128xf32, #tpu.memory_space<vmem>>) dst(%dma_wait3A_271 : memref<10000x128xf32, #tpu.memory_space<vmem_shared>>)
      %dma_wait3A_272 = arith.constant 2 : i32
      %dma_wait3A_273 = arith.constant 0 : i32
      %dma_wait3A_274 = tpu.memref_slice %arg12[%dma_wait3A_272, %dma_wait3A_273] : memref<10x40xi32, #tpu.memory_space<vmem>> -> memref<1x40xi32, #tpu.memory_space<vmem>>
      %dma_wait3A_275 = tpu.memref_squeeze %dma_wait3A_274 : memref<1x40xi32, #tpu.memory_space<vmem>> -> memref<40xi32, #tpu.memory_space<vmem>>
      %dma_wait3A_276 = arith.constant 0 : i32
      %dma_wait3A_277 = tpu.memref_slice %arg21[%dma_wait3A_276] : memref<10000xf32, #tpu.memory_space<vmem_shared>> -> memref<10000xf32, #tpu.memory_space<vmem_shared>>
      tpu.wait_indirect_dma semaphore(%arg18 : memref<!tpu.dma_semaphore, #tpu.memory_space<semaphore_mem>>) src(%arg19 : memref<40xf32, #tpu.memory_space<vmem>>) dst(%dma_wait3A_277 : memref<10000xf32, #tpu.memory_space<vmem_shared>>)
      %dma_wait3A_278 = arith.constant 3 : i32
      %dma_wait3A_279 = arith.constant 120 : i32
      %dma_wait3A_280 = arith.constant 0 : i32
      %dma_wait3A_281 = tpu.memref_slice %arg13[%dma_wait3A_279, %dma_wait3A_280] : memref<200x128xf32, #tpu.memory_space<vmem>> -> memref<40x128xf32, #tpu.memory_space<vmem>>
      %dma_wait3A_282 = arith.constant 0 : i32
      %dma_wait3A_283 = tpu.memref_slice %arg12[%dma_wait3A_278, %dma_wait3A_282] : memref<10x40xi32, #tpu.memory_space<vmem>> -> memref<1x40xi32, #tpu.memory_space<vmem>>
      %dma_wait3A_284 = tpu.memref_squeeze %dma_wait3A_283 : memref<1x40xi32, #tpu.memory_space<vmem>> -> memref<40xi32, #tpu.memory_space<vmem>>
      %dma_wait3A_285 = arith.constant 0 : i32
      %dma_wait3A_286 = arith.constant 0 : i32
      %dma_wait3A_287 = tpu.memref_slice %arg14[%dma_wait3A_285, %dma_wait3A_286] : memref<10000x128xf32, #tpu.memory_space<vmem_shared>> -> memref<10000x128xf32, #tpu.memory_space<vmem_shared>>
      tpu.wait_indirect_dma semaphore(%arg18 : memref<!tpu.dma_semaphore, #tpu.memory_space<semaphore_mem>>) src(%dma_wait3A_281 : memref<40x128xf32, #tpu.memory_space<vmem>>) dst(%dma_wait3A_287 : memref<10000x128xf32, #tpu.memory_space<vmem_shared>>)
      %dma_wait3A_288 = arith.constant 3 : i32
      %dma_wait3A_289 = arith.constant 0 : i32
      %dma_wait3A_290 = tpu.memref_slice %arg12[%dma_wait3A_288, %dma_wait3A_289] : memref<10x40xi32, #tpu.memory_space<vmem>> -> memref<1x40xi32, #tpu.memory_space<vmem>>
      %dma_wait3A_291 = tpu.memref_squeeze %dma_wait3A_290 : memref<1x40xi32, #tpu.memory_space<vmem>> -> memref<40xi32, #tpu.memory_space<vmem>>
      %dma_wait3A_292 = arith.constant 0 : i32
      %dma_wait3A_293 = tpu.memref_slice %arg21[%dma_wait3A_292] : memref<10000xf32, #tpu.memory_space<vmem_shared>> -> memref<10000xf32, #tpu.memory_space<vmem_shared>>
      tpu.wait_indirect_dma semaphore(%arg18 : memref<!tpu.dma_semaphore, #tpu.memory_space<semaphore_mem>>) src(%arg19 : memref<40xf32, #tpu.memory_space<vmem>>) dst(%dma_wait3A_293 : memref<10000xf32, #tpu.memory_space<vmem_shared>>)
      %dma_wait3A_294 = arith.constant 4 : i32
      %dma_wait3A_295 = arith.constant 160 : i32
      %dma_wait3A_296 = arith.constant 0 : i32
      %dma_wait3A_297 = tpu.memref_slice %arg13[%dma_wait3A_295, %dma_wait3A_296] : memref<200x128xf32, #tpu.memory_space<vmem>> -> memref<40x128xf32, #tpu.memory_space<vmem>>
      %dma_wait3A_298 = arith.constant 0 : i32
      %dma_wait3A_299 = tpu.memref_slice %arg12[%dma_wait3A_294, %dma_wait3A_298] : memref<10x40xi32, #tpu.memory_space<vmem>> -> memref<1x40xi32, #tpu.memory_space<vmem>>
      %dma_wait3A_300 = tpu.memref_squeeze %dma_wait3A_299 : memref<1x40xi32, #tpu.memory_space<vmem>> -> memref<40xi32, #tpu.memory_space<vmem>>
      %dma_wait3A_301 = arith.constant 0 : i32
      %dma_wait3A_302 = arith.constant 0 : i32
      %dma_wait3A_303 = tpu.memref_slice %arg14[%dma_wait3A_301, %dma_wait3A_302] : memref<10000x128xf32, #tpu.memory_space<vmem_shared>> -> memref<10000x128xf32, #tpu.memory_space<vmem_shared>>
      tpu.wait_indirect_dma semaphore(%arg18 : memref<!tpu.dma_semaphore, #tpu.memory_space<semaphore_mem>>) src(%dma_wait3A_297 : memref<40x128xf32, #tpu.memory_space<vmem>>) dst(%dma_wait3A_303 : memref<10000x128xf32, #tpu.memory_space<vmem_shared>>)
      %dma_wait3A_304 = arith.constant 4 : i32
      %dma_wait3A_305 = arith.constant 0 : i32
      %dma_wait3A_306 = tpu.memref_slice %arg12[%dma_wait3A_304, %dma_wait3A_305] : memref<10x40xi32, #tpu.memory_space<vmem>> -> memref<1x40xi32, #tpu.memory_space<vmem>>
      %dma_wait3A_307 = tpu.memref_squeeze %dma_wait3A_306 : memref<1x40xi32, #tpu.memory_space<vmem>> -> memref<40xi32, #tpu.memory_space<vmem>>
      %dma_wait3A_308 = arith.constant 0 : i32
      %dma_wait3A_309 = tpu.memref_slice %arg21[%dma_wait3A_308] : memref<10000xf32, #tpu.memory_space<vmem_shared>> -> memref<10000xf32, #tpu.memory_space<vmem_shared>>
      tpu.wait_indirect_dma semaphore(%arg18 : memref<!tpu.dma_semaphore, #tpu.memory_space<semaphore_mem>>) src(%arg19 : memref<40xf32, #tpu.memory_space<vmem>>) dst(%dma_wait3A_309 : memref<10000xf32, #tpu.memory_space<vmem_shared>>)
      %mul3A_310 = arith.constant 2 : i32
      %mul3A_311 = arith.muli %scan3A_74, %mul3A_310 : i32
      %add3A_312 = arith.constant 1 : i32
      %add3A_313 = arith.addi %mul3A_311, %add3A_312 : i32
      %add3A_314 = arith.constant 1 : i32
      %add3A_315 = arith.addi %add3A_313, %add3A_314 : i32
      %lt3A_316 = arith.constant 50 : i32
      %lt3A_317 = arith.cmpi slt, %add3A_315, %lt3A_316 : i32
      %convert_element_type3A_318 = arith.extui %lt3A_317 : i1 to i32
      %cond3A_319 = arith.constant 0 : i32
      %cond3A_320 = arith.cmpi ne, %convert_element_type3A_318, %cond3A_319 : i32
      scf.if %cond3A_320 {
        %add3A_546 = arith.constant 1 : i32
        %add3A_547 = arith.addi %add3A_313, %add3A_546 : i32
        %mul3A_548 = arith.constant 200 : i32
        %mul3A_549 = arith.muli %add3A_547, %mul3A_548 : i32
        %add3A_550 = arith.addi %mul3A_2, %mul3A_549 : i32
        %dma_start3A_551 = tpu.memref_slice %arg3[%add3A_550] : memref<320000xi32, #tpu.memory_space<hbm>> -> memref<200xi32, #tpu.memory_space<hbm>>
        %dma_start3A_552 = tpu.memref_slice %arg3[%add3A_550] : memref<320000xi32, #tpu.memory_space<hbm>> -> memref<200xi32, #tpu.memory_space<hbm>>
        tpu.enqueue_dma source(%dma_start3A_552 : memref<200xi32, #tpu.memory_space<hbm>>) target(%arg10 : memref<200xi32, #tpu.memory_space<vmem>>) target_semaphore(%arg15 : memref<!tpu.dma_semaphore, #tpu.memory_space<semaphore_mem>>)
        %add3A_553 = arith.constant 0 : i32
        %add3A_554 = arith.addi %add3A_550, %add3A_553 : i32
        %dma_start3A_555 = arith.constant 0 : i32
        %dma_start3A_556 = arith.constant 0 : i32
        %dma_start3A_557 = tpu.memref_slice %arg12[%dma_start3A_555, %dma_start3A_556] : memref<10x40xi32, #tpu.memory_space<vmem>> -> memref<1x40xi32, #tpu.memory_space<vmem>>
        %dma_start3A_558 = tpu.memref_squeeze %dma_start3A_557 : memref<1x40xi32, #tpu.memory_space<vmem>> -> memref<40xi32, #tpu.memory_space<vmem>>
        %dma_start3A_559 = tpu.memref_slice %arg4[%add3A_554] : memref<320000xi32, #tpu.memory_space<hbm>> -> memref<40xi32, #tpu.memory_space<hbm>>
        %dma_start3A_560 = arith.constant 0 : i32
        %dma_start3A_561 = tpu.memref_slice %arg12[%dma_start3A_555, %dma_start3A_560] : memref<10x40xi32, #tpu.memory_space<vmem>> -> memref<1x40xi32, #tpu.memory_space<vmem>>
        %dma_start3A_562 = tpu.memref_squeeze %dma_start3A_561 : memref<1x40xi32, #tpu.memory_space<vmem>> -> memref<40xi32, #tpu.memory_space<vmem>>
        %dma_start3A_563 = tpu.memref_slice %arg4[%add3A_554] : memref<320000xi32, #tpu.memory_space<hbm>> -> memref<40xi32, #tpu.memory_space<hbm>>
        tpu.enqueue_dma source(%dma_start3A_563 : memref<40xi32, #tpu.memory_space<hbm>>) target(%dma_start3A_562 : memref<40xi32, #tpu.memory_space<vmem>>) target_semaphore(%arg15 : memref<!tpu.dma_semaphore, #tpu.memory_space<semaphore_mem>>)
        %add3A_564 = arith.constant 40 : i32
        %add3A_565 = arith.addi %add3A_550, %add3A_564 : i32
        %dma_start3A_566 = arith.constant 1 : i32
        %dma_start3A_567 = arith.constant 0 : i32
        %dma_start3A_568 = tpu.memref_slice %arg12[%dma_start3A_566, %dma_start3A_567] : memref<10x40xi32, #tpu.memory_space<vmem>> -> memref<1x40xi32, #tpu.memory_space<vmem>>
        %dma_start3A_569 = tpu.memref_squeeze %dma_start3A_568 : memref<1x40xi32, #tpu.memory_space<vmem>> -> memref<40xi32, #tpu.memory_space<vmem>>
        %dma_start3A_570 = tpu.memref_slice %arg4[%add3A_565] : memref<320000xi32, #tpu.memory_space<hbm>> -> memref<40xi32, #tpu.memory_space<hbm>>
        %dma_start3A_571 = arith.constant 0 : i32
        %dma_start3A_572 = tpu.memref_slice %arg12[%dma_start3A_566, %dma_start3A_571] : memref<10x40xi32, #tpu.memory_space<vmem>> -> memref<1x40xi32, #tpu.memory_space<vmem>>
        %dma_start3A_573 = tpu.memref_squeeze %dma_start3A_572 : memref<1x40xi32, #tpu.memory_space<vmem>> -> memref<40xi32, #tpu.memory_space<vmem>>
        %dma_start3A_574 = tpu.memref_slice %arg4[%add3A_565] : memref<320000xi32, #tpu.memory_space<hbm>> -> memref<40xi32, #tpu.memory_space<hbm>>
        tpu.enqueue_dma source(%dma_start3A_574 : memref<40xi32, #tpu.memory_space<hbm>>) target(%dma_start3A_573 : memref<40xi32, #tpu.memory_space<vmem>>) target_semaphore(%arg15 : memref<!tpu.dma_semaphore, #tpu.memory_space<semaphore_mem>>)
        %add3A_575 = arith.constant 80 : i32
        %add3A_576 = arith.addi %add3A_550, %add3A_575 : i32
        %dma_start3A_577 = arith.constant 2 : i32
        %dma_start3A_578 = arith.constant 0 : i32
        %dma_start3A_579 = tpu.memref_slice %arg12[%dma_start3A_577, %dma_start3A_578] : memref<10x40xi32, #tpu.memory_space<vmem>> -> memref<1x40xi32, #tpu.memory_space<vmem>>
        %dma_start3A_580 = tpu.memref_squeeze %dma_start3A_579 : memref<1x40xi32, #tpu.memory_space<vmem>> -> memref<40xi32, #tpu.memory_space<vmem>>
        %dma_start3A_581 = tpu.memref_slice %arg4[%add3A_576] : memref<320000xi32, #tpu.memory_space<hbm>> -> memref<40xi32, #tpu.memory_space<hbm>>
        %dma_start3A_582 = arith.constant 0 : i32
        %dma_start3A_583 = tpu.memref_slice %arg12[%dma_start3A_577, %dma_start3A_582] : memref<10x40xi32, #tpu.memory_space<vmem>> -> memref<1x40xi32, #tpu.memory_space<vmem>>
        %dma_start3A_584 = tpu.memref_squeeze %dma_start3A_583 : memref<1x40xi32, #tpu.memory_space<vmem>> -> memref<40xi32, #tpu.memory_space<vmem>>
        %dma_start3A_585 = tpu.memref_slice %arg4[%add3A_576] : memref<320000xi32, #tpu.memory_space<hbm>> -> memref<40xi32, #tpu.memory_space<hbm>>
        tpu.enqueue_dma source(%dma_start3A_585 : memref<40xi32, #tpu.memory_space<hbm>>) target(%dma_start3A_584 : memref<40xi32, #tpu.memory_space<vmem>>) target_semaphore(%arg15 : memref<!tpu.dma_semaphore, #tpu.memory_space<semaphore_mem>>)
        %add3A_586 = arith.constant 120 : i32
        %add3A_587 = arith.addi %add3A_550, %add3A_586 : i32
        %dma_start3A_588 = arith.constant 3 : i32
        %dma_start3A_589 = arith.constant 0 : i32
        %dma_start3A_590 = tpu.memref_slice %arg12[%dma_start3A_588, %dma_start3A_589] : memref<10x40xi32, #tpu.memory_space<vmem>> -> memref<1x40xi32, #tpu.memory_space<vmem>>
        %dma_start3A_591 = tpu.memref_squeeze %dma_start3A_590 : memref<1x40xi32, #tpu.memory_space<vmem>> -> memref<40xi32, #tpu.memory_space<vmem>>
        %dma_start3A_592 = tpu.memref_slice %arg4[%add3A_587] : memref<320000xi32, #tpu.memory_space<hbm>> -> memref<40xi32, #tpu.memory_space<hbm>>
        %dma_start3A_593 = arith.constant 0 : i32
        %dma_start3A_594 = tpu.memref_slice %arg12[%dma_start3A_588, %dma_start3A_593] : memref<10x40xi32, #tpu.memory_space<vmem>> -> memref<1x40xi32, #tpu.memory_space<vmem>>
        %dma_start3A_595 = tpu.memref_squeeze %dma_start3A_594 : memref<1x40xi32, #tpu.memory_space<vmem>> -> memref<40xi32, #tpu.memory_space<vmem>>
        %dma_start3A_596 = tpu.memref_slice %arg4[%add3A_587] : memref<320000xi32, #tpu.memory_space<hbm>> -> memref<40xi32, #tpu.memory_space<hbm>>
        tpu.enqueue_dma source(%dma_start3A_596 : memref<40xi32, #tpu.memory_space<hbm>>) target(%dma_start3A_595 : memref<40xi32, #tpu.memory_space<vmem>>) target_semaphore(%arg15 : memref<!tpu.dma_semaphore, #tpu.memory_space<semaphore_mem>>)
        %add3A_597 = arith.constant 160 : i32
        %add3A_598 = arith.addi %add3A_550, %add3A_597 : i32
        %dma_start3A_599 = arith.constant 4 : i32
        %dma_start3A_600 = arith.constant 0 : i32
        %dma_start3A_601 = tpu.memref_slice %arg12[%dma_start3A_599, %dma_start3A_600] : memref<10x40xi32, #tpu.memory_space<vmem>> -> memref<1x40xi32, #tpu.memory_space<vmem>>
        %dma_start3A_602 = tpu.memref_squeeze %dma_start3A_601 : memref<1x40xi32, #tpu.memory_space<vmem>> -> memref<40xi32, #tpu.memory_space<vmem>>
        %dma_start3A_603 = tpu.memref_slice %arg4[%add3A_598] : memref<320000xi32, #tpu.memory_space<hbm>> -> memref<40xi32, #tpu.memory_space<hbm>>
        %dma_start3A_604 = arith.constant 0 : i32
        %dma_start3A_605 = tpu.memref_slice %arg12[%dma_start3A_599, %dma_start3A_604] : memref<10x40xi32, #tpu.memory_space<vmem>> -> memref<1x40xi32, #tpu.memory_space<vmem>>
        %dma_start3A_606 = tpu.memref_squeeze %dma_start3A_605 : memref<1x40xi32, #tpu.memory_space<vmem>> -> memref<40xi32, #tpu.memory_space<vmem>>
        %dma_start3A_607 = tpu.memref_slice %arg4[%add3A_598] : memref<320000xi32, #tpu.memory_space<hbm>> -> memref<40xi32, #tpu.memory_space<hbm>>
        tpu.enqueue_dma source(%dma_start3A_607 : memref<40xi32, #tpu.memory_space<hbm>>) target(%dma_start3A_606 : memref<40xi32, #tpu.memory_space<vmem>>) target_semaphore(%arg15 : memref<!tpu.dma_semaphore, #tpu.memory_space<semaphore_mem>>)
      } else {
      }
      %dma_wait3A_321 = arith.constant 0 : i32
      %dma_wait3A_322 = tpu.memref_slice %arg3[%dma_wait3A_321] : memref<320000xi32, #tpu.memory_space<hbm>> -> memref<200xi32, #tpu.memory_space<hbm>>
      %dma_wait3A_323 = arith.constant 0 : i32
      %dma_wait3A_324 = tpu.memref_slice %arg3[%dma_wait3A_323] : memref<320000xi32, #tpu.memory_space<hbm>> -> memref<200xi32, #tpu.memory_space<hbm>>
      tpu.wait_dma2 semaphore(%arg16 : memref<!tpu.dma_semaphore, #tpu.memory_space<semaphore_mem>>) src(%dma_wait3A_324 : memref<200xi32, #tpu.memory_space<hbm>>) dst(%arg11 : memref<200xi32, #tpu.memory_space<vmem>>)
      %dma_wait3A_325 = arith.constant 5 : i32
      %dma_wait3A_326 = arith.constant 0 : i32
      %dma_wait3A_327 = tpu.memref_slice %arg12[%dma_wait3A_325, %dma_wait3A_326] : memref<10x40xi32, #tpu.memory_space<vmem>> -> memref<1x40xi32, #tpu.memory_space<vmem>>
      %dma_wait3A_328 = tpu.memref_squeeze %dma_wait3A_327 : memref<1x40xi32, #tpu.memory_space<vmem>> -> memref<40xi32, #tpu.memory_space<vmem>>
      %dma_wait3A_329 = arith.constant 0 : i32
      %dma_wait3A_330 = tpu.memref_slice %arg4[%dma_wait3A_329] : memref<320000xi32, #tpu.memory_space<hbm>> -> memref<40xi32, #tpu.memory_space<hbm>>
      %dma_wait3A_331 = arith.constant 0 : i32
      %dma_wait3A_332 = tpu.memref_slice %arg12[%dma_wait3A_325, %dma_wait3A_331] : memref<10x40xi32, #tpu.memory_space<vmem>> -> memref<1x40xi32, #tpu.memory_space<vmem>>
      %dma_wait3A_333 = tpu.memref_squeeze %dma_wait3A_332 : memref<1x40xi32, #tpu.memory_space<vmem>> -> memref<40xi32, #tpu.memory_space<vmem>>
      %dma_wait3A_334 = arith.constant 0 : i32
      %dma_wait3A_335 = tpu.memref_slice %arg4[%dma_wait3A_334] : memref<320000xi32, #tpu.memory_space<hbm>> -> memref<40xi32, #tpu.memory_space<hbm>>
      tpu.wait_dma2 semaphore(%arg16 : memref<!tpu.dma_semaphore, #tpu.memory_space<semaphore_mem>>) src(%dma_wait3A_335 : memref<40xi32, #tpu.memory_space<hbm>>) dst(%dma_wait3A_333 : memref<40xi32, #tpu.memory_space<vmem>>)
      %dma_wait3A_336 = arith.constant 6 : i32
      %dma_wait3A_337 = arith.constant 0 : i32
      %dma_wait3A_338 = tpu.memref_slice %arg12[%dma_wait3A_336, %dma_wait3A_337] : memref<10x40xi32, #tpu.memory_space<vmem>> -> memref<1x40xi32, #tpu.memory_space<vmem>>
      %dma_wait3A_339 = tpu.memref_squeeze %dma_wait3A_338 : memref<1x40xi32, #tpu.memory_space<vmem>> -> memref<40xi32, #tpu.memory_space<vmem>>
      %dma_wait3A_340 = arith.constant 0 : i32
      %dma_wait3A_341 = tpu.memref_slice %arg4[%dma_wait3A_340] : memref<320000xi32, #tpu.memory_space<hbm>> -> memref<40xi32, #tpu.memory_space<hbm>>
      %dma_wait3A_342 = arith.constant 0 : i32
      %dma_wait3A_343 = tpu.memref_slice %arg12[%dma_wait3A_336, %dma_wait3A_342] : memref<10x40xi32, #tpu.memory_space<vmem>> -> memref<1x40xi32, #tpu.memory_space<vmem>>
      %dma_wait3A_344 = tpu.memref_squeeze %dma_wait3A_343 : memref<1x40xi32, #tpu.memory_space<vmem>> -> memref<40xi32, #tpu.memory_space<vmem>>
      %dma_wait3A_345 = arith.constant 0 : i32
      %dma_wait3A_346 = tpu.memref_slice %arg4[%dma_wait3A_345] : memref<320000xi32, #tpu.memory_space<hbm>> -> memref<40xi32, #tpu.memory_space<hbm>>
      tpu.wait_dma2 semaphore(%arg16 : memref<!tpu.dma_semaphore, #tpu.memory_space<semaphore_mem>>) src(%dma_wait3A_346 : memref<40xi32, #tpu.memory_space<hbm>>) dst(%dma_wait3A_344 : memref<40xi32, #tpu.memory_space<vmem>>)
      %dma_wait3A_347 = arith.constant 7 : i32
      %dma_wait3A_348 = arith.constant 0 : i32
      %dma_wait3A_349 = tpu.memref_slice %arg12[%dma_wait3A_347, %dma_wait3A_348] : memref<10x40xi32, #tpu.memory_space<vmem>> -> memref<1x40xi32, #tpu.memory_space<vmem>>
      %dma_wait3A_350 = tpu.memref_squeeze %dma_wait3A_349 : memref<1x40xi32, #tpu.memory_space<vmem>> -> memref<40xi32, #tpu.memory_space<vmem>>
      %dma_wait3A_351 = arith.constant 0 : i32
      %dma_wait3A_352 = tpu.memref_slice %arg4[%dma_wait3A_351] : memref<320000xi32, #tpu.memory_space<hbm>> -> memref<40xi32, #tpu.memory_space<hbm>>
      %dma_wait3A_353 = arith.constant 0 : i32
      %dma_wait3A_354 = tpu.memref_slice %arg12[%dma_wait3A_347, %dma_wait3A_353] : memref<10x40xi32, #tpu.memory_space<vmem>> -> memref<1x40xi32, #tpu.memory_space<vmem>>
      %dma_wait3A_355 = tpu.memref_squeeze %dma_wait3A_354 : memref<1x40xi32, #tpu.memory_space<vmem>> -> memref<40xi32, #tpu.memory_space<vmem>>
      %dma_wait3A_356 = arith.constant 0 : i32
      %dma_wait3A_357 = tpu.memref_slice %arg4[%dma_wait3A_356] : memref<320000xi32, #tpu.memory_space<hbm>> -> memref<40xi32, #tpu.memory_space<hbm>>
      tpu.wait_dma2 semaphore(%arg16 : memref<!tpu.dma_semaphore, #tpu.memory_space<semaphore_mem>>) src(%dma_wait3A_357 : memref<40xi32, #tpu.memory_space<hbm>>) dst(%dma_wait3A_355 : memref<40xi32, #tpu.memory_space<vmem>>)
      %dma_wait3A_358 = arith.constant 8 : i32
      %dma_wait3A_359 = arith.constant 0 : i32
      %dma_wait3A_360 = tpu.memref_slice %arg12[%dma_wait3A_358, %dma_wait3A_359] : memref<10x40xi32, #tpu.memory_space<vmem>> -> memref<1x40xi32, #tpu.memory_space<vmem>>
      %dma_wait3A_361 = tpu.memref_squeeze %dma_wait3A_360 : memref<1x40xi32, #tpu.memory_space<vmem>> -> memref<40xi32, #tpu.memory_space<vmem>>
      %dma_wait3A_362 = arith.constant 0 : i32
      %dma_wait3A_363 = tpu.memref_slice %arg4[%dma_wait3A_362] : memref<320000xi32, #tpu.memory_space<hbm>> -> memref<40xi32, #tpu.memory_space<hbm>>
      %dma_wait3A_364 = arith.constant 0 : i32
      %dma_wait3A_365 = tpu.memref_slice %arg12[%dma_wait3A_358, %dma_wait3A_364] : memref<10x40xi32, #tpu.memory_space<vmem>> -> memref<1x40xi32, #tpu.memory_space<vmem>>
      %dma_wait3A_366 = tpu.memref_squeeze %dma_wait3A_365 : memref<1x40xi32, #tpu.memory_space<vmem>> -> memref<40xi32, #tpu.memory_space<vmem>>
      %dma_wait3A_367 = arith.constant 0 : i32
      %dma_wait3A_368 = tpu.memref_slice %arg4[%dma_wait3A_367] : memref<320000xi32, #tpu.memory_space<hbm>> -> memref<40xi32, #tpu.memory_space<hbm>>
      tpu.wait_dma2 semaphore(%arg16 : memref<!tpu.dma_semaphore, #tpu.memory_space<semaphore_mem>>) src(%dma_wait3A_368 : memref<40xi32, #tpu.memory_space<hbm>>) dst(%dma_wait3A_366 : memref<40xi32, #tpu.memory_space<vmem>>)
      %dma_wait3A_369 = arith.constant 9 : i32
      %dma_wait3A_370 = arith.constant 0 : i32
      %dma_wait3A_371 = tpu.memref_slice %arg12[%dma_wait3A_369, %dma_wait3A_370] : memref<10x40xi32, #tpu.memory_space<vmem>> -> memref<1x40xi32, #tpu.memory_space<vmem>>
      %dma_wait3A_372 = tpu.memref_squeeze %dma_wait3A_371 : memref<1x40xi32, #tpu.memory_space<vmem>> -> memref<40xi32, #tpu.memory_space<vmem>>
      %dma_wait3A_373 = arith.constant 0 : i32
      %dma_wait3A_374 = tpu.memref_slice %arg4[%dma_wait3A_373] : memref<320000xi32, #tpu.memory_space<hbm>> -> memref<40xi32, #tpu.memory_space<hbm>>
      %dma_wait3A_375 = arith.constant 0 : i32
      %dma_wait3A_376 = tpu.memref_slice %arg12[%dma_wait3A_369, %dma_wait3A_375] : memref<10x40xi32, #tpu.memory_space<vmem>> -> memref<1x40xi32, #tpu.memory_space<vmem>>
      %dma_wait3A_377 = tpu.memref_squeeze %dma_wait3A_376 : memref<1x40xi32, #tpu.memory_space<vmem>> -> memref<40xi32, #tpu.memory_space<vmem>>
      %dma_wait3A_378 = arith.constant 0 : i32
      %dma_wait3A_379 = tpu.memref_slice %arg4[%dma_wait3A_378] : memref<320000xi32, #tpu.memory_space<hbm>> -> memref<40xi32, #tpu.memory_space<hbm>>
      tpu.wait_dma2 semaphore(%arg16 : memref<!tpu.dma_semaphore, #tpu.memory_space<semaphore_mem>>) src(%dma_wait3A_379 : memref<40xi32, #tpu.memory_space<hbm>>) dst(%dma_wait3A_377 : memref<40xi32, #tpu.memory_space<vmem>>)
      %dma_start3A_380 = arith.constant 0 : i32
      %dma_start3A_381 = arith.constant 0 : i32
      %dma_start3A_382 = tpu.memref_slice %arg2[%dma_start3A_380, %dma_start3A_381] : memref<10000x128xf32, #tpu.memory_space<hbm>> -> memref<10000x128xf32, #tpu.memory_space<hbm>>
      tpu.enqueue_indirect_dma source(%dma_start3A_382 : memref<10000x128xf32, #tpu.memory_space<hbm>>) target(%arg13 : memref<200x128xf32, #tpu.memory_space<vmem>>) offsets(%arg11 : memref<200xi32, #tpu.memory_space<vmem>>) semaphore(%arg17 : memref<!tpu.dma_semaphore, #tpu.memory_space<semaphore_mem>>)
      %dma_wait3A_383 = arith.constant 0 : i32
      %dma_wait3A_384 = arith.constant 0 : i32
      %dma_wait3A_385 = tpu.memref_slice %arg2[%dma_wait3A_383, %dma_wait3A_384] : memref<10000x128xf32, #tpu.memory_space<hbm>> -> memref<10000x128xf32, #tpu.memory_space<hbm>>
      tpu.wait_indirect_dma semaphore(%arg17 : memref<!tpu.dma_semaphore, #tpu.memory_space<semaphore_mem>>) src(%dma_wait3A_385 : memref<10000x128xf32, #tpu.memory_space<hbm>>) dst(%arg13 : memref<200x128xf32, #tpu.memory_space<vmem>>)
      %dma_start3A_386 = arith.constant 5 : i32
      %dma_start3A_387 = arith.constant 0 : i32
      %dma_start3A_388 = arith.constant 0 : i32
      %dma_start3A_389 = tpu.memref_slice %arg13[%dma_start3A_387, %dma_start3A_388] : memref<200x128xf32, #tpu.memory_space<vmem>> -> memref<40x128xf32, #tpu.memory_space<vmem>>
      %dma_start3A_390 = arith.constant 0 : i32
      %dma_start3A_391 = tpu.memref_slice %arg12[%dma_start3A_386, %dma_start3A_390] : memref<10x40xi32, #tpu.memory_space<vmem>> -> memref<1x40xi32, #tpu.memory_space<vmem>>
      %dma_start3A_392 = tpu.memref_squeeze %dma_start3A_391 : memref<1x40xi32, #tpu.memory_space<vmem>> -> memref<40xi32, #tpu.memory_space<vmem>>
      %dma_start3A_393 = arith.constant 0 : i32
      %dma_start3A_394 = arith.constant 0 : i32
      %dma_start3A_395 = tpu.memref_slice %arg14[%dma_start3A_393, %dma_start3A_394] : memref<10000x128xf32, #tpu.memory_space<vmem_shared>> -> memref<10000x128xf32, #tpu.memory_space<vmem_shared>>
      tpu.enqueue_indirect_dma source(%dma_start3A_389 : memref<40x128xf32, #tpu.memory_space<vmem>>) target(%dma_start3A_395 : memref<10000x128xf32, #tpu.memory_space<vmem_shared>>) offsets(%dma_start3A_392 : memref<40xi32, #tpu.memory_space<vmem>>) semaphore(%arg18 : memref<!tpu.dma_semaphore, #tpu.memory_space<semaphore_mem>>) {add = true}
      %dma_start3A_396 = arith.constant 5 : i32
      %dma_start3A_397 = arith.constant 0 : i32
      %dma_start3A_398 = tpu.memref_slice %arg12[%dma_start3A_396, %dma_start3A_397] : memref<10x40xi32, #tpu.memory_space<vmem>> -> memref<1x40xi32, #tpu.memory_space<vmem>>
      %dma_start3A_399 = tpu.memref_squeeze %dma_start3A_398 : memref<1x40xi32, #tpu.memory_space<vmem>> -> memref<40xi32, #tpu.memory_space<vmem>>
      %dma_start3A_400 = arith.constant 0 : i32
      %dma_start3A_401 = tpu.memref_slice %arg21[%dma_start3A_400] : memref<10000xf32, #tpu.memory_space<vmem_shared>> -> memref<10000xf32, #tpu.memory_space<vmem_shared>>
      tpu.enqueue_indirect_dma source(%arg19 : memref<40xf32, #tpu.memory_space<vmem>>) target(%dma_start3A_401 : memref<10000xf32, #tpu.memory_space<vmem_shared>>) offsets(%dma_start3A_399 : memref<40xi32, #tpu.memory_space<vmem>>) semaphore(%arg18 : memref<!tpu.dma_semaphore, #tpu.memory_space<semaphore_mem>>) {add = true}
      %dma_start3A_402 = arith.constant 6 : i32
      %dma_start3A_403 = arith.constant 40 : i32
      %dma_start3A_404 = arith.constant 0 : i32
      %dma_start3A_405 = tpu.memref_slice %arg13[%dma_start3A_403, %dma_start3A_404] : memref<200x128xf32, #tpu.memory_space<vmem>> -> memref<40x128xf32, #tpu.memory_space<vmem>>
      %dma_start3A_406 = arith.constant 0 : i32
      %dma_start3A_407 = tpu.memref_slice %arg12[%dma_start3A_402, %dma_start3A_406] : memref<10x40xi32, #tpu.memory_space<vmem>> -> memref<1x40xi32, #tpu.memory_space<vmem>>
      %dma_start3A_408 = tpu.memref_squeeze %dma_start3A_407 : memref<1x40xi32, #tpu.memory_space<vmem>> -> memref<40xi32, #tpu.memory_space<vmem>>
      %dma_start3A_409 = arith.constant 0 : i32
      %dma_start3A_410 = arith.constant 0 : i32
      %dma_start3A_411 = tpu.memref_slice %arg14[%dma_start3A_409, %dma_start3A_410] : memref<10000x128xf32, #tpu.memory_space<vmem_shared>> -> memref<10000x128xf32, #tpu.memory_space<vmem_shared>>
      tpu.enqueue_indirect_dma source(%dma_start3A_405 : memref<40x128xf32, #tpu.memory_space<vmem>>) target(%dma_start3A_411 : memref<10000x128xf32, #tpu.memory_space<vmem_shared>>) offsets(%dma_start3A_408 : memref<40xi32, #tpu.memory_space<vmem>>) semaphore(%arg18 : memref<!tpu.dma_semaphore, #tpu.memory_space<semaphore_mem>>) {add = true}
      %dma_start3A_412 = arith.constant 6 : i32
      %dma_start3A_413 = arith.constant 0 : i32
      %dma_start3A_414 = tpu.memref_slice %arg12[%dma_start3A_412, %dma_start3A_413] : memref<10x40xi32, #tpu.memory_space<vmem>> -> memref<1x40xi32, #tpu.memory_space<vmem>>
      %dma_start3A_415 = tpu.memref_squeeze %dma_start3A_414 : memref<1x40xi32, #tpu.memory_space<vmem>> -> memref<40xi32, #tpu.memory_space<vmem>>
      %dma_start3A_416 = arith.constant 0 : i32
      %dma_start3A_417 = tpu.memref_slice %arg21[%dma_start3A_416] : memref<10000xf32, #tpu.memory_space<vmem_shared>> -> memref<10000xf32, #tpu.memory_space<vmem_shared>>
      tpu.enqueue_indirect_dma source(%arg19 : memref<40xf32, #tpu.memory_space<vmem>>) target(%dma_start3A_417 : memref<10000xf32, #tpu.memory_space<vmem_shared>>) offsets(%dma_start3A_415 : memref<40xi32, #tpu.memory_space<vmem>>) semaphore(%arg18 : memref<!tpu.dma_semaphore, #tpu.memory_space<semaphore_mem>>) {add = true}
      %dma_start3A_418 = arith.constant 7 : i32
      %dma_start3A_419 = arith.constant 80 : i32
      %dma_start3A_420 = arith.constant 0 : i32
      %dma_start3A_421 = tpu.memref_slice %arg13[%dma_start3A_419, %dma_start3A_420] : memref<200x128xf32, #tpu.memory_space<vmem>> -> memref<40x128xf32, #tpu.memory_space<vmem>>
      %dma_start3A_422 = arith.constant 0 : i32
      %dma_start3A_423 = tpu.memref_slice %arg12[%dma_start3A_418, %dma_start3A_422] : memref<10x40xi32, #tpu.memory_space<vmem>> -> memref<1x40xi32, #tpu.memory_space<vmem>>
      %dma_start3A_424 = tpu.memref_squeeze %dma_start3A_423 : memref<1x40xi32, #tpu.memory_space<vmem>> -> memref<40xi32, #tpu.memory_space<vmem>>
      %dma_start3A_425 = arith.constant 0 : i32
      %dma_start3A_426 = arith.constant 0 : i32
      %dma_start3A_427 = tpu.memref_slice %arg14[%dma_start3A_425, %dma_start3A_426] : memref<10000x128xf32, #tpu.memory_space<vmem_shared>> -> memref<10000x128xf32, #tpu.memory_space<vmem_shared>>
      tpu.enqueue_indirect_dma source(%dma_start3A_421 : memref<40x128xf32, #tpu.memory_space<vmem>>) target(%dma_start3A_427 : memref<10000x128xf32, #tpu.memory_space<vmem_shared>>) offsets(%dma_start3A_424 : memref<40xi32, #tpu.memory_space<vmem>>) semaphore(%arg18 : memref<!tpu.dma_semaphore, #tpu.memory_space<semaphore_mem>>) {add = true}
      %dma_start3A_428 = arith.constant 7 : i32
      %dma_start3A_429 = arith.constant 0 : i32
      %dma_start3A_430 = tpu.memref_slice %arg12[%dma_start3A_428, %dma_start3A_429] : memref<10x40xi32, #tpu.memory_space<vmem>> -> memref<1x40xi32, #tpu.memory_space<vmem>>
      %dma_start3A_431 = tpu.memref_squeeze %dma_start3A_430 : memref<1x40xi32, #tpu.memory_space<vmem>> -> memref<40xi32, #tpu.memory_space<vmem>>
      %dma_start3A_432 = arith.constant 0 : i32
      %dma_start3A_433 = tpu.memref_slice %arg21[%dma_start3A_432] : memref<10000xf32, #tpu.memory_space<vmem_shared>> -> memref<10000xf32, #tpu.memory_space<vmem_shared>>
      tpu.enqueue_indirect_dma source(%arg19 : memref<40xf32, #tpu.memory_space<vmem>>) target(%dma_start3A_433 : memref<10000xf32, #tpu.memory_space<vmem_shared>>) offsets(%dma_start3A_431 : memref<40xi32, #tpu.memory_space<vmem>>) semaphore(%arg18 : memref<!tpu.dma_semaphore, #tpu.memory_space<semaphore_mem>>) {add = true}
      %dma_start3A_434 = arith.constant 8 : i32
      %dma_start3A_435 = arith.constant 120 : i32
      %dma_start3A_436 = arith.constant 0 : i32
      %dma_start3A_437 = tpu.memref_slice %arg13[%dma_start3A_435, %dma_start3A_436] : memref<200x128xf32, #tpu.memory_space<vmem>> -> memref<40x128xf32, #tpu.memory_space<vmem>>
      %dma_start3A_438 = arith.constant 0 : i32
      %dma_start3A_439 = tpu.memref_slice %arg12[%dma_start3A_434, %dma_start3A_438] : memref<10x40xi32, #tpu.memory_space<vmem>> -> memref<1x40xi32, #tpu.memory_space<vmem>>
      %dma_start3A_440 = tpu.memref_squeeze %dma_start3A_439 : memref<1x40xi32, #tpu.memory_space<vmem>> -> memref<40xi32, #tpu.memory_space<vmem>>
      %dma_start3A_441 = arith.constant 0 : i32
      %dma_start3A_442 = arith.constant 0 : i32
      %dma_start3A_443 = tpu.memref_slice %arg14[%dma_start3A_441, %dma_start3A_442] : memref<10000x128xf32, #tpu.memory_space<vmem_shared>> -> memref<10000x128xf32, #tpu.memory_space<vmem_shared>>
      tpu.enqueue_indirect_dma source(%dma_start3A_437 : memref<40x128xf32, #tpu.memory_space<vmem>>) target(%dma_start3A_443 : memref<10000x128xf32, #tpu.memory_space<vmem_shared>>) offsets(%dma_start3A_440 : memref<40xi32, #tpu.memory_space<vmem>>) semaphore(%arg18 : memref<!tpu.dma_semaphore, #tpu.memory_space<semaphore_mem>>) {add = true}
      %dma_start3A_444 = arith.constant 8 : i32
      %dma_start3A_445 = arith.constant 0 : i32
      %dma_start3A_446 = tpu.memref_slice %arg12[%dma_start3A_444, %dma_start3A_445] : memref<10x40xi32, #tpu.memory_space<vmem>> -> memref<1x40xi32, #tpu.memory_space<vmem>>
      %dma_start3A_447 = tpu.memref_squeeze %dma_start3A_446 : memref<1x40xi32, #tpu.memory_space<vmem>> -> memref<40xi32, #tpu.memory_space<vmem>>
      %dma_start3A_448 = arith.constant 0 : i32
      %dma_start3A_449 = tpu.memref_slice %arg21[%dma_start3A_448] : memref<10000xf32, #tpu.memory_space<vmem_shared>> -> memref<10000xf32, #tpu.memory_space<vmem_shared>>
      tpu.enqueue_indirect_dma source(%arg19 : memref<40xf32, #tpu.memory_space<vmem>>) target(%dma_start3A_449 : memref<10000xf32, #tpu.memory_space<vmem_shared>>) offsets(%dma_start3A_447 : memref<40xi32, #tpu.memory_space<vmem>>) semaphore(%arg18 : memref<!tpu.dma_semaphore, #tpu.memory_space<semaphore_mem>>) {add = true}
      %dma_start3A_450 = arith.constant 9 : i32
      %dma_start3A_451 = arith.constant 160 : i32
      %dma_start3A_452 = arith.constant 0 : i32
      %dma_start3A_453 = tpu.memref_slice %arg13[%dma_start3A_451, %dma_start3A_452] : memref<200x128xf32, #tpu.memory_space<vmem>> -> memref<40x128xf32, #tpu.memory_space<vmem>>
      %dma_start3A_454 = arith.constant 0 : i32
      %dma_start3A_455 = tpu.memref_slice %arg12[%dma_start3A_450, %dma_start3A_454] : memref<10x40xi32, #tpu.memory_space<vmem>> -> memref<1x40xi32, #tpu.memory_space<vmem>>
      %dma_start3A_456 = tpu.memref_squeeze %dma_start3A_455 : memref<1x40xi32, #tpu.memory_space<vmem>> -> memref<40xi32, #tpu.memory_space<vmem>>
      %dma_start3A_457 = arith.constant 0 : i32
      %dma_start3A_458 = arith.constant 0 : i32
      %dma_start3A_459 = tpu.memref_slice %arg14[%dma_start3A_457, %dma_start3A_458] : memref<10000x128xf32, #tpu.memory_space<vmem_shared>> -> memref<10000x128xf32, #tpu.memory_space<vmem_shared>>
      tpu.enqueue_indirect_dma source(%dma_start3A_453 : memref<40x128xf32, #tpu.memory_space<vmem>>) target(%dma_start3A_459 : memref<10000x128xf32, #tpu.memory_space<vmem_shared>>) offsets(%dma_start3A_456 : memref<40xi32, #tpu.memory_space<vmem>>) semaphore(%arg18 : memref<!tpu.dma_semaphore, #tpu.memory_space<semaphore_mem>>) {add = true}
      %dma_start3A_460 = arith.constant 9 : i32
      %dma_start3A_461 = arith.constant 0 : i32
      %dma_start3A_462 = tpu.memref_slice %arg12[%dma_start3A_460, %dma_start3A_461] : memref<10x40xi32, #tpu.memory_space<vmem>> -> memref<1x40xi32, #tpu.memory_space<vmem>>
      %dma_start3A_463 = tpu.memref_squeeze %dma_start3A_462 : memref<1x40xi32, #tpu.memory_space<vmem>> -> memref<40xi32, #tpu.memory_space<vmem>>
      %dma_start3A_464 = arith.constant 0 : i32
      %dma_start3A_465 = tpu.memref_slice %arg21[%dma_start3A_464] : memref<10000xf32, #tpu.memory_space<vmem_shared>> -> memref<10000xf32, #tpu.memory_space<vmem_shared>>
      tpu.enqueue_indirect_dma source(%arg19 : memref<40xf32, #tpu.memory_space<vmem>>) target(%dma_start3A_465 : memref<10000xf32, #tpu.memory_space<vmem_shared>>) offsets(%dma_start3A_463 : memref<40xi32, #tpu.memory_space<vmem>>) semaphore(%arg18 : memref<!tpu.dma_semaphore, #tpu.memory_space<semaphore_mem>>) {add = true}
      %dma_wait3A_466 = arith.constant 5 : i32
      %dma_wait3A_467 = arith.constant 0 : i32
      %dma_wait3A_468 = arith.constant 0 : i32
      %dma_wait3A_469 = tpu.memref_slice %arg13[%dma_wait3A_467, %dma_wait3A_468] : memref<200x128xf32, #tpu.memory_space<vmem>> -> memref<40x128xf32, #tpu.memory_space<vmem>>
      %dma_wait3A_470 = arith.constant 0 : i32
      %dma_wait3A_471 = tpu.memref_slice %arg12[%dma_wait3A_466, %dma_wait3A_470] : memref<10x40xi32, #tpu.memory_space<vmem>> -> memref<1x40xi32, #tpu.memory_space<vmem>>
      %dma_wait3A_472 = tpu.memref_squeeze %dma_wait3A_471 : memref<1x40xi32, #tpu.memory_space<vmem>> -> memref<40xi32, #tpu.memory_space<vmem>>
      %dma_wait3A_473 = arith.constant 0 : i32
      %dma_wait3A_474 = arith.constant 0 : i32
      %dma_wait3A_475 = tpu.memref_slice %arg14[%dma_wait3A_473, %dma_wait3A_474] : memref<10000x128xf32, #tpu.memory_space<vmem_shared>> -> memref<10000x128xf32, #tpu.memory_space<vmem_shared>>
      tpu.wait_indirect_dma semaphore(%arg18 : memref<!tpu.dma_semaphore, #tpu.memory_space<semaphore_mem>>) src(%dma_wait3A_469 : memref<40x128xf32, #tpu.memory_space<vmem>>) dst(%dma_wait3A_475 : memref<10000x128xf32, #tpu.memory_space<vmem_shared>>)
      %dma_wait3A_476 = arith.constant 5 : i32
      %dma_wait3A_477 = arith.constant 0 : i32
      %dma_wait3A_478 = tpu.memref_slice %arg12[%dma_wait3A_476, %dma_wait3A_477] : memref<10x40xi32, #tpu.memory_space<vmem>> -> memref<1x40xi32, #tpu.memory_space<vmem>>
      %dma_wait3A_479 = tpu.memref_squeeze %dma_wait3A_478 : memref<1x40xi32, #tpu.memory_space<vmem>> -> memref<40xi32, #tpu.memory_space<vmem>>
      %dma_wait3A_480 = arith.constant 0 : i32
      %dma_wait3A_481 = tpu.memref_slice %arg21[%dma_wait3A_480] : memref<10000xf32, #tpu.memory_space<vmem_shared>> -> memref<10000xf32, #tpu.memory_space<vmem_shared>>
      tpu.wait_indirect_dma semaphore(%arg18 : memref<!tpu.dma_semaphore, #tpu.memory_space<semaphore_mem>>) src(%arg19 : memref<40xf32, #tpu.memory_space<vmem>>) dst(%dma_wait3A_481 : memref<10000xf32, #tpu.memory_space<vmem_shared>>)
      %dma_wait3A_482 = arith.constant 6 : i32
      %dma_wait3A_483 = arith.constant 40 : i32
      %dma_wait3A_484 = arith.constant 0 : i32
      %dma_wait3A_485 = tpu.memref_slice %arg13[%dma_wait3A_483, %dma_wait3A_484] : memref<200x128xf32, #tpu.memory_space<vmem>> -> memref<40x128xf32, #tpu.memory_space<vmem>>
      %dma_wait3A_486 = arith.constant 0 : i32
      %dma_wait3A_487 = tpu.memref_slice %arg12[%dma_wait3A_482, %dma_wait3A_486] : memref<10x40xi32, #tpu.memory_space<vmem>> -> memref<1x40xi32, #tpu.memory_space<vmem>>
      %dma_wait3A_488 = tpu.memref_squeeze %dma_wait3A_487 : memref<1x40xi32, #tpu.memory_space<vmem>> -> memref<40xi32, #tpu.memory_space<vmem>>
      %dma_wait3A_489 = arith.constant 0 : i32
      %dma_wait3A_490 = arith.constant 0 : i32
      %dma_wait3A_491 = tpu.memref_slice %arg14[%dma_wait3A_489, %dma_wait3A_490] : memref<10000x128xf32, #tpu.memory_space<vmem_shared>> -> memref<10000x128xf32, #tpu.memory_space<vmem_shared>>
      tpu.wait_indirect_dma semaphore(%arg18 : memref<!tpu.dma_semaphore, #tpu.memory_space<semaphore_mem>>) src(%dma_wait3A_485 : memref<40x128xf32, #tpu.memory_space<vmem>>) dst(%dma_wait3A_491 : memref<10000x128xf32, #tpu.memory_space<vmem_shared>>)
      %dma_wait3A_492 = arith.constant 6 : i32
      %dma_wait3A_493 = arith.constant 0 : i32
      %dma_wait3A_494 = tpu.memref_slice %arg12[%dma_wait3A_492, %dma_wait3A_493] : memref<10x40xi32, #tpu.memory_space<vmem>> -> memref<1x40xi32, #tpu.memory_space<vmem>>
      %dma_wait3A_495 = tpu.memref_squeeze %dma_wait3A_494 : memref<1x40xi32, #tpu.memory_space<vmem>> -> memref<40xi32, #tpu.memory_space<vmem>>
      %dma_wait3A_496 = arith.constant 0 : i32
      %dma_wait3A_497 = tpu.memref_slice %arg21[%dma_wait3A_496] : memref<10000xf32, #tpu.memory_space<vmem_shared>> -> memref<10000xf32, #tpu.memory_space<vmem_shared>>
      tpu.wait_indirect_dma semaphore(%arg18 : memref<!tpu.dma_semaphore, #tpu.memory_space<semaphore_mem>>) src(%arg19 : memref<40xf32, #tpu.memory_space<vmem>>) dst(%dma_wait3A_497 : memref<10000xf32, #tpu.memory_space<vmem_shared>>)
      %dma_wait3A_498 = arith.constant 7 : i32
      %dma_wait3A_499 = arith.constant 80 : i32
      %dma_wait3A_500 = arith.constant 0 : i32
      %dma_wait3A_501 = tpu.memref_slice %arg13[%dma_wait3A_499, %dma_wait3A_500] : memref<200x128xf32, #tpu.memory_space<vmem>> -> memref<40x128xf32, #tpu.memory_space<vmem>>
      %dma_wait3A_502 = arith.constant 0 : i32
      %dma_wait3A_503 = tpu.memref_slice %arg12[%dma_wait3A_498, %dma_wait3A_502] : memref<10x40xi32, #tpu.memory_space<vmem>> -> memref<1x40xi32, #tpu.memory_space<vmem>>
      %dma_wait3A_504 = tpu.memref_squeeze %dma_wait3A_503 : memref<1x40xi32, #tpu.memory_space<vmem>> -> memref<40xi32, #tpu.memory_space<vmem>>
      %dma_wait3A_505 = arith.constant 0 : i32
      %dma_wait3A_506 = arith.constant 0 : i32
      %dma_wait3A_507 = tpu.memref_slice %arg14[%dma_wait3A_505, %dma_wait3A_506] : memref<10000x128xf32, #tpu.memory_space<vmem_shared>> -> memref<10000x128xf32, #tpu.memory_space<vmem_shared>>
      tpu.wait_indirect_dma semaphore(%arg18 : memref<!tpu.dma_semaphore, #tpu.memory_space<semaphore_mem>>) src(%dma_wait3A_501 : memref<40x128xf32, #tpu.memory_space<vmem>>) dst(%dma_wait3A_507 : memref<10000x128xf32, #tpu.memory_space<vmem_shared>>)
      %dma_wait3A_508 = arith.constant 7 : i32
      %dma_wait3A_509 = arith.constant 0 : i32
      %dma_wait3A_510 = tpu.memref_slice %arg12[%dma_wait3A_508, %dma_wait3A_509] : memref<10x40xi32, #tpu.memory_space<vmem>> -> memref<1x40xi32, #tpu.memory_space<vmem>>
      %dma_wait3A_511 = tpu.memref_squeeze %dma_wait3A_510 : memref<1x40xi32, #tpu.memory_space<vmem>> -> memref<40xi32, #tpu.memory_space<vmem>>
      %dma_wait3A_512 = arith.constant 0 : i32
      %dma_wait3A_513 = tpu.memref_slice %arg21[%dma_wait3A_512] : memref<10000xf32, #tpu.memory_space<vmem_shared>> -> memref<10000xf32, #tpu.memory_space<vmem_shared>>
      tpu.wait_indirect_dma semaphore(%arg18 : memref<!tpu.dma_semaphore, #tpu.memory_space<semaphore_mem>>) src(%arg19 : memref<40xf32, #tpu.memory_space<vmem>>) dst(%dma_wait3A_513 : memref<10000xf32, #tpu.memory_space<vmem_shared>>)
      %dma_wait3A_514 = arith.constant 8 : i32
      %dma_wait3A_515 = arith.constant 120 : i32
      %dma_wait3A_516 = arith.constant 0 : i32
      %dma_wait3A_517 = tpu.memref_slice %arg13[%dma_wait3A_515, %dma_wait3A_516] : memref<200x128xf32, #tpu.memory_space<vmem>> -> memref<40x128xf32, #tpu.memory_space<vmem>>
      %dma_wait3A_518 = arith.constant 0 : i32
      %dma_wait3A_519 = tpu.memref_slice %arg12[%dma_wait3A_514, %dma_wait3A_518] : memref<10x40xi32, #tpu.memory_space<vmem>> -> memref<1x40xi32, #tpu.memory_space<vmem>>
      %dma_wait3A_520 = tpu.memref_squeeze %dma_wait3A_519 : memref<1x40xi32, #tpu.memory_space<vmem>> -> memref<40xi32, #tpu.memory_space<vmem>>
      %dma_wait3A_521 = arith.constant 0 : i32
      %dma_wait3A_522 = arith.constant 0 : i32
      %dma_wait3A_523 = tpu.memref_slice %arg14[%dma_wait3A_521, %dma_wait3A_522] : memref<10000x128xf32, #tpu.memory_space<vmem_shared>> -> memref<10000x128xf32, #tpu.memory_space<vmem_shared>>
      tpu.wait_indirect_dma semaphore(%arg18 : memref<!tpu.dma_semaphore, #tpu.memory_space<semaphore_mem>>) src(%dma_wait3A_517 : memref<40x128xf32, #tpu.memory_space<vmem>>) dst(%dma_wait3A_523 : memref<10000x128xf32, #tpu.memory_space<vmem_shared>>)
      %dma_wait3A_524 = arith.constant 8 : i32
      %dma_wait3A_525 = arith.constant 0 : i32
      %dma_wait3A_526 = tpu.memref_slice %arg12[%dma_wait3A_524, %dma_wait3A_525] : memref<10x40xi32, #tpu.memory_space<vmem>> -> memref<1x40xi32, #tpu.memory_space<vmem>>
      %dma_wait3A_527 = tpu.memref_squeeze %dma_wait3A_526 : memref<1x40xi32, #tpu.memory_space<vmem>> -> memref<40xi32, #tpu.memory_space<vmem>>
      %dma_wait3A_528 = arith.constant 0 : i32
      %dma_wait3A_529 = tpu.memref_slice %arg21[%dma_wait3A_528] : memref<10000xf32, #tpu.memory_space<vmem_shared>> -> memref<10000xf32, #tpu.memory_space<vmem_shared>>
      tpu.wait_indirect_dma semaphore(%arg18 : memref<!tpu.dma_semaphore, #tpu.memory_space<semaphore_mem>>) src(%arg19 : memref<40xf32, #tpu.memory_space<vmem>>) dst(%dma_wait3A_529 : memref<10000xf32, #tpu.memory_space<vmem_shared>>)
      %dma_wait3A_530 = arith.constant 9 : i32
      %dma_wait3A_531 = arith.constant 160 : i32
      %dma_wait3A_532 = arith.constant 0 : i32
      %dma_wait3A_533 = tpu.memref_slice %arg13[%dma_wait3A_531, %dma_wait3A_532] : memref<200x128xf32, #tpu.memory_space<vmem>> -> memref<40x128xf32, #tpu.memory_space<vmem>>
      %dma_wait3A_534 = arith.constant 0 : i32
      %dma_wait3A_535 = tpu.memref_slice %arg12[%dma_wait3A_530, %dma_wait3A_534] : memref<10x40xi32, #tpu.memory_space<vmem>> -> memref<1x40xi32, #tpu.memory_space<vmem>>
      %dma_wait3A_536 = tpu.memref_squeeze %dma_wait3A_535 : memref<1x40xi32, #tpu.memory_space<vmem>> -> memref<40xi32, #tpu.memory_space<vmem>>
      %dma_wait3A_537 = arith.constant 0 : i32
      %dma_wait3A_538 = arith.constant 0 : i32
      %dma_wait3A_539 = tpu.memref_slice %arg14[%dma_wait3A_537, %dma_wait3A_538] : memref<10000x128xf32, #tpu.memory_space<vmem_shared>> -> memref<10000x128xf32, #tpu.memory_space<vmem_shared>>
      tpu.wait_indirect_dma semaphore(%arg18 : memref<!tpu.dma_semaphore, #tpu.memory_space<semaphore_mem>>) src(%dma_wait3A_533 : memref<40x128xf32, #tpu.memory_space<vmem>>) dst(%dma_wait3A_539 : memref<10000x128xf32, #tpu.memory_space<vmem_shared>>)
      %dma_wait3A_540 = arith.constant 9 : i32
      %dma_wait3A_541 = arith.constant 0 : i32
      %dma_wait3A_542 = tpu.memref_slice %arg12[%dma_wait3A_540, %dma_wait3A_541] : memref<10x40xi32, #tpu.memory_space<vmem>> -> memref<1x40xi32, #tpu.memory_space<vmem>>
      %dma_wait3A_543 = tpu.memref_squeeze %dma_wait3A_542 : memref<1x40xi32, #tpu.memory_space<vmem>> -> memref<40xi32, #tpu.memory_space<vmem>>
      %dma_wait3A_544 = arith.constant 0 : i32
      %dma_wait3A_545 = tpu.memref_slice %arg21[%dma_wait3A_544] : memref<10000xf32, #tpu.memory_space<vmem_shared>> -> memref<10000xf32, #tpu.memory_space<vmem_shared>>
      tpu.wait_indirect_dma semaphore(%arg18 : memref<!tpu.dma_semaphore, #tpu.memory_space<semaphore_mem>>) src(%arg19 : memref<40xf32, #tpu.memory_space<vmem>>) dst(%dma_wait3A_545 : memref<10000xf32, #tpu.memory_space<vmem_shared>>)
    }
    %scan3A_67 = arith.constant 25 : i32
    %barrier3A_68 = arith.constant 0 : index
    tpu.barrier barrier_id(%barrier3A_68)
    %lt3A_69 = arith.constant 10 : i32
    %lt3A_70 = arith.cmpi slt, %arg1, %lt3A_69 : i32
    %convert_element_type3A_71 = arith.extui %lt3A_70 : i1 to i32
    %cond3A_72 = arith.constant 0 : i32
    %cond3A_73 = arith.cmpi ne, %convert_element_type3A_71, %cond3A_72 : i32
    scf.if %cond3A_73 {
      %mul3A_74 = arith.constant 1000 : i32
      %mul3A_75 = arith.muli %arg1, %mul3A_74 : i32
      %mul3A_76 = arith.constant 10000 : i32
      %mul3A_77 = arith.muli %arg0, %mul3A_76 : i32
      %mul3A_78 = arith.constant 1000 : i32
      %mul3A_79 = arith.muli %arg1, %mul3A_78 : i32
      %add3A_80 = arith.addi %mul3A_77, %mul3A_79 : i32
      "tpu.region"() ({
        %run_scoped3A = tpu.sem_alloc : memref<!tpu.dma_semaphore, #tpu.memory_space<semaphore_mem>>
        %dma_start3A_88 = arith.constant 0 : i32
        %dma_start3A_89 = tpu.memref_slice %arg8[%add3A_80, %dma_start3A_88] : memref<20000x128xf32, #tpu.memory_space<hbm>> -> memref<1000x128xf32, #tpu.memory_space<hbm>>
        %dma_start3A_90 = arith.constant 0 : i32
        %dma_start3A_91 = tpu.memref_slice %arg14[%mul3A_75, %dma_start3A_90] : memref<10000x128xf32, #tpu.memory_space<vmem_shared>> -> memref<1000x128xf32, #tpu.memory_space<vmem_shared>>
        tpu.enqueue_dma source(%dma_start3A_91 : memref<1000x128xf32, #tpu.memory_space<vmem_shared>>) target(%dma_start3A_89 : memref<1000x128xf32, #tpu.memory_space<hbm>>) target_semaphore(%run_scoped3A : memref<!tpu.dma_semaphore, #tpu.memory_space<semaphore_mem>>)
        %dma_wait3A = arith.constant 0 : i32
        %dma_wait3A_92 = tpu.memref_slice %arg8[%add3A_80, %dma_wait3A] : memref<20000x128xf32, #tpu.memory_space<hbm>> -> memref<1000x128xf32, #tpu.memory_space<hbm>>
        %dma_wait3A_93 = arith.constant 0 : i32
        %dma_wait3A_94 = tpu.memref_slice %arg14[%mul3A_75, %dma_wait3A_93] : memref<10000x128xf32, #tpu.memory_space<vmem_shared>> -> memref<1000x128xf32, #tpu.memory_space<vmem_shared>>
        tpu.wait_dma2 semaphore(%run_scoped3A : memref<!tpu.dma_semaphore, #tpu.memory_space<semaphore_mem>>) src(%dma_wait3A_94 : memref<1000x128xf32, #tpu.memory_space<vmem_shared>>) dst(%dma_wait3A_92 : memref<1000x128xf32, #tpu.memory_space<hbm>>)
        tpu.yield
      }) : () -> ()
      %mul3A_81 = arith.constant 1000 : i32
      %mul3A_82 = arith.muli %arg1, %mul3A_81 : i32
      "tpu.region"() ({
        %run_scoped3A = tpu.sem_alloc : memref<!tpu.dma_semaphore, #tpu.memory_space<semaphore_mem>>
        %dma_start3A_88 = tpu.memref_slice %arg21[%mul3A_82] : memref<10000xf32, #tpu.memory_space<vmem_shared>> -> memref<1000xf32, #tpu.memory_space<vmem_shared>>
        %dma_start3A_89 = tpu.memref_slice %arg21[%mul3A_82] : memref<10000xf32, #tpu.memory_space<vmem_shared>> -> memref<1000xf32, #tpu.memory_space<vmem_shared>>
        tpu.enqueue_dma source(%dma_start3A_89 : memref<1000xf32, #tpu.memory_space<vmem_shared>>) target(%arg20 : memref<1000xf32, #tpu.memory_space<vmem>>) target_semaphore(%run_scoped3A : memref<!tpu.dma_semaphore, #tpu.memory_space<semaphore_mem>>)
        %dma_wait3A = tpu.memref_slice %arg21[%mul3A_82] : memref<10000xf32, #tpu.memory_space<vmem_shared>> -> memref<1000xf32, #tpu.memory_space<vmem_shared>>
        %dma_wait3A_90 = tpu.memref_slice %arg21[%mul3A_82] : memref<10000xf32, #tpu.memory_space<vmem_shared>> -> memref<1000xf32, #tpu.memory_space<vmem_shared>>
        tpu.wait_dma2 semaphore(%run_scoped3A : memref<!tpu.dma_semaphore, #tpu.memory_space<semaphore_mem>>) src(%dma_wait3A_90 : memref<1000xf32, #tpu.memory_space<vmem_shared>>) dst(%arg20 : memref<1000xf32, #tpu.memory_space<vmem>>)
        tpu.yield
      }) : () -> ()
      %mul3A_83 = arith.constant 10000 : i32
      %mul3A_84 = arith.muli %arg0, %mul3A_83 : i32
      %mul3A_85 = arith.constant 1000 : i32
      %mul3A_86 = arith.muli %arg1, %mul3A_85 : i32
      %add3A_87 = arith.addi %mul3A_84, %mul3A_86 : i32
      "tpu.region"() ({
        %run_scoped3A = tpu.sem_alloc : memref<!tpu.dma_semaphore, #tpu.memory_space<semaphore_mem>>
        %dma_start3A_88 = tpu.memref_slice %arg9[%add3A_87] : memref<20000xf32, #tpu.memory_space<hbm>> -> memref<1000xf32, #tpu.memory_space<hbm>>
        %dma_start3A_89 = tpu.memref_slice %arg9[%add3A_87] : memref<20000xf32, #tpu.memory_space<hbm>> -> memref<1000xf32, #tpu.memory_space<hbm>>
        tpu.enqueue_dma source(%arg20 : memref<1000xf32, #tpu.memory_space<vmem>>) target(%dma_start3A_89 : memref<1000xf32, #tpu.memory_space<hbm>>) target_semaphore(%run_scoped3A : memref<!tpu.dma_semaphore, #tpu.memory_space<semaphore_mem>>)
        %dma_wait3A = tpu.memref_slice %arg9[%add3A_87] : memref<20000xf32, #tpu.memory_space<hbm>> -> memref<1000xf32, #tpu.memory_space<hbm>>
        %dma_wait3A_90 = tpu.memref_slice %arg9[%add3A_87] : memref<20000xf32, #tpu.memory_space<hbm>> -> memref<1000xf32, #tpu.memory_space<hbm>>
        tpu.wait_dma2 semaphore(%run_scoped3A : memref<!tpu.dma_semaphore, #tpu.memory_space<semaphore_mem>>) src(%arg20 : memref<1000xf32, #tpu.memory_space<vmem>>) dst(%dma_wait3A_90 : memref<1000xf32, #tpu.memory_space<hbm>>)
        tpu.yield
      }) : () -> ()
    } else {
    }
    return
  }
}

#map = affine_map<(d0, d1) -> (0, 0)>
#map1 = affine_map<(d0, d1) -> (0)>
module attributes {stable_mosaic.version = 14 : i64} {
  func.func @_sc(%arg0: i32, %arg1: i32, %arg2: memref<10000x128xf32, #tpu.memory_space<hbm>>, %arg3: memref<320000xi32, #tpu.memory_space<hbm>>, %arg4: memref<320000xi32, #tpu.memory_space<hbm>>, %arg5: memref<10000x128xf32, #tpu.memory_space<hbm>>, %arg6: memref<20000x128xf32, #tpu.memory_space<hbm>>, %arg7: memref<200xi32, #tpu.memory_space<vmem>>, %arg8: memref<200xi32, #tpu.memory_space<vmem>>, %arg9: memref<10x40xi32, #tpu.memory_space<vmem>>, %arg10: memref<200x128xf32, #tpu.memory_space<vmem>>, %arg11: memref<10000x128xf32, #tpu.memory_space<vmem_shared>>, %arg12: memref<!tpu.dma_semaphore, #tpu.memory_space<semaphore_mem>>, %arg13: memref<!tpu.dma_semaphore, #tpu.memory_space<semaphore_mem>>, %arg14: memref<!tpu.dma_semaphore, #tpu.memory_space<semaphore_mem>>, %arg15: memref<!tpu.dma_semaphore, #tpu.memory_space<semaphore_mem>>) attributes {dimension_semantics = [#tpu.dimension_semantics<core_parallel>, #tpu.dimension_semantics<subcore_parallel>], iteration_bounds = array<i64: 2, 16>, scalar_prefetch = 0 : i64, scratch_operands = 9 : i64, tpu.core_type = #tpu.core_type<sc_vector_subcore>, window_params = [{transform_indices = #map}, {transform_indices = #map1}, {transform_indices = #map1}, {transform_indices = #map}, {transform_indices = #map}]} {
    %mul3A = arith.constant 2 : i32
    %mul3A_0 = arith.muli %arg1, %mul3A : i32
    %add3A = arith.addi %mul3A_0, %arg0 : i32
    %mul3A_1 = arith.constant 10000 : i32
    %mul3A_2 = arith.muli %add3A, %mul3A_1 : i32
    %add3A_3 = arith.constant 0 : i32
    %add3A_4 = arith.addi %mul3A_2, %add3A_3 : i32
    %dma_start3A = tpu.memref_slice %arg3[%add3A_4] : memref<320000xi32, #tpu.memory_space<hbm>> -> memref<200xi32, #tpu.memory_space<hbm>>
    %dma_start3A_5 = tpu.memref_slice %arg3[%add3A_4] : memref<320000xi32, #tpu.memory_space<hbm>> -> memref<200xi32, #tpu.memory_space<hbm>>
    tpu.enqueue_dma source(%dma_start3A_5 : memref<200xi32, #tpu.memory_space<hbm>>) target(%arg7 : memref<200xi32, #tpu.memory_space<vmem>>) target_semaphore(%arg12 : memref<!tpu.dma_semaphore, #tpu.memory_space<semaphore_mem>>)
    %add3A_6 = arith.constant 0 : i32
    %add3A_7 = arith.addi %add3A_4, %add3A_6 : i32
    %dma_start3A_8 = arith.constant 0 : i32
    %dma_start3A_9 = arith.constant 0 : i32
    %dma_start3A_10 = tpu.memref_slice %arg9[%dma_start3A_8, %dma_start3A_9] : memref<10x40xi32, #tpu.memory_space<vmem>> -> memref<1x40xi32, #tpu.memory_space<vmem>>
    %dma_start3A_11 = tpu.memref_squeeze %dma_start3A_10 : memref<1x40xi32, #tpu.memory_space<vmem>> -> memref<40xi32, #tpu.memory_space<vmem>>
    %dma_start3A_12 = tpu.memref_slice %arg4[%add3A_7] : memref<320000xi32, #tpu.memory_space<hbm>> -> memref<40xi32, #tpu.memory_space<hbm>>
    %dma_start3A_13 = arith.constant 0 : i32
    %dma_start3A_14 = tpu.memref_slice %arg9[%dma_start3A_8, %dma_start3A_13] : memref<10x40xi32, #tpu.memory_space<vmem>> -> memref<1x40xi32, #tpu.memory_space<vmem>>
    %dma_start3A_15 = tpu.memref_squeeze %dma_start3A_14 : memref<1x40xi32, #tpu.memory_space<vmem>> -> memref<40xi32, #tpu.memory_space<vmem>>
    %dma_start3A_16 = tpu.memref_slice %arg4[%add3A_7] : memref<320000xi32, #tpu.memory_space<hbm>> -> memref<40xi32, #tpu.memory_space<hbm>>
    tpu.enqueue_dma source(%dma_start3A_16 : memref<40xi32, #tpu.memory_space<hbm>>) target(%dma_start3A_15 : memref<40xi32, #tpu.memory_space<vmem>>) target_semaphore(%arg12 : memref<!tpu.dma_semaphore, #tpu.memory_space<semaphore_mem>>)
    %add3A_17 = arith.constant 40 : i32
    %add3A_18 = arith.addi %add3A_4, %add3A_17 : i32
    %dma_start3A_19 = arith.constant 1 : i32
    %dma_start3A_20 = arith.constant 0 : i32
    %dma_start3A_21 = tpu.memref_slice %arg9[%dma_start3A_19, %dma_start3A_20] : memref<10x40xi32, #tpu.memory_space<vmem>> -> memref<1x40xi32, #tpu.memory_space<vmem>>
    %dma_start3A_22 = tpu.memref_squeeze %dma_start3A_21 : memref<1x40xi32, #tpu.memory_space<vmem>> -> memref<40xi32, #tpu.memory_space<vmem>>
    %dma_start3A_23 = tpu.memref_slice %arg4[%add3A_18] : memref<320000xi32, #tpu.memory_space<hbm>> -> memref<40xi32, #tpu.memory_space<hbm>>
    %dma_start3A_24 = arith.constant 0 : i32
    %dma_start3A_25 = tpu.memref_slice %arg9[%dma_start3A_19, %dma_start3A_24] : memref<10x40xi32, #tpu.memory_space<vmem>> -> memref<1x40xi32, #tpu.memory_space<vmem>>
    %dma_start3A_26 = tpu.memref_squeeze %dma_start3A_25 : memref<1x40xi32, #tpu.memory_space<vmem>> -> memref<40xi32, #tpu.memory_space<vmem>>
    %dma_start3A_27 = tpu.memref_slice %arg4[%add3A_18] : memref<320000xi32, #tpu.memory_space<hbm>> -> memref<40xi32, #tpu.memory_space<hbm>>
    tpu.enqueue_dma source(%dma_start3A_27 : memref<40xi32, #tpu.memory_space<hbm>>) target(%dma_start3A_26 : memref<40xi32, #tpu.memory_space<vmem>>) target_semaphore(%arg12 : memref<!tpu.dma_semaphore, #tpu.memory_space<semaphore_mem>>)
    %add3A_28 = arith.constant 80 : i32
    %add3A_29 = arith.addi %add3A_4, %add3A_28 : i32
    %dma_start3A_30 = arith.constant 2 : i32
    %dma_start3A_31 = arith.constant 0 : i32
    %dma_start3A_32 = tpu.memref_slice %arg9[%dma_start3A_30, %dma_start3A_31] : memref<10x40xi32, #tpu.memory_space<vmem>> -> memref<1x40xi32, #tpu.memory_space<vmem>>
    %dma_start3A_33 = tpu.memref_squeeze %dma_start3A_32 : memref<1x40xi32, #tpu.memory_space<vmem>> -> memref<40xi32, #tpu.memory_space<vmem>>
    %dma_start3A_34 = tpu.memref_slice %arg4[%add3A_29] : memref<320000xi32, #tpu.memory_space<hbm>> -> memref<40xi32, #tpu.memory_space<hbm>>
    %dma_start3A_35 = arith.constant 0 : i32
    %dma_start3A_36 = tpu.memref_slice %arg9[%dma_start3A_30, %dma_start3A_35] : memref<10x40xi32, #tpu.memory_space<vmem>> -> memref<1x40xi32, #tpu.memory_space<vmem>>
    %dma_start3A_37 = tpu.memref_squeeze %dma_start3A_36 : memref<1x40xi32, #tpu.memory_space<vmem>> -> memref<40xi32, #tpu.memory_space<vmem>>
    %dma_start3A_38 = tpu.memref_slice %arg4[%add3A_29] : memref<320000xi32, #tpu.memory_space<hbm>> -> memref<40xi32, #tpu.memory_space<hbm>>
    tpu.enqueue_dma source(%dma_start3A_38 : memref<40xi32, #tpu.memory_space<hbm>>) target(%dma_start3A_37 : memref<40xi32, #tpu.memory_space<vmem>>) target_semaphore(%arg12 : memref<!tpu.dma_semaphore, #tpu.memory_space<semaphore_mem>>)
    %add3A_39 = arith.constant 120 : i32
    %add3A_40 = arith.addi %add3A_4, %add3A_39 : i32
    %dma_start3A_41 = arith.constant 3 : i32
    %dma_start3A_42 = arith.constant 0 : i32
    %dma_start3A_43 = tpu.memref_slice %arg9[%dma_start3A_41, %dma_start3A_42] : memref<10x40xi32, #tpu.memory_space<vmem>> -> memref<1x40xi32, #tpu.memory_space<vmem>>
    %dma_start3A_44 = tpu.memref_squeeze %dma_start3A_43 : memref<1x40xi32, #tpu.memory_space<vmem>> -> memref<40xi32, #tpu.memory_space<vmem>>
    %dma_start3A_45 = tpu.memref_slice %arg4[%add3A_40] : memref<320000xi32, #tpu.memory_space<hbm>> -> memref<40xi32, #tpu.memory_space<hbm>>
    %dma_start3A_46 = arith.constant 0 : i32
    %dma_start3A_47 = tpu.memref_slice %arg9[%dma_start3A_41, %dma_start3A_46] : memref<10x40xi32, #tpu.memory_space<vmem>> -> memref<1x40xi32, #tpu.memory_space<vmem>>
    %dma_start3A_48 = tpu.memref_squeeze %dma_start3A_47 : memref<1x40xi32, #tpu.memory_space<vmem>> -> memref<40xi32, #tpu.memory_space<vmem>>
    %dma_start3A_49 = tpu.memref_slice %arg4[%add3A_40] : memref<320000xi32, #tpu.memory_space<hbm>> -> memref<40xi32, #tpu.memory_space<hbm>>
    tpu.enqueue_dma source(%dma_start3A_49 : memref<40xi32, #tpu.memory_space<hbm>>) target(%dma_start3A_48 : memref<40xi32, #tpu.memory_space<vmem>>) target_semaphore(%arg12 : memref<!tpu.dma_semaphore, #tpu.memory_space<semaphore_mem>>)
    %add3A_50 = arith.constant 160 : i32
    %add3A_51 = arith.addi %add3A_4, %add3A_50 : i32
    %dma_start3A_52 = arith.constant 4 : i32
    %dma_start3A_53 = arith.constant 0 : i32
    %dma_start3A_54 = tpu.memref_slice %arg9[%dma_start3A_52, %dma_start3A_53] : memref<10x40xi32, #tpu.memory_space<vmem>> -> memref<1x40xi32, #tpu.memory_space<vmem>>
    %dma_start3A_55 = tpu.memref_squeeze %dma_start3A_54 : memref<1x40xi32, #tpu.memory_space<vmem>> -> memref<40xi32, #tpu.memory_space<vmem>>
    %dma_start3A_56 = tpu.memref_slice %arg4[%add3A_51] : memref<320000xi32, #tpu.memory_space<hbm>> -> memref<40xi32, #tpu.memory_space<hbm>>
    %dma_start3A_57 = arith.constant 0 : i32
    %dma_start3A_58 = tpu.memref_slice %arg9[%dma_start3A_52, %dma_start3A_57] : memref<10x40xi32, #tpu.memory_space<vmem>> -> memref<1x40xi32, #tpu.memory_space<vmem>>
    %dma_start3A_59 = tpu.memref_squeeze %dma_start3A_58 : memref<1x40xi32, #tpu.memory_space<vmem>> -> memref<40xi32, #tpu.memory_space<vmem>>
    %dma_start3A_60 = tpu.memref_slice %arg4[%add3A_51] : memref<320000xi32, #tpu.memory_space<hbm>> -> memref<40xi32, #tpu.memory_space<hbm>>
    tpu.enqueue_dma source(%dma_start3A_60 : memref<40xi32, #tpu.memory_space<hbm>>) target(%dma_start3A_59 : memref<40xi32, #tpu.memory_space<vmem>>) target_semaphore(%arg12 : memref<!tpu.dma_semaphore, #tpu.memory_space<semaphore_mem>>)
    %lt3A = arith.constant 10 : i32
    %lt3A_61 = arith.cmpi slt, %arg1, %lt3A : i32
    %convert_element_type3A = arith.extui %lt3A_61 : i1 to i32
    %cond3A = arith.constant 0 : i32
    %cond3A_62 = arith.cmpi ne, %convert_element_type3A, %cond3A : i32
    scf.if %cond3A_62 {
      %mul3A_74 = arith.constant 1000 : i32
      %mul3A_75 = arith.muli %arg1, %mul3A_74 : i32
      %mul3A_76 = arith.constant 1000 : i32
      %mul3A_77 = arith.muli %arg1, %mul3A_76 : i32
      "tpu.region"() ({
        %run_scoped3A = tpu.sem_alloc : memref<!tpu.dma_semaphore, #tpu.memory_space<semaphore_mem>>
        %dma_start3A_78 = arith.constant 0 : i32
        %dma_start3A_79 = tpu.memref_slice %arg11[%mul3A_77, %dma_start3A_78] : memref<10000x128xf32, #tpu.memory_space<vmem_shared>> -> memref<1000x128xf32, #tpu.memory_space<vmem_shared>>
        %dma_start3A_80 = arith.constant 0 : i32
        %dma_start3A_81 = tpu.memref_slice %arg5[%mul3A_75, %dma_start3A_80] : memref<10000x128xf32, #tpu.memory_space<hbm>> -> memref<1000x128xf32, #tpu.memory_space<hbm>>
        tpu.enqueue_dma source(%dma_start3A_81 : memref<1000x128xf32, #tpu.memory_space<hbm>>) target(%dma_start3A_79 : memref<1000x128xf32, #tpu.memory_space<vmem_shared>>) target_semaphore(%run_scoped3A : memref<!tpu.dma_semaphore, #tpu.memory_space<semaphore_mem>>)
        %dma_wait3A = arith.constant 0 : i32
        %dma_wait3A_82 = tpu.memref_slice %arg11[%mul3A_77, %dma_wait3A] : memref<10000x128xf32, #tpu.memory_space<vmem_shared>> -> memref<1000x128xf32, #tpu.memory_space<vmem_shared>>
        %dma_wait3A_83 = arith.constant 0 : i32
        %dma_wait3A_84 = tpu.memref_slice %arg5[%mul3A_75, %dma_wait3A_83] : memref<10000x128xf32, #tpu.memory_space<hbm>> -> memref<1000x128xf32, #tpu.memory_space<hbm>>
        tpu.wait_dma2 semaphore(%run_scoped3A : memref<!tpu.dma_semaphore, #tpu.memory_space<semaphore_mem>>) src(%dma_wait3A_84 : memref<1000x128xf32, #tpu.memory_space<hbm>>) dst(%dma_wait3A_82 : memref<1000x128xf32, #tpu.memory_space<vmem_shared>>)
        tpu.yield
      }) : () -> ()
    } else {
    }
    %barrier3A = arith.constant 0 : index
    tpu.barrier barrier_id(%barrier3A)
    %scan3A = arith.constant 0 : i32
    %scan3A_63 = arith.constant 0 : i32
    %scan3A_64 = arith.constant 25 : i32
    %scan3A_65 = arith.addi %scan3A_63, %scan3A_64 : i32
    %scan3A_66 = arith.constant 1 : i32
    scf.for %scan3A_74 = %scan3A_63 to %scan3A_65 step %scan3A_66  : i32 {
      %mul3A_75 = arith.constant 2 : i32
      %mul3A_76 = arith.muli %scan3A_74, %mul3A_75 : i32
      %add3A_77 = arith.constant 0 : i32
      %add3A_78 = arith.addi %mul3A_76, %add3A_77 : i32
      %add3A_79 = arith.constant 1 : i32
      %add3A_80 = arith.addi %add3A_78, %add3A_79 : i32
      %lt3A_81 = arith.constant 50 : i32
      %lt3A_82 = arith.cmpi slt, %add3A_80, %lt3A_81 : i32
      %convert_element_type3A_83 = arith.extui %lt3A_82 : i1 to i32
      %cond3A_84 = arith.constant 0 : i32
      %cond3A_85 = arith.cmpi ne, %convert_element_type3A_83, %cond3A_84 : i32
      scf.if %cond3A_85 {
        %add3A_426 = arith.constant 1 : i32
        %add3A_427 = arith.addi %add3A_78, %add3A_426 : i32
        %mul3A_428 = arith.constant 200 : i32
        %mul3A_429 = arith.muli %add3A_427, %mul3A_428 : i32
        %add3A_430 = arith.addi %mul3A_2, %mul3A_429 : i32
        %dma_start3A_431 = tpu.memref_slice %arg3[%add3A_430] : memref<320000xi32, #tpu.memory_space<hbm>> -> memref<200xi32, #tpu.memory_space<hbm>>
        %dma_start3A_432 = tpu.memref_slice %arg3[%add3A_430] : memref<320000xi32, #tpu.memory_space<hbm>> -> memref<200xi32, #tpu.memory_space<hbm>>
        tpu.enqueue_dma source(%dma_start3A_432 : memref<200xi32, #tpu.memory_space<hbm>>) target(%arg8 : memref<200xi32, #tpu.memory_space<vmem>>) target_semaphore(%arg13 : memref<!tpu.dma_semaphore, #tpu.memory_space<semaphore_mem>>)
        %add3A_433 = arith.constant 0 : i32
        %add3A_434 = arith.addi %add3A_430, %add3A_433 : i32
        %dma_start3A_435 = arith.constant 5 : i32
        %dma_start3A_436 = arith.constant 0 : i32
        %dma_start3A_437 = tpu.memref_slice %arg9[%dma_start3A_435, %dma_start3A_436] : memref<10x40xi32, #tpu.memory_space<vmem>> -> memref<1x40xi32, #tpu.memory_space<vmem>>
        %dma_start3A_438 = tpu.memref_squeeze %dma_start3A_437 : memref<1x40xi32, #tpu.memory_space<vmem>> -> memref<40xi32, #tpu.memory_space<vmem>>
        %dma_start3A_439 = tpu.memref_slice %arg4[%add3A_434] : memref<320000xi32, #tpu.memory_space<hbm>> -> memref<40xi32, #tpu.memory_space<hbm>>
        %dma_start3A_440 = arith.constant 0 : i32
        %dma_start3A_441 = tpu.memref_slice %arg9[%dma_start3A_435, %dma_start3A_440] : memref<10x40xi32, #tpu.memory_space<vmem>> -> memref<1x40xi32, #tpu.memory_space<vmem>>
        %dma_start3A_442 = tpu.memref_squeeze %dma_start3A_441 : memref<1x40xi32, #tpu.memory_space<vmem>> -> memref<40xi32, #tpu.memory_space<vmem>>
        %dma_start3A_443 = tpu.memref_slice %arg4[%add3A_434] : memref<320000xi32, #tpu.memory_space<hbm>> -> memref<40xi32, #tpu.memory_space<hbm>>
        tpu.enqueue_dma source(%dma_start3A_443 : memref<40xi32, #tpu.memory_space<hbm>>) target(%dma_start3A_442 : memref<40xi32, #tpu.memory_space<vmem>>) target_semaphore(%arg13 : memref<!tpu.dma_semaphore, #tpu.memory_space<semaphore_mem>>)
        %add3A_444 = arith.constant 40 : i32
        %add3A_445 = arith.addi %add3A_430, %add3A_444 : i32
        %dma_start3A_446 = arith.constant 6 : i32
        %dma_start3A_447 = arith.constant 0 : i32
        %dma_start3A_448 = tpu.memref_slice %arg9[%dma_start3A_446, %dma_start3A_447] : memref<10x40xi32, #tpu.memory_space<vmem>> -> memref<1x40xi32, #tpu.memory_space<vmem>>
        %dma_start3A_449 = tpu.memref_squeeze %dma_start3A_448 : memref<1x40xi32, #tpu.memory_space<vmem>> -> memref<40xi32, #tpu.memory_space<vmem>>
        %dma_start3A_450 = tpu.memref_slice %arg4[%add3A_445] : memref<320000xi32, #tpu.memory_space<hbm>> -> memref<40xi32, #tpu.memory_space<hbm>>
        %dma_start3A_451 = arith.constant 0 : i32
        %dma_start3A_452 = tpu.memref_slice %arg9[%dma_start3A_446, %dma_start3A_451] : memref<10x40xi32, #tpu.memory_space<vmem>> -> memref<1x40xi32, #tpu.memory_space<vmem>>
        %dma_start3A_453 = tpu.memref_squeeze %dma_start3A_452 : memref<1x40xi32, #tpu.memory_space<vmem>> -> memref<40xi32, #tpu.memory_space<vmem>>
        %dma_start3A_454 = tpu.memref_slice %arg4[%add3A_445] : memref<320000xi32, #tpu.memory_space<hbm>> -> memref<40xi32, #tpu.memory_space<hbm>>
        tpu.enqueue_dma source(%dma_start3A_454 : memref<40xi32, #tpu.memory_space<hbm>>) target(%dma_start3A_453 : memref<40xi32, #tpu.memory_space<vmem>>) target_semaphore(%arg13 : memref<!tpu.dma_semaphore, #tpu.memory_space<semaphore_mem>>)
        %add3A_455 = arith.constant 80 : i32
        %add3A_456 = arith.addi %add3A_430, %add3A_455 : i32
        %dma_start3A_457 = arith.constant 7 : i32
        %dma_start3A_458 = arith.constant 0 : i32
        %dma_start3A_459 = tpu.memref_slice %arg9[%dma_start3A_457, %dma_start3A_458] : memref<10x40xi32, #tpu.memory_space<vmem>> -> memref<1x40xi32, #tpu.memory_space<vmem>>
        %dma_start3A_460 = tpu.memref_squeeze %dma_start3A_459 : memref<1x40xi32, #tpu.memory_space<vmem>> -> memref<40xi32, #tpu.memory_space<vmem>>
        %dma_start3A_461 = tpu.memref_slice %arg4[%add3A_456] : memref<320000xi32, #tpu.memory_space<hbm>> -> memref<40xi32, #tpu.memory_space<hbm>>
        %dma_start3A_462 = arith.constant 0 : i32
        %dma_start3A_463 = tpu.memref_slice %arg9[%dma_start3A_457, %dma_start3A_462] : memref<10x40xi32, #tpu.memory_space<vmem>> -> memref<1x40xi32, #tpu.memory_space<vmem>>
        %dma_start3A_464 = tpu.memref_squeeze %dma_start3A_463 : memref<1x40xi32, #tpu.memory_space<vmem>> -> memref<40xi32, #tpu.memory_space<vmem>>
        %dma_start3A_465 = tpu.memref_slice %arg4[%add3A_456] : memref<320000xi32, #tpu.memory_space<hbm>> -> memref<40xi32, #tpu.memory_space<hbm>>
        tpu.enqueue_dma source(%dma_start3A_465 : memref<40xi32, #tpu.memory_space<hbm>>) target(%dma_start3A_464 : memref<40xi32, #tpu.memory_space<vmem>>) target_semaphore(%arg13 : memref<!tpu.dma_semaphore, #tpu.memory_space<semaphore_mem>>)
        %add3A_466 = arith.constant 120 : i32
        %add3A_467 = arith.addi %add3A_430, %add3A_466 : i32
        %dma_start3A_468 = arith.constant 8 : i32
        %dma_start3A_469 = arith.constant 0 : i32
        %dma_start3A_470 = tpu.memref_slice %arg9[%dma_start3A_468, %dma_start3A_469] : memref<10x40xi32, #tpu.memory_space<vmem>> -> memref<1x40xi32, #tpu.memory_space<vmem>>
        %dma_start3A_471 = tpu.memref_squeeze %dma_start3A_470 : memref<1x40xi32, #tpu.memory_space<vmem>> -> memref<40xi32, #tpu.memory_space<vmem>>
        %dma_start3A_472 = tpu.memref_slice %arg4[%add3A_467] : memref<320000xi32, #tpu.memory_space<hbm>> -> memref<40xi32, #tpu.memory_space<hbm>>
        %dma_start3A_473 = arith.constant 0 : i32
        %dma_start3A_474 = tpu.memref_slice %arg9[%dma_start3A_468, %dma_start3A_473] : memref<10x40xi32, #tpu.memory_space<vmem>> -> memref<1x40xi32, #tpu.memory_space<vmem>>
        %dma_start3A_475 = tpu.memref_squeeze %dma_start3A_474 : memref<1x40xi32, #tpu.memory_space<vmem>> -> memref<40xi32, #tpu.memory_space<vmem>>
        %dma_start3A_476 = tpu.memref_slice %arg4[%add3A_467] : memref<320000xi32, #tpu.memory_space<hbm>> -> memref<40xi32, #tpu.memory_space<hbm>>
        tpu.enqueue_dma source(%dma_start3A_476 : memref<40xi32, #tpu.memory_space<hbm>>) target(%dma_start3A_475 : memref<40xi32, #tpu.memory_space<vmem>>) target_semaphore(%arg13 : memref<!tpu.dma_semaphore, #tpu.memory_space<semaphore_mem>>)
        %add3A_477 = arith.constant 160 : i32
        %add3A_478 = arith.addi %add3A_430, %add3A_477 : i32
        %dma_start3A_479 = arith.constant 9 : i32
        %dma_start3A_480 = arith.constant 0 : i32
        %dma_start3A_481 = tpu.memref_slice %arg9[%dma_start3A_479, %dma_start3A_480] : memref<10x40xi32, #tpu.memory_space<vmem>> -> memref<1x40xi32, #tpu.memory_space<vmem>>
        %dma_start3A_482 = tpu.memref_squeeze %dma_start3A_481 : memref<1x40xi32, #tpu.memory_space<vmem>> -> memref<40xi32, #tpu.memory_space<vmem>>
        %dma_start3A_483 = tpu.memref_slice %arg4[%add3A_478] : memref<320000xi32, #tpu.memory_space<hbm>> -> memref<40xi32, #tpu.memory_space<hbm>>
        %dma_start3A_484 = arith.constant 0 : i32
        %dma_start3A_485 = tpu.memref_slice %arg9[%dma_start3A_479, %dma_start3A_484] : memref<10x40xi32, #tpu.memory_space<vmem>> -> memref<1x40xi32, #tpu.memory_space<vmem>>
        %dma_start3A_486 = tpu.memref_squeeze %dma_start3A_485 : memref<1x40xi32, #tpu.memory_space<vmem>> -> memref<40xi32, #tpu.memory_space<vmem>>
        %dma_start3A_487 = tpu.memref_slice %arg4[%add3A_478] : memref<320000xi32, #tpu.memory_space<hbm>> -> memref<40xi32, #tpu.memory_space<hbm>>
        tpu.enqueue_dma source(%dma_start3A_487 : memref<40xi32, #tpu.memory_space<hbm>>) target(%dma_start3A_486 : memref<40xi32, #tpu.memory_space<vmem>>) target_semaphore(%arg13 : memref<!tpu.dma_semaphore, #tpu.memory_space<semaphore_mem>>)
      } else {
      }
      %dma_wait3A = arith.constant 0 : i32
      %dma_wait3A_86 = tpu.memref_slice %arg3[%dma_wait3A] : memref<320000xi32, #tpu.memory_space<hbm>> -> memref<200xi32, #tpu.memory_space<hbm>>
      %dma_wait3A_87 = arith.constant 0 : i32
      %dma_wait3A_88 = tpu.memref_slice %arg3[%dma_wait3A_87] : memref<320000xi32, #tpu.memory_space<hbm>> -> memref<200xi32, #tpu.memory_space<hbm>>
      tpu.wait_dma2 semaphore(%arg12 : memref<!tpu.dma_semaphore, #tpu.memory_space<semaphore_mem>>) src(%dma_wait3A_88 : memref<200xi32, #tpu.memory_space<hbm>>) dst(%arg7 : memref<200xi32, #tpu.memory_space<vmem>>)
      %dma_wait3A_89 = arith.constant 0 : i32
      %dma_wait3A_90 = arith.constant 0 : i32
      %dma_wait3A_91 = tpu.memref_slice %arg9[%dma_wait3A_89, %dma_wait3A_90] : memref<10x40xi32, #tpu.memory_space<vmem>> -> memref<1x40xi32, #tpu.memory_space<vmem>>
      %dma_wait3A_92 = tpu.memref_squeeze %dma_wait3A_91 : memref<1x40xi32, #tpu.memory_space<vmem>> -> memref<40xi32, #tpu.memory_space<vmem>>
      %dma_wait3A_93 = arith.constant 0 : i32
      %dma_wait3A_94 = tpu.memref_slice %arg4[%dma_wait3A_93] : memref<320000xi32, #tpu.memory_space<hbm>> -> memref<40xi32, #tpu.memory_space<hbm>>
      %dma_wait3A_95 = arith.constant 0 : i32
      %dma_wait3A_96 = tpu.memref_slice %arg9[%dma_wait3A_89, %dma_wait3A_95] : memref<10x40xi32, #tpu.memory_space<vmem>> -> memref<1x40xi32, #tpu.memory_space<vmem>>
      %dma_wait3A_97 = tpu.memref_squeeze %dma_wait3A_96 : memref<1x40xi32, #tpu.memory_space<vmem>> -> memref<40xi32, #tpu.memory_space<vmem>>
      %dma_wait3A_98 = arith.constant 0 : i32
      %dma_wait3A_99 = tpu.memref_slice %arg4[%dma_wait3A_98] : memref<320000xi32, #tpu.memory_space<hbm>> -> memref<40xi32, #tpu.memory_space<hbm>>
      tpu.wait_dma2 semaphore(%arg12 : memref<!tpu.dma_semaphore, #tpu.memory_space<semaphore_mem>>) src(%dma_wait3A_99 : memref<40xi32, #tpu.memory_space<hbm>>) dst(%dma_wait3A_97 : memref<40xi32, #tpu.memory_space<vmem>>)
      %dma_wait3A_100 = arith.constant 1 : i32
      %dma_wait3A_101 = arith.constant 0 : i32
      %dma_wait3A_102 = tpu.memref_slice %arg9[%dma_wait3A_100, %dma_wait3A_101] : memref<10x40xi32, #tpu.memory_space<vmem>> -> memref<1x40xi32, #tpu.memory_space<vmem>>
      %dma_wait3A_103 = tpu.memref_squeeze %dma_wait3A_102 : memref<1x40xi32, #tpu.memory_space<vmem>> -> memref<40xi32, #tpu.memory_space<vmem>>
      %dma_wait3A_104 = arith.constant 0 : i32
      %dma_wait3A_105 = tpu.memref_slice %arg4[%dma_wait3A_104] : memref<320000xi32, #tpu.memory_space<hbm>> -> memref<40xi32, #tpu.memory_space<hbm>>
      %dma_wait3A_106 = arith.constant 0 : i32
      %dma_wait3A_107 = tpu.memref_slice %arg9[%dma_wait3A_100, %dma_wait3A_106] : memref<10x40xi32, #tpu.memory_space<vmem>> -> memref<1x40xi32, #tpu.memory_space<vmem>>
      %dma_wait3A_108 = tpu.memref_squeeze %dma_wait3A_107 : memref<1x40xi32, #tpu.memory_space<vmem>> -> memref<40xi32, #tpu.memory_space<vmem>>
      %dma_wait3A_109 = arith.constant 0 : i32
      %dma_wait3A_110 = tpu.memref_slice %arg4[%dma_wait3A_109] : memref<320000xi32, #tpu.memory_space<hbm>> -> memref<40xi32, #tpu.memory_space<hbm>>
      tpu.wait_dma2 semaphore(%arg12 : memref<!tpu.dma_semaphore, #tpu.memory_space<semaphore_mem>>) src(%dma_wait3A_110 : memref<40xi32, #tpu.memory_space<hbm>>) dst(%dma_wait3A_108 : memref<40xi32, #tpu.memory_space<vmem>>)
      %dma_wait3A_111 = arith.constant 2 : i32
      %dma_wait3A_112 = arith.constant 0 : i32
      %dma_wait3A_113 = tpu.memref_slice %arg9[%dma_wait3A_111, %dma_wait3A_112] : memref<10x40xi32, #tpu.memory_space<vmem>> -> memref<1x40xi32, #tpu.memory_space<vmem>>
      %dma_wait3A_114 = tpu.memref_squeeze %dma_wait3A_113 : memref<1x40xi32, #tpu.memory_space<vmem>> -> memref<40xi32, #tpu.memory_space<vmem>>
      %dma_wait3A_115 = arith.constant 0 : i32
      %dma_wait3A_116 = tpu.memref_slice %arg4[%dma_wait3A_115] : memref<320000xi32, #tpu.memory_space<hbm>> -> memref<40xi32, #tpu.memory_space<hbm>>
      %dma_wait3A_117 = arith.constant 0 : i32
      %dma_wait3A_118 = tpu.memref_slice %arg9[%dma_wait3A_111, %dma_wait3A_117] : memref<10x40xi32, #tpu.memory_space<vmem>> -> memref<1x40xi32, #tpu.memory_space<vmem>>
      %dma_wait3A_119 = tpu.memref_squeeze %dma_wait3A_118 : memref<1x40xi32, #tpu.memory_space<vmem>> -> memref<40xi32, #tpu.memory_space<vmem>>
      %dma_wait3A_120 = arith.constant 0 : i32
      %dma_wait3A_121 = tpu.memref_slice %arg4[%dma_wait3A_120] : memref<320000xi32, #tpu.memory_space<hbm>> -> memref<40xi32, #tpu.memory_space<hbm>>
      tpu.wait_dma2 semaphore(%arg12 : memref<!tpu.dma_semaphore, #tpu.memory_space<semaphore_mem>>) src(%dma_wait3A_121 : memref<40xi32, #tpu.memory_space<hbm>>) dst(%dma_wait3A_119 : memref<40xi32, #tpu.memory_space<vmem>>)
      %dma_wait3A_122 = arith.constant 3 : i32
      %dma_wait3A_123 = arith.constant 0 : i32
      %dma_wait3A_124 = tpu.memref_slice %arg9[%dma_wait3A_122, %dma_wait3A_123] : memref<10x40xi32, #tpu.memory_space<vmem>> -> memref<1x40xi32, #tpu.memory_space<vmem>>
      %dma_wait3A_125 = tpu.memref_squeeze %dma_wait3A_124 : memref<1x40xi32, #tpu.memory_space<vmem>> -> memref<40xi32, #tpu.memory_space<vmem>>
      %dma_wait3A_126 = arith.constant 0 : i32
      %dma_wait3A_127 = tpu.memref_slice %arg4[%dma_wait3A_126] : memref<320000xi32, #tpu.memory_space<hbm>> -> memref<40xi32, #tpu.memory_space<hbm>>
      %dma_wait3A_128 = arith.constant 0 : i32
      %dma_wait3A_129 = tpu.memref_slice %arg9[%dma_wait3A_122, %dma_wait3A_128] : memref<10x40xi32, #tpu.memory_space<vmem>> -> memref<1x40xi32, #tpu.memory_space<vmem>>
      %dma_wait3A_130 = tpu.memref_squeeze %dma_wait3A_129 : memref<1x40xi32, #tpu.memory_space<vmem>> -> memref<40xi32, #tpu.memory_space<vmem>>
      %dma_wait3A_131 = arith.constant 0 : i32
      %dma_wait3A_132 = tpu.memref_slice %arg4[%dma_wait3A_131] : memref<320000xi32, #tpu.memory_space<hbm>> -> memref<40xi32, #tpu.memory_space<hbm>>
      tpu.wait_dma2 semaphore(%arg12 : memref<!tpu.dma_semaphore, #tpu.memory_space<semaphore_mem>>) src(%dma_wait3A_132 : memref<40xi32, #tpu.memory_space<hbm>>) dst(%dma_wait3A_130 : memref<40xi32, #tpu.memory_space<vmem>>)
      %dma_wait3A_133 = arith.constant 4 : i32
      %dma_wait3A_134 = arith.constant 0 : i32
      %dma_wait3A_135 = tpu.memref_slice %arg9[%dma_wait3A_133, %dma_wait3A_134] : memref<10x40xi32, #tpu.memory_space<vmem>> -> memref<1x40xi32, #tpu.memory_space<vmem>>
      %dma_wait3A_136 = tpu.memref_squeeze %dma_wait3A_135 : memref<1x40xi32, #tpu.memory_space<vmem>> -> memref<40xi32, #tpu.memory_space<vmem>>
      %dma_wait3A_137 = arith.constant 0 : i32
      %dma_wait3A_138 = tpu.memref_slice %arg4[%dma_wait3A_137] : memref<320000xi32, #tpu.memory_space<hbm>> -> memref<40xi32, #tpu.memory_space<hbm>>
      %dma_wait3A_139 = arith.constant 0 : i32
      %dma_wait3A_140 = tpu.memref_slice %arg9[%dma_wait3A_133, %dma_wait3A_139] : memref<10x40xi32, #tpu.memory_space<vmem>> -> memref<1x40xi32, #tpu.memory_space<vmem>>
      %dma_wait3A_141 = tpu.memref_squeeze %dma_wait3A_140 : memref<1x40xi32, #tpu.memory_space<vmem>> -> memref<40xi32, #tpu.memory_space<vmem>>
      %dma_wait3A_142 = arith.constant 0 : i32
      %dma_wait3A_143 = tpu.memref_slice %arg4[%dma_wait3A_142] : memref<320000xi32, #tpu.memory_space<hbm>> -> memref<40xi32, #tpu.memory_space<hbm>>
      tpu.wait_dma2 semaphore(%arg12 : memref<!tpu.dma_semaphore, #tpu.memory_space<semaphore_mem>>) src(%dma_wait3A_143 : memref<40xi32, #tpu.memory_space<hbm>>) dst(%dma_wait3A_141 : memref<40xi32, #tpu.memory_space<vmem>>)
      %dma_start3A_144 = arith.constant 0 : i32
      %dma_start3A_145 = arith.constant 0 : i32
      %dma_start3A_146 = tpu.memref_slice %arg2[%dma_start3A_144, %dma_start3A_145] : memref<10000x128xf32, #tpu.memory_space<hbm>> -> memref<10000x128xf32, #tpu.memory_space<hbm>>
      tpu.enqueue_indirect_dma source(%dma_start3A_146 : memref<10000x128xf32, #tpu.memory_space<hbm>>) target(%arg10 : memref<200x128xf32, #tpu.memory_space<vmem>>) offsets(%arg7 : memref<200xi32, #tpu.memory_space<vmem>>) semaphore(%arg14 : memref<!tpu.dma_semaphore, #tpu.memory_space<semaphore_mem>>)
      %dma_wait3A_147 = arith.constant 0 : i32
      %dma_wait3A_148 = arith.constant 0 : i32
      %dma_wait3A_149 = tpu.memref_slice %arg2[%dma_wait3A_147, %dma_wait3A_148] : memref<10000x128xf32, #tpu.memory_space<hbm>> -> memref<10000x128xf32, #tpu.memory_space<hbm>>
      tpu.wait_indirect_dma semaphore(%arg14 : memref<!tpu.dma_semaphore, #tpu.memory_space<semaphore_mem>>) src(%dma_wait3A_149 : memref<10000x128xf32, #tpu.memory_space<hbm>>) dst(%arg10 : memref<200x128xf32, #tpu.memory_space<vmem>>)
      %dma_start3A_150 = arith.constant 0 : i32
      %dma_start3A_151 = arith.constant 0 : i32
      %dma_start3A_152 = arith.constant 0 : i32
      %dma_start3A_153 = tpu.memref_slice %arg10[%dma_start3A_151, %dma_start3A_152] : memref<200x128xf32, #tpu.memory_space<vmem>> -> memref<40x128xf32, #tpu.memory_space<vmem>>
      %dma_start3A_154 = arith.constant 0 : i32
      %dma_start3A_155 = tpu.memref_slice %arg9[%dma_start3A_150, %dma_start3A_154] : memref<10x40xi32, #tpu.memory_space<vmem>> -> memref<1x40xi32, #tpu.memory_space<vmem>>
      %dma_start3A_156 = tpu.memref_squeeze %dma_start3A_155 : memref<1x40xi32, #tpu.memory_space<vmem>> -> memref<40xi32, #tpu.memory_space<vmem>>
      %dma_start3A_157 = arith.constant 0 : i32
      %dma_start3A_158 = arith.constant 0 : i32
      %dma_start3A_159 = tpu.memref_slice %arg11[%dma_start3A_157, %dma_start3A_158] : memref<10000x128xf32, #tpu.memory_space<vmem_shared>> -> memref<10000x128xf32, #tpu.memory_space<vmem_shared>>
      tpu.enqueue_indirect_dma source(%dma_start3A_153 : memref<40x128xf32, #tpu.memory_space<vmem>>) target(%dma_start3A_159 : memref<10000x128xf32, #tpu.memory_space<vmem_shared>>) offsets(%dma_start3A_156 : memref<40xi32, #tpu.memory_space<vmem>>) semaphore(%arg15 : memref<!tpu.dma_semaphore, #tpu.memory_space<semaphore_mem>>) {add = true}
      %dma_start3A_160 = arith.constant 1 : i32
      %dma_start3A_161 = arith.constant 40 : i32
      %dma_start3A_162 = arith.constant 0 : i32
      %dma_start3A_163 = tpu.memref_slice %arg10[%dma_start3A_161, %dma_start3A_162] : memref<200x128xf32, #tpu.memory_space<vmem>> -> memref<40x128xf32, #tpu.memory_space<vmem>>
      %dma_start3A_164 = arith.constant 0 : i32
      %dma_start3A_165 = tpu.memref_slice %arg9[%dma_start3A_160, %dma_start3A_164] : memref<10x40xi32, #tpu.memory_space<vmem>> -> memref<1x40xi32, #tpu.memory_space<vmem>>
      %dma_start3A_166 = tpu.memref_squeeze %dma_start3A_165 : memref<1x40xi32, #tpu.memory_space<vmem>> -> memref<40xi32, #tpu.memory_space<vmem>>
      %dma_start3A_167 = arith.constant 0 : i32
      %dma_start3A_168 = arith.constant 0 : i32
      %dma_start3A_169 = tpu.memref_slice %arg11[%dma_start3A_167, %dma_start3A_168] : memref<10000x128xf32, #tpu.memory_space<vmem_shared>> -> memref<10000x128xf32, #tpu.memory_space<vmem_shared>>
      tpu.enqueue_indirect_dma source(%dma_start3A_163 : memref<40x128xf32, #tpu.memory_space<vmem>>) target(%dma_start3A_169 : memref<10000x128xf32, #tpu.memory_space<vmem_shared>>) offsets(%dma_start3A_166 : memref<40xi32, #tpu.memory_space<vmem>>) semaphore(%arg15 : memref<!tpu.dma_semaphore, #tpu.memory_space<semaphore_mem>>) {add = true}
      %dma_start3A_170 = arith.constant 2 : i32
      %dma_start3A_171 = arith.constant 80 : i32
      %dma_start3A_172 = arith.constant 0 : i32
      %dma_start3A_173 = tpu.memref_slice %arg10[%dma_start3A_171, %dma_start3A_172] : memref<200x128xf32, #tpu.memory_space<vmem>> -> memref<40x128xf32, #tpu.memory_space<vmem>>
      %dma_start3A_174 = arith.constant 0 : i32
      %dma_start3A_175 = tpu.memref_slice %arg9[%dma_start3A_170, %dma_start3A_174] : memref<10x40xi32, #tpu.memory_space<vmem>> -> memref<1x40xi32, #tpu.memory_space<vmem>>
      %dma_start3A_176 = tpu.memref_squeeze %dma_start3A_175 : memref<1x40xi32, #tpu.memory_space<vmem>> -> memref<40xi32, #tpu.memory_space<vmem>>
      %dma_start3A_177 = arith.constant 0 : i32
      %dma_start3A_178 = arith.constant 0 : i32
      %dma_start3A_179 = tpu.memref_slice %arg11[%dma_start3A_177, %dma_start3A_178] : memref<10000x128xf32, #tpu.memory_space<vmem_shared>> -> memref<10000x128xf32, #tpu.memory_space<vmem_shared>>
      tpu.enqueue_indirect_dma source(%dma_start3A_173 : memref<40x128xf32, #tpu.memory_space<vmem>>) target(%dma_start3A_179 : memref<10000x128xf32, #tpu.memory_space<vmem_shared>>) offsets(%dma_start3A_176 : memref<40xi32, #tpu.memory_space<vmem>>) semaphore(%arg15 : memref<!tpu.dma_semaphore, #tpu.memory_space<semaphore_mem>>) {add = true}
      %dma_start3A_180 = arith.constant 3 : i32
      %dma_start3A_181 = arith.constant 120 : i32
      %dma_start3A_182 = arith.constant 0 : i32
      %dma_start3A_183 = tpu.memref_slice %arg10[%dma_start3A_181, %dma_start3A_182] : memref<200x128xf32, #tpu.memory_space<vmem>> -> memref<40x128xf32, #tpu.memory_space<vmem>>
      %dma_start3A_184 = arith.constant 0 : i32
      %dma_start3A_185 = tpu.memref_slice %arg9[%dma_start3A_180, %dma_start3A_184] : memref<10x40xi32, #tpu.memory_space<vmem>> -> memref<1x40xi32, #tpu.memory_space<vmem>>
      %dma_start3A_186 = tpu.memref_squeeze %dma_start3A_185 : memref<1x40xi32, #tpu.memory_space<vmem>> -> memref<40xi32, #tpu.memory_space<vmem>>
      %dma_start3A_187 = arith.constant 0 : i32
      %dma_start3A_188 = arith.constant 0 : i32
      %dma_start3A_189 = tpu.memref_slice %arg11[%dma_start3A_187, %dma_start3A_188] : memref<10000x128xf32, #tpu.memory_space<vmem_shared>> -> memref<10000x128xf32, #tpu.memory_space<vmem_shared>>
      tpu.enqueue_indirect_dma source(%dma_start3A_183 : memref<40x128xf32, #tpu.memory_space<vmem>>) target(%dma_start3A_189 : memref<10000x128xf32, #tpu.memory_space<vmem_shared>>) offsets(%dma_start3A_186 : memref<40xi32, #tpu.memory_space<vmem>>) semaphore(%arg15 : memref<!tpu.dma_semaphore, #tpu.memory_space<semaphore_mem>>) {add = true}
      %dma_start3A_190 = arith.constant 4 : i32
      %dma_start3A_191 = arith.constant 160 : i32
      %dma_start3A_192 = arith.constant 0 : i32
      %dma_start3A_193 = tpu.memref_slice %arg10[%dma_start3A_191, %dma_start3A_192] : memref<200x128xf32, #tpu.memory_space<vmem>> -> memref<40x128xf32, #tpu.memory_space<vmem>>
      %dma_start3A_194 = arith.constant 0 : i32
      %dma_start3A_195 = tpu.memref_slice %arg9[%dma_start3A_190, %dma_start3A_194] : memref<10x40xi32, #tpu.memory_space<vmem>> -> memref<1x40xi32, #tpu.memory_space<vmem>>
      %dma_start3A_196 = tpu.memref_squeeze %dma_start3A_195 : memref<1x40xi32, #tpu.memory_space<vmem>> -> memref<40xi32, #tpu.memory_space<vmem>>
      %dma_start3A_197 = arith.constant 0 : i32
      %dma_start3A_198 = arith.constant 0 : i32
      %dma_start3A_199 = tpu.memref_slice %arg11[%dma_start3A_197, %dma_start3A_198] : memref<10000x128xf32, #tpu.memory_space<vmem_shared>> -> memref<10000x128xf32, #tpu.memory_space<vmem_shared>>
      tpu.enqueue_indirect_dma source(%dma_start3A_193 : memref<40x128xf32, #tpu.memory_space<vmem>>) target(%dma_start3A_199 : memref<10000x128xf32, #tpu.memory_space<vmem_shared>>) offsets(%dma_start3A_196 : memref<40xi32, #tpu.memory_space<vmem>>) semaphore(%arg15 : memref<!tpu.dma_semaphore, #tpu.memory_space<semaphore_mem>>) {add = true}
      %dma_wait3A_200 = arith.constant 0 : i32
      %dma_wait3A_201 = arith.constant 0 : i32
      %dma_wait3A_202 = arith.constant 0 : i32
      %dma_wait3A_203 = tpu.memref_slice %arg10[%dma_wait3A_201, %dma_wait3A_202] : memref<200x128xf32, #tpu.memory_space<vmem>> -> memref<40x128xf32, #tpu.memory_space<vmem>>
      %dma_wait3A_204 = arith.constant 0 : i32
      %dma_wait3A_205 = tpu.memref_slice %arg9[%dma_wait3A_200, %dma_wait3A_204] : memref<10x40xi32, #tpu.memory_space<vmem>> -> memref<1x40xi32, #tpu.memory_space<vmem>>
      %dma_wait3A_206 = tpu.memref_squeeze %dma_wait3A_205 : memref<1x40xi32, #tpu.memory_space<vmem>> -> memref<40xi32, #tpu.memory_space<vmem>>
      %dma_wait3A_207 = arith.constant 0 : i32
      %dma_wait3A_208 = arith.constant 0 : i32
      %dma_wait3A_209 = tpu.memref_slice %arg11[%dma_wait3A_207, %dma_wait3A_208] : memref<10000x128xf32, #tpu.memory_space<vmem_shared>> -> memref<10000x128xf32, #tpu.memory_space<vmem_shared>>
      tpu.wait_indirect_dma semaphore(%arg15 : memref<!tpu.dma_semaphore, #tpu.memory_space<semaphore_mem>>) src(%dma_wait3A_203 : memref<40x128xf32, #tpu.memory_space<vmem>>) dst(%dma_wait3A_209 : memref<10000x128xf32, #tpu.memory_space<vmem_shared>>)
      %dma_wait3A_210 = arith.constant 1 : i32
      %dma_wait3A_211 = arith.constant 40 : i32
      %dma_wait3A_212 = arith.constant 0 : i32
      %dma_wait3A_213 = tpu.memref_slice %arg10[%dma_wait3A_211, %dma_wait3A_212] : memref<200x128xf32, #tpu.memory_space<vmem>> -> memref<40x128xf32, #tpu.memory_space<vmem>>
      %dma_wait3A_214 = arith.constant 0 : i32
      %dma_wait3A_215 = tpu.memref_slice %arg9[%dma_wait3A_210, %dma_wait3A_214] : memref<10x40xi32, #tpu.memory_space<vmem>> -> memref<1x40xi32, #tpu.memory_space<vmem>>
      %dma_wait3A_216 = tpu.memref_squeeze %dma_wait3A_215 : memref<1x40xi32, #tpu.memory_space<vmem>> -> memref<40xi32, #tpu.memory_space<vmem>>
      %dma_wait3A_217 = arith.constant 0 : i32
      %dma_wait3A_218 = arith.constant 0 : i32
      %dma_wait3A_219 = tpu.memref_slice %arg11[%dma_wait3A_217, %dma_wait3A_218] : memref<10000x128xf32, #tpu.memory_space<vmem_shared>> -> memref<10000x128xf32, #tpu.memory_space<vmem_shared>>
      tpu.wait_indirect_dma semaphore(%arg15 : memref<!tpu.dma_semaphore, #tpu.memory_space<semaphore_mem>>) src(%dma_wait3A_213 : memref<40x128xf32, #tpu.memory_space<vmem>>) dst(%dma_wait3A_219 : memref<10000x128xf32, #tpu.memory_space<vmem_shared>>)
      %dma_wait3A_220 = arith.constant 2 : i32
      %dma_wait3A_221 = arith.constant 80 : i32
      %dma_wait3A_222 = arith.constant 0 : i32
      %dma_wait3A_223 = tpu.memref_slice %arg10[%dma_wait3A_221, %dma_wait3A_222] : memref<200x128xf32, #tpu.memory_space<vmem>> -> memref<40x128xf32, #tpu.memory_space<vmem>>
      %dma_wait3A_224 = arith.constant 0 : i32
      %dma_wait3A_225 = tpu.memref_slice %arg9[%dma_wait3A_220, %dma_wait3A_224] : memref<10x40xi32, #tpu.memory_space<vmem>> -> memref<1x40xi32, #tpu.memory_space<vmem>>
      %dma_wait3A_226 = tpu.memref_squeeze %dma_wait3A_225 : memref<1x40xi32, #tpu.memory_space<vmem>> -> memref<40xi32, #tpu.memory_space<vmem>>
      %dma_wait3A_227 = arith.constant 0 : i32
      %dma_wait3A_228 = arith.constant 0 : i32
      %dma_wait3A_229 = tpu.memref_slice %arg11[%dma_wait3A_227, %dma_wait3A_228] : memref<10000x128xf32, #tpu.memory_space<vmem_shared>> -> memref<10000x128xf32, #tpu.memory_space<vmem_shared>>
      tpu.wait_indirect_dma semaphore(%arg15 : memref<!tpu.dma_semaphore, #tpu.memory_space<semaphore_mem>>) src(%dma_wait3A_223 : memref<40x128xf32, #tpu.memory_space<vmem>>) dst(%dma_wait3A_229 : memref<10000x128xf32, #tpu.memory_space<vmem_shared>>)
      %dma_wait3A_230 = arith.constant 3 : i32
      %dma_wait3A_231 = arith.constant 120 : i32
      %dma_wait3A_232 = arith.constant 0 : i32
      %dma_wait3A_233 = tpu.memref_slice %arg10[%dma_wait3A_231, %dma_wait3A_232] : memref<200x128xf32, #tpu.memory_space<vmem>> -> memref<40x128xf32, #tpu.memory_space<vmem>>
      %dma_wait3A_234 = arith.constant 0 : i32
      %dma_wait3A_235 = tpu.memref_slice %arg9[%dma_wait3A_230, %dma_wait3A_234] : memref<10x40xi32, #tpu.memory_space<vmem>> -> memref<1x40xi32, #tpu.memory_space<vmem>>
      %dma_wait3A_236 = tpu.memref_squeeze %dma_wait3A_235 : memref<1x40xi32, #tpu.memory_space<vmem>> -> memref<40xi32, #tpu.memory_space<vmem>>
      %dma_wait3A_237 = arith.constant 0 : i32
      %dma_wait3A_238 = arith.constant 0 : i32
      %dma_wait3A_239 = tpu.memref_slice %arg11[%dma_wait3A_237, %dma_wait3A_238] : memref<10000x128xf32, #tpu.memory_space<vmem_shared>> -> memref<10000x128xf32, #tpu.memory_space<vmem_shared>>
      tpu.wait_indirect_dma semaphore(%arg15 : memref<!tpu.dma_semaphore, #tpu.memory_space<semaphore_mem>>) src(%dma_wait3A_233 : memref<40x128xf32, #tpu.memory_space<vmem>>) dst(%dma_wait3A_239 : memref<10000x128xf32, #tpu.memory_space<vmem_shared>>)
      %dma_wait3A_240 = arith.constant 4 : i32
      %dma_wait3A_241 = arith.constant 160 : i32
      %dma_wait3A_242 = arith.constant 0 : i32
      %dma_wait3A_243 = tpu.memref_slice %arg10[%dma_wait3A_241, %dma_wait3A_242] : memref<200x128xf32, #tpu.memory_space<vmem>> -> memref<40x128xf32, #tpu.memory_space<vmem>>
      %dma_wait3A_244 = arith.constant 0 : i32
      %dma_wait3A_245 = tpu.memref_slice %arg9[%dma_wait3A_240, %dma_wait3A_244] : memref<10x40xi32, #tpu.memory_space<vmem>> -> memref<1x40xi32, #tpu.memory_space<vmem>>
      %dma_wait3A_246 = tpu.memref_squeeze %dma_wait3A_245 : memref<1x40xi32, #tpu.memory_space<vmem>> -> memref<40xi32, #tpu.memory_space<vmem>>
      %dma_wait3A_247 = arith.constant 0 : i32
      %dma_wait3A_248 = arith.constant 0 : i32
      %dma_wait3A_249 = tpu.memref_slice %arg11[%dma_wait3A_247, %dma_wait3A_248] : memref<10000x128xf32, #tpu.memory_space<vmem_shared>> -> memref<10000x128xf32, #tpu.memory_space<vmem_shared>>
      tpu.wait_indirect_dma semaphore(%arg15 : memref<!tpu.dma_semaphore, #tpu.memory_space<semaphore_mem>>) src(%dma_wait3A_243 : memref<40x128xf32, #tpu.memory_space<vmem>>) dst(%dma_wait3A_249 : memref<10000x128xf32, #tpu.memory_space<vmem_shared>>)
      %mul3A_250 = arith.constant 2 : i32
      %mul3A_251 = arith.muli %scan3A_74, %mul3A_250 : i32
      %add3A_252 = arith.constant 1 : i32
      %add3A_253 = arith.addi %mul3A_251, %add3A_252 : i32
      %add3A_254 = arith.constant 1 : i32
      %add3A_255 = arith.addi %add3A_253, %add3A_254 : i32
      %lt3A_256 = arith.constant 50 : i32
      %lt3A_257 = arith.cmpi slt, %add3A_255, %lt3A_256 : i32
      %convert_element_type3A_258 = arith.extui %lt3A_257 : i1 to i32
      %cond3A_259 = arith.constant 0 : i32
      %cond3A_260 = arith.cmpi ne, %convert_element_type3A_258, %cond3A_259 : i32
      scf.if %cond3A_260 {
        %add3A_426 = arith.constant 1 : i32
        %add3A_427 = arith.addi %add3A_253, %add3A_426 : i32
        %mul3A_428 = arith.constant 200 : i32
        %mul3A_429 = arith.muli %add3A_427, %mul3A_428 : i32
        %add3A_430 = arith.addi %mul3A_2, %mul3A_429 : i32
        %dma_start3A_431 = tpu.memref_slice %arg3[%add3A_430] : memref<320000xi32, #tpu.memory_space<hbm>> -> memref<200xi32, #tpu.memory_space<hbm>>
        %dma_start3A_432 = tpu.memref_slice %arg3[%add3A_430] : memref<320000xi32, #tpu.memory_space<hbm>> -> memref<200xi32, #tpu.memory_space<hbm>>
        tpu.enqueue_dma source(%dma_start3A_432 : memref<200xi32, #tpu.memory_space<hbm>>) target(%arg7 : memref<200xi32, #tpu.memory_space<vmem>>) target_semaphore(%arg12 : memref<!tpu.dma_semaphore, #tpu.memory_space<semaphore_mem>>)
        %add3A_433 = arith.constant 0 : i32
        %add3A_434 = arith.addi %add3A_430, %add3A_433 : i32
        %dma_start3A_435 = arith.constant 0 : i32
        %dma_start3A_436 = arith.constant 0 : i32
        %dma_start3A_437 = tpu.memref_slice %arg9[%dma_start3A_435, %dma_start3A_436] : memref<10x40xi32, #tpu.memory_space<vmem>> -> memref<1x40xi32, #tpu.memory_space<vmem>>
        %dma_start3A_438 = tpu.memref_squeeze %dma_start3A_437 : memref<1x40xi32, #tpu.memory_space<vmem>> -> memref<40xi32, #tpu.memory_space<vmem>>
        %dma_start3A_439 = tpu.memref_slice %arg4[%add3A_434] : memref<320000xi32, #tpu.memory_space<hbm>> -> memref<40xi32, #tpu.memory_space<hbm>>
        %dma_start3A_440 = arith.constant 0 : i32
        %dma_start3A_441 = tpu.memref_slice %arg9[%dma_start3A_435, %dma_start3A_440] : memref<10x40xi32, #tpu.memory_space<vmem>> -> memref<1x40xi32, #tpu.memory_space<vmem>>
        %dma_start3A_442 = tpu.memref_squeeze %dma_start3A_441 : memref<1x40xi32, #tpu.memory_space<vmem>> -> memref<40xi32, #tpu.memory_space<vmem>>
        %dma_start3A_443 = tpu.memref_slice %arg4[%add3A_434] : memref<320000xi32, #tpu.memory_space<hbm>> -> memref<40xi32, #tpu.memory_space<hbm>>
        tpu.enqueue_dma source(%dma_start3A_443 : memref<40xi32, #tpu.memory_space<hbm>>) target(%dma_start3A_442 : memref<40xi32, #tpu.memory_space<vmem>>) target_semaphore(%arg12 : memref<!tpu.dma_semaphore, #tpu.memory_space<semaphore_mem>>)
        %add3A_444 = arith.constant 40 : i32
        %add3A_445 = arith.addi %add3A_430, %add3A_444 : i32
        %dma_start3A_446 = arith.constant 1 : i32
        %dma_start3A_447 = arith.constant 0 : i32
        %dma_start3A_448 = tpu.memref_slice %arg9[%dma_start3A_446, %dma_start3A_447] : memref<10x40xi32, #tpu.memory_space<vmem>> -> memref<1x40xi32, #tpu.memory_space<vmem>>
        %dma_start3A_449 = tpu.memref_squeeze %dma_start3A_448 : memref<1x40xi32, #tpu.memory_space<vmem>> -> memref<40xi32, #tpu.memory_space<vmem>>
        %dma_start3A_450 = tpu.memref_slice %arg4[%add3A_445] : memref<320000xi32, #tpu.memory_space<hbm>> -> memref<40xi32, #tpu.memory_space<hbm>>
        %dma_start3A_451 = arith.constant 0 : i32
        %dma_start3A_452 = tpu.memref_slice %arg9[%dma_start3A_446, %dma_start3A_451] : memref<10x40xi32, #tpu.memory_space<vmem>> -> memref<1x40xi32, #tpu.memory_space<vmem>>
        %dma_start3A_453 = tpu.memref_squeeze %dma_start3A_452 : memref<1x40xi32, #tpu.memory_space<vmem>> -> memref<40xi32, #tpu.memory_space<vmem>>
        %dma_start3A_454 = tpu.memref_slice %arg4[%add3A_445] : memref<320000xi32, #tpu.memory_space<hbm>> -> memref<40xi32, #tpu.memory_space<hbm>>
        tpu.enqueue_dma source(%dma_start3A_454 : memref<40xi32, #tpu.memory_space<hbm>>) target(%dma_start3A_453 : memref<40xi32, #tpu.memory_space<vmem>>) target_semaphore(%arg12 : memref<!tpu.dma_semaphore, #tpu.memory_space<semaphore_mem>>)
        %add3A_455 = arith.constant 80 : i32
        %add3A_456 = arith.addi %add3A_430, %add3A_455 : i32
        %dma_start3A_457 = arith.constant 2 : i32
        %dma_start3A_458 = arith.constant 0 : i32
        %dma_start3A_459 = tpu.memref_slice %arg9[%dma_start3A_457, %dma_start3A_458] : memref<10x40xi32, #tpu.memory_space<vmem>> -> memref<1x40xi32, #tpu.memory_space<vmem>>
        %dma_start3A_460 = tpu.memref_squeeze %dma_start3A_459 : memref<1x40xi32, #tpu.memory_space<vmem>> -> memref<40xi32, #tpu.memory_space<vmem>>
        %dma_start3A_461 = tpu.memref_slice %arg4[%add3A_456] : memref<320000xi32, #tpu.memory_space<hbm>> -> memref<40xi32, #tpu.memory_space<hbm>>
        %dma_start3A_462 = arith.constant 0 : i32
        %dma_start3A_463 = tpu.memref_slice %arg9[%dma_start3A_457, %dma_start3A_462] : memref<10x40xi32, #tpu.memory_space<vmem>> -> memref<1x40xi32, #tpu.memory_space<vmem>>
        %dma_start3A_464 = tpu.memref_squeeze %dma_start3A_463 : memref<1x40xi32, #tpu.memory_space<vmem>> -> memref<40xi32, #tpu.memory_space<vmem>>
        %dma_start3A_465 = tpu.memref_slice %arg4[%add3A_456] : memref<320000xi32, #tpu.memory_space<hbm>> -> memref<40xi32, #tpu.memory_space<hbm>>
        tpu.enqueue_dma source(%dma_start3A_465 : memref<40xi32, #tpu.memory_space<hbm>>) target(%dma_start3A_464 : memref<40xi32, #tpu.memory_space<vmem>>) target_semaphore(%arg12 : memref<!tpu.dma_semaphore, #tpu.memory_space<semaphore_mem>>)
        %add3A_466 = arith.constant 120 : i32
        %add3A_467 = arith.addi %add3A_430, %add3A_466 : i32
        %dma_start3A_468 = arith.constant 3 : i32
        %dma_start3A_469 = arith.constant 0 : i32
        %dma_start3A_470 = tpu.memref_slice %arg9[%dma_start3A_468, %dma_start3A_469] : memref<10x40xi32, #tpu.memory_space<vmem>> -> memref<1x40xi32, #tpu.memory_space<vmem>>
        %dma_start3A_471 = tpu.memref_squeeze %dma_start3A_470 : memref<1x40xi32, #tpu.memory_space<vmem>> -> memref<40xi32, #tpu.memory_space<vmem>>
        %dma_start3A_472 = tpu.memref_slice %arg4[%add3A_467] : memref<320000xi32, #tpu.memory_space<hbm>> -> memref<40xi32, #tpu.memory_space<hbm>>
        %dma_start3A_473 = arith.constant 0 : i32
        %dma_start3A_474 = tpu.memref_slice %arg9[%dma_start3A_468, %dma_start3A_473] : memref<10x40xi32, #tpu.memory_space<vmem>> -> memref<1x40xi32, #tpu.memory_space<vmem>>
        %dma_start3A_475 = tpu.memref_squeeze %dma_start3A_474 : memref<1x40xi32, #tpu.memory_space<vmem>> -> memref<40xi32, #tpu.memory_space<vmem>>
        %dma_start3A_476 = tpu.memref_slice %arg4[%add3A_467] : memref<320000xi32, #tpu.memory_space<hbm>> -> memref<40xi32, #tpu.memory_space<hbm>>
        tpu.enqueue_dma source(%dma_start3A_476 : memref<40xi32, #tpu.memory_space<hbm>>) target(%dma_start3A_475 : memref<40xi32, #tpu.memory_space<vmem>>) target_semaphore(%arg12 : memref<!tpu.dma_semaphore, #tpu.memory_space<semaphore_mem>>)
        %add3A_477 = arith.constant 160 : i32
        %add3A_478 = arith.addi %add3A_430, %add3A_477 : i32
        %dma_start3A_479 = arith.constant 4 : i32
        %dma_start3A_480 = arith.constant 0 : i32
        %dma_start3A_481 = tpu.memref_slice %arg9[%dma_start3A_479, %dma_start3A_480] : memref<10x40xi32, #tpu.memory_space<vmem>> -> memref<1x40xi32, #tpu.memory_space<vmem>>
        %dma_start3A_482 = tpu.memref_squeeze %dma_start3A_481 : memref<1x40xi32, #tpu.memory_space<vmem>> -> memref<40xi32, #tpu.memory_space<vmem>>
        %dma_start3A_483 = tpu.memref_slice %arg4[%add3A_478] : memref<320000xi32, #tpu.memory_space<hbm>> -> memref<40xi32, #tpu.memory_space<hbm>>
        %dma_start3A_484 = arith.constant 0 : i32
        %dma_start3A_485 = tpu.memref_slice %arg9[%dma_start3A_479, %dma_start3A_484] : memref<10x40xi32, #tpu.memory_space<vmem>> -> memref<1x40xi32, #tpu.memory_space<vmem>>
        %dma_start3A_486 = tpu.memref_squeeze %dma_start3A_485 : memref<1x40xi32, #tpu.memory_space<vmem>> -> memref<40xi32, #tpu.memory_space<vmem>>
        %dma_start3A_487 = tpu.memref_slice %arg4[%add3A_478] : memref<320000xi32, #tpu.memory_space<hbm>> -> memref<40xi32, #tpu.memory_space<hbm>>
        tpu.enqueue_dma source(%dma_start3A_487 : memref<40xi32, #tpu.memory_space<hbm>>) target(%dma_start3A_486 : memref<40xi32, #tpu.memory_space<vmem>>) target_semaphore(%arg12 : memref<!tpu.dma_semaphore, #tpu.memory_space<semaphore_mem>>)
      } else {
      }
      %dma_wait3A_261 = arith.constant 0 : i32
      %dma_wait3A_262 = tpu.memref_slice %arg3[%dma_wait3A_261] : memref<320000xi32, #tpu.memory_space<hbm>> -> memref<200xi32, #tpu.memory_space<hbm>>
      %dma_wait3A_263 = arith.constant 0 : i32
      %dma_wait3A_264 = tpu.memref_slice %arg3[%dma_wait3A_263] : memref<320000xi32, #tpu.memory_space<hbm>> -> memref<200xi32, #tpu.memory_space<hbm>>
      tpu.wait_dma2 semaphore(%arg13 : memref<!tpu.dma_semaphore, #tpu.memory_space<semaphore_mem>>) src(%dma_wait3A_264 : memref<200xi32, #tpu.memory_space<hbm>>) dst(%arg8 : memref<200xi32, #tpu.memory_space<vmem>>)
      %dma_wait3A_265 = arith.constant 5 : i32
      %dma_wait3A_266 = arith.constant 0 : i32
      %dma_wait3A_267 = tpu.memref_slice %arg9[%dma_wait3A_265, %dma_wait3A_266] : memref<10x40xi32, #tpu.memory_space<vmem>> -> memref<1x40xi32, #tpu.memory_space<vmem>>
      %dma_wait3A_268 = tpu.memref_squeeze %dma_wait3A_267 : memref<1x40xi32, #tpu.memory_space<vmem>> -> memref<40xi32, #tpu.memory_space<vmem>>
      %dma_wait3A_269 = arith.constant 0 : i32
      %dma_wait3A_270 = tpu.memref_slice %arg4[%dma_wait3A_269] : memref<320000xi32, #tpu.memory_space<hbm>> -> memref<40xi32, #tpu.memory_space<hbm>>
      %dma_wait3A_271 = arith.constant 0 : i32
      %dma_wait3A_272 = tpu.memref_slice %arg9[%dma_wait3A_265, %dma_wait3A_271] : memref<10x40xi32, #tpu.memory_space<vmem>> -> memref<1x40xi32, #tpu.memory_space<vmem>>
      %dma_wait3A_273 = tpu.memref_squeeze %dma_wait3A_272 : memref<1x40xi32, #tpu.memory_space<vmem>> -> memref<40xi32, #tpu.memory_space<vmem>>
      %dma_wait3A_274 = arith.constant 0 : i32
      %dma_wait3A_275 = tpu.memref_slice %arg4[%dma_wait3A_274] : memref<320000xi32, #tpu.memory_space<hbm>> -> memref<40xi32, #tpu.memory_space<hbm>>
      tpu.wait_dma2 semaphore(%arg13 : memref<!tpu.dma_semaphore, #tpu.memory_space<semaphore_mem>>) src(%dma_wait3A_275 : memref<40xi32, #tpu.memory_space<hbm>>) dst(%dma_wait3A_273 : memref<40xi32, #tpu.memory_space<vmem>>)
      %dma_wait3A_276 = arith.constant 6 : i32
      %dma_wait3A_277 = arith.constant 0 : i32
      %dma_wait3A_278 = tpu.memref_slice %arg9[%dma_wait3A_276, %dma_wait3A_277] : memref<10x40xi32, #tpu.memory_space<vmem>> -> memref<1x40xi32, #tpu.memory_space<vmem>>
      %dma_wait3A_279 = tpu.memref_squeeze %dma_wait3A_278 : memref<1x40xi32, #tpu.memory_space<vmem>> -> memref<40xi32, #tpu.memory_space<vmem>>
      %dma_wait3A_280 = arith.constant 0 : i32
      %dma_wait3A_281 = tpu.memref_slice %arg4[%dma_wait3A_280] : memref<320000xi32, #tpu.memory_space<hbm>> -> memref<40xi32, #tpu.memory_space<hbm>>
      %dma_wait3A_282 = arith.constant 0 : i32
      %dma_wait3A_283 = tpu.memref_slice %arg9[%dma_wait3A_276, %dma_wait3A_282] : memref<10x40xi32, #tpu.memory_space<vmem>> -> memref<1x40xi32, #tpu.memory_space<vmem>>
      %dma_wait3A_284 = tpu.memref_squeeze %dma_wait3A_283 : memref<1x40xi32, #tpu.memory_space<vmem>> -> memref<40xi32, #tpu.memory_space<vmem>>
      %dma_wait3A_285 = arith.constant 0 : i32
      %dma_wait3A_286 = tpu.memref_slice %arg4[%dma_wait3A_285] : memref<320000xi32, #tpu.memory_space<hbm>> -> memref<40xi32, #tpu.memory_space<hbm>>
      tpu.wait_dma2 semaphore(%arg13 : memref<!tpu.dma_semaphore, #tpu.memory_space<semaphore_mem>>) src(%dma_wait3A_286 : memref<40xi32, #tpu.memory_space<hbm>>) dst(%dma_wait3A_284 : memref<40xi32, #tpu.memory_space<vmem>>)
      %dma_wait3A_287 = arith.constant 7 : i32
      %dma_wait3A_288 = arith.constant 0 : i32
      %dma_wait3A_289 = tpu.memref_slice %arg9[%dma_wait3A_287, %dma_wait3A_288] : memref<10x40xi32, #tpu.memory_space<vmem>> -> memref<1x40xi32, #tpu.memory_space<vmem>>
      %dma_wait3A_290 = tpu.memref_squeeze %dma_wait3A_289 : memref<1x40xi32, #tpu.memory_space<vmem>> -> memref<40xi32, #tpu.memory_space<vmem>>
      %dma_wait3A_291 = arith.constant 0 : i32
      %dma_wait3A_292 = tpu.memref_slice %arg4[%dma_wait3A_291] : memref<320000xi32, #tpu.memory_space<hbm>> -> memref<40xi32, #tpu.memory_space<hbm>>
      %dma_wait3A_293 = arith.constant 0 : i32
      %dma_wait3A_294 = tpu.memref_slice %arg9[%dma_wait3A_287, %dma_wait3A_293] : memref<10x40xi32, #tpu.memory_space<vmem>> -> memref<1x40xi32, #tpu.memory_space<vmem>>
      %dma_wait3A_295 = tpu.memref_squeeze %dma_wait3A_294 : memref<1x40xi32, #tpu.memory_space<vmem>> -> memref<40xi32, #tpu.memory_space<vmem>>
      %dma_wait3A_296 = arith.constant 0 : i32
      %dma_wait3A_297 = tpu.memref_slice %arg4[%dma_wait3A_296] : memref<320000xi32, #tpu.memory_space<hbm>> -> memref<40xi32, #tpu.memory_space<hbm>>
      tpu.wait_dma2 semaphore(%arg13 : memref<!tpu.dma_semaphore, #tpu.memory_space<semaphore_mem>>) src(%dma_wait3A_297 : memref<40xi32, #tpu.memory_space<hbm>>) dst(%dma_wait3A_295 : memref<40xi32, #tpu.memory_space<vmem>>)
      %dma_wait3A_298 = arith.constant 8 : i32
      %dma_wait3A_299 = arith.constant 0 : i32
      %dma_wait3A_300 = tpu.memref_slice %arg9[%dma_wait3A_298, %dma_wait3A_299] : memref<10x40xi32, #tpu.memory_space<vmem>> -> memref<1x40xi32, #tpu.memory_space<vmem>>
      %dma_wait3A_301 = tpu.memref_squeeze %dma_wait3A_300 : memref<1x40xi32, #tpu.memory_space<vmem>> -> memref<40xi32, #tpu.memory_space<vmem>>
      %dma_wait3A_302 = arith.constant 0 : i32
      %dma_wait3A_303 = tpu.memref_slice %arg4[%dma_wait3A_302] : memref<320000xi32, #tpu.memory_space<hbm>> -> memref<40xi32, #tpu.memory_space<hbm>>
      %dma_wait3A_304 = arith.constant 0 : i32
      %dma_wait3A_305 = tpu.memref_slice %arg9[%dma_wait3A_298, %dma_wait3A_304] : memref<10x40xi32, #tpu.memory_space<vmem>> -> memref<1x40xi32, #tpu.memory_space<vmem>>
      %dma_wait3A_306 = tpu.memref_squeeze %dma_wait3A_305 : memref<1x40xi32, #tpu.memory_space<vmem>> -> memref<40xi32, #tpu.memory_space<vmem>>
      %dma_wait3A_307 = arith.constant 0 : i32
      %dma_wait3A_308 = tpu.memref_slice %arg4[%dma_wait3A_307] : memref<320000xi32, #tpu.memory_space<hbm>> -> memref<40xi32, #tpu.memory_space<hbm>>
      tpu.wait_dma2 semaphore(%arg13 : memref<!tpu.dma_semaphore, #tpu.memory_space<semaphore_mem>>) src(%dma_wait3A_308 : memref<40xi32, #tpu.memory_space<hbm>>) dst(%dma_wait3A_306 : memref<40xi32, #tpu.memory_space<vmem>>)
      %dma_wait3A_309 = arith.constant 9 : i32
      %dma_wait3A_310 = arith.constant 0 : i32
      %dma_wait3A_311 = tpu.memref_slice %arg9[%dma_wait3A_309, %dma_wait3A_310] : memref<10x40xi32, #tpu.memory_space<vmem>> -> memref<1x40xi32, #tpu.memory_space<vmem>>
      %dma_wait3A_312 = tpu.memref_squeeze %dma_wait3A_311 : memref<1x40xi32, #tpu.memory_space<vmem>> -> memref<40xi32, #tpu.memory_space<vmem>>
      %dma_wait3A_313 = arith.constant 0 : i32
      %dma_wait3A_314 = tpu.memref_slice %arg4[%dma_wait3A_313] : memref<320000xi32, #tpu.memory_space<hbm>> -> memref<40xi32, #tpu.memory_space<hbm>>
      %dma_wait3A_315 = arith.constant 0 : i32
      %dma_wait3A_316 = tpu.memref_slice %arg9[%dma_wait3A_309, %dma_wait3A_315] : memref<10x40xi32, #tpu.memory_space<vmem>> -> memref<1x40xi32, #tpu.memory_space<vmem>>
      %dma_wait3A_317 = tpu.memref_squeeze %dma_wait3A_316 : memref<1x40xi32, #tpu.memory_space<vmem>> -> memref<40xi32, #tpu.memory_space<vmem>>
      %dma_wait3A_318 = arith.constant 0 : i32
      %dma_wait3A_319 = tpu.memref_slice %arg4[%dma_wait3A_318] : memref<320000xi32, #tpu.memory_space<hbm>> -> memref<40xi32, #tpu.memory_space<hbm>>
      tpu.wait_dma2 semaphore(%arg13 : memref<!tpu.dma_semaphore, #tpu.memory_space<semaphore_mem>>) src(%dma_wait3A_319 : memref<40xi32, #tpu.memory_space<hbm>>) dst(%dma_wait3A_317 : memref<40xi32, #tpu.memory_space<vmem>>)
      %dma_start3A_320 = arith.constant 0 : i32
      %dma_start3A_321 = arith.constant 0 : i32
      %dma_start3A_322 = tpu.memref_slice %arg2[%dma_start3A_320, %dma_start3A_321] : memref<10000x128xf32, #tpu.memory_space<hbm>> -> memref<10000x128xf32, #tpu.memory_space<hbm>>
      tpu.enqueue_indirect_dma source(%dma_start3A_322 : memref<10000x128xf32, #tpu.memory_space<hbm>>) target(%arg10 : memref<200x128xf32, #tpu.memory_space<vmem>>) offsets(%arg8 : memref<200xi32, #tpu.memory_space<vmem>>) semaphore(%arg14 : memref<!tpu.dma_semaphore, #tpu.memory_space<semaphore_mem>>)
      %dma_wait3A_323 = arith.constant 0 : i32
      %dma_wait3A_324 = arith.constant 0 : i32
      %dma_wait3A_325 = tpu.memref_slice %arg2[%dma_wait3A_323, %dma_wait3A_324] : memref<10000x128xf32, #tpu.memory_space<hbm>> -> memref<10000x128xf32, #tpu.memory_space<hbm>>
      tpu.wait_indirect_dma semaphore(%arg14 : memref<!tpu.dma_semaphore, #tpu.memory_space<semaphore_mem>>) src(%dma_wait3A_325 : memref<10000x128xf32, #tpu.memory_space<hbm>>) dst(%arg10 : memref<200x128xf32, #tpu.memory_space<vmem>>)
      %dma_start3A_326 = arith.constant 5 : i32
      %dma_start3A_327 = arith.constant 0 : i32
      %dma_start3A_328 = arith.constant 0 : i32
      %dma_start3A_329 = tpu.memref_slice %arg10[%dma_start3A_327, %dma_start3A_328] : memref<200x128xf32, #tpu.memory_space<vmem>> -> memref<40x128xf32, #tpu.memory_space<vmem>>
      %dma_start3A_330 = arith.constant 0 : i32
      %dma_start3A_331 = tpu.memref_slice %arg9[%dma_start3A_326, %dma_start3A_330] : memref<10x40xi32, #tpu.memory_space<vmem>> -> memref<1x40xi32, #tpu.memory_space<vmem>>
      %dma_start3A_332 = tpu.memref_squeeze %dma_start3A_331 : memref<1x40xi32, #tpu.memory_space<vmem>> -> memref<40xi32, #tpu.memory_space<vmem>>
      %dma_start3A_333 = arith.constant 0 : i32
      %dma_start3A_334 = arith.constant 0 : i32
      %dma_start3A_335 = tpu.memref_slice %arg11[%dma_start3A_333, %dma_start3A_334] : memref<10000x128xf32, #tpu.memory_space<vmem_shared>> -> memref<10000x128xf32, #tpu.memory_space<vmem_shared>>
      tpu.enqueue_indirect_dma source(%dma_start3A_329 : memref<40x128xf32, #tpu.memory_space<vmem>>) target(%dma_start3A_335 : memref<10000x128xf32, #tpu.memory_space<vmem_shared>>) offsets(%dma_start3A_332 : memref<40xi32, #tpu.memory_space<vmem>>) semaphore(%arg15 : memref<!tpu.dma_semaphore, #tpu.memory_space<semaphore_mem>>) {add = true}
      %dma_start3A_336 = arith.constant 6 : i32
      %dma_start3A_337 = arith.constant 40 : i32
      %dma_start3A_338 = arith.constant 0 : i32
      %dma_start3A_339 = tpu.memref_slice %arg10[%dma_start3A_337, %dma_start3A_338] : memref<200x128xf32, #tpu.memory_space<vmem>> -> memref<40x128xf32, #tpu.memory_space<vmem>>
      %dma_start3A_340 = arith.constant 0 : i32
      %dma_start3A_341 = tpu.memref_slice %arg9[%dma_start3A_336, %dma_start3A_340] : memref<10x40xi32, #tpu.memory_space<vmem>> -> memref<1x40xi32, #tpu.memory_space<vmem>>
      %dma_start3A_342 = tpu.memref_squeeze %dma_start3A_341 : memref<1x40xi32, #tpu.memory_space<vmem>> -> memref<40xi32, #tpu.memory_space<vmem>>
      %dma_start3A_343 = arith.constant 0 : i32
      %dma_start3A_344 = arith.constant 0 : i32
      %dma_start3A_345 = tpu.memref_slice %arg11[%dma_start3A_343, %dma_start3A_344] : memref<10000x128xf32, #tpu.memory_space<vmem_shared>> -> memref<10000x128xf32, #tpu.memory_space<vmem_shared>>
      tpu.enqueue_indirect_dma source(%dma_start3A_339 : memref<40x128xf32, #tpu.memory_space<vmem>>) target(%dma_start3A_345 : memref<10000x128xf32, #tpu.memory_space<vmem_shared>>) offsets(%dma_start3A_342 : memref<40xi32, #tpu.memory_space<vmem>>) semaphore(%arg15 : memref<!tpu.dma_semaphore, #tpu.memory_space<semaphore_mem>>) {add = true}
      %dma_start3A_346 = arith.constant 7 : i32
      %dma_start3A_347 = arith.constant 80 : i32
      %dma_start3A_348 = arith.constant 0 : i32
      %dma_start3A_349 = tpu.memref_slice %arg10[%dma_start3A_347, %dma_start3A_348] : memref<200x128xf32, #tpu.memory_space<vmem>> -> memref<40x128xf32, #tpu.memory_space<vmem>>
      %dma_start3A_350 = arith.constant 0 : i32
      %dma_start3A_351 = tpu.memref_slice %arg9[%dma_start3A_346, %dma_start3A_350] : memref<10x40xi32, #tpu.memory_space<vmem>> -> memref<1x40xi32, #tpu.memory_space<vmem>>
      %dma_start3A_352 = tpu.memref_squeeze %dma_start3A_351 : memref<1x40xi32, #tpu.memory_space<vmem>> -> memref<40xi32, #tpu.memory_space<vmem>>
      %dma_start3A_353 = arith.constant 0 : i32
      %dma_start3A_354 = arith.constant 0 : i32
      %dma_start3A_355 = tpu.memref_slice %arg11[%dma_start3A_353, %dma_start3A_354] : memref<10000x128xf32, #tpu.memory_space<vmem_shared>> -> memref<10000x128xf32, #tpu.memory_space<vmem_shared>>
      tpu.enqueue_indirect_dma source(%dma_start3A_349 : memref<40x128xf32, #tpu.memory_space<vmem>>) target(%dma_start3A_355 : memref<10000x128xf32, #tpu.memory_space<vmem_shared>>) offsets(%dma_start3A_352 : memref<40xi32, #tpu.memory_space<vmem>>) semaphore(%arg15 : memref<!tpu.dma_semaphore, #tpu.memory_space<semaphore_mem>>) {add = true}
      %dma_start3A_356 = arith.constant 8 : i32
      %dma_start3A_357 = arith.constant 120 : i32
      %dma_start3A_358 = arith.constant 0 : i32
      %dma_start3A_359 = tpu.memref_slice %arg10[%dma_start3A_357, %dma_start3A_358] : memref<200x128xf32, #tpu.memory_space<vmem>> -> memref<40x128xf32, #tpu.memory_space<vmem>>
      %dma_start3A_360 = arith.constant 0 : i32
      %dma_start3A_361 = tpu.memref_slice %arg9[%dma_start3A_356, %dma_start3A_360] : memref<10x40xi32, #tpu.memory_space<vmem>> -> memref<1x40xi32, #tpu.memory_space<vmem>>
      %dma_start3A_362 = tpu.memref_squeeze %dma_start3A_361 : memref<1x40xi32, #tpu.memory_space<vmem>> -> memref<40xi32, #tpu.memory_space<vmem>>
      %dma_start3A_363 = arith.constant 0 : i32
      %dma_start3A_364 = arith.constant 0 : i32
      %dma_start3A_365 = tpu.memref_slice %arg11[%dma_start3A_363, %dma_start3A_364] : memref<10000x128xf32, #tpu.memory_space<vmem_shared>> -> memref<10000x128xf32, #tpu.memory_space<vmem_shared>>
      tpu.enqueue_indirect_dma source(%dma_start3A_359 : memref<40x128xf32, #tpu.memory_space<vmem>>) target(%dma_start3A_365 : memref<10000x128xf32, #tpu.memory_space<vmem_shared>>) offsets(%dma_start3A_362 : memref<40xi32, #tpu.memory_space<vmem>>) semaphore(%arg15 : memref<!tpu.dma_semaphore, #tpu.memory_space<semaphore_mem>>) {add = true}
      %dma_start3A_366 = arith.constant 9 : i32
      %dma_start3A_367 = arith.constant 160 : i32
      %dma_start3A_368 = arith.constant 0 : i32
      %dma_start3A_369 = tpu.memref_slice %arg10[%dma_start3A_367, %dma_start3A_368] : memref<200x128xf32, #tpu.memory_space<vmem>> -> memref<40x128xf32, #tpu.memory_space<vmem>>
      %dma_start3A_370 = arith.constant 0 : i32
      %dma_start3A_371 = tpu.memref_slice %arg9[%dma_start3A_366, %dma_start3A_370] : memref<10x40xi32, #tpu.memory_space<vmem>> -> memref<1x40xi32, #tpu.memory_space<vmem>>
      %dma_start3A_372 = tpu.memref_squeeze %dma_start3A_371 : memref<1x40xi32, #tpu.memory_space<vmem>> -> memref<40xi32, #tpu.memory_space<vmem>>
      %dma_start3A_373 = arith.constant 0 : i32
      %dma_start3A_374 = arith.constant 0 : i32
      %dma_start3A_375 = tpu.memref_slice %arg11[%dma_start3A_373, %dma_start3A_374] : memref<10000x128xf32, #tpu.memory_space<vmem_shared>> -> memref<10000x128xf32, #tpu.memory_space<vmem_shared>>
      tpu.enqueue_indirect_dma source(%dma_start3A_369 : memref<40x128xf32, #tpu.memory_space<vmem>>) target(%dma_start3A_375 : memref<10000x128xf32, #tpu.memory_space<vmem_shared>>) offsets(%dma_start3A_372 : memref<40xi32, #tpu.memory_space<vmem>>) semaphore(%arg15 : memref<!tpu.dma_semaphore, #tpu.memory_space<semaphore_mem>>) {add = true}
      %dma_wait3A_376 = arith.constant 5 : i32
      %dma_wait3A_377 = arith.constant 0 : i32
      %dma_wait3A_378 = arith.constant 0 : i32
      %dma_wait3A_379 = tpu.memref_slice %arg10[%dma_wait3A_377, %dma_wait3A_378] : memref<200x128xf32, #tpu.memory_space<vmem>> -> memref<40x128xf32, #tpu.memory_space<vmem>>
      %dma_wait3A_380 = arith.constant 0 : i32
      %dma_wait3A_381 = tpu.memref_slice %arg9[%dma_wait3A_376, %dma_wait3A_380] : memref<10x40xi32, #tpu.memory_space<vmem>> -> memref<1x40xi32, #tpu.memory_space<vmem>>
      %dma_wait3A_382 = tpu.memref_squeeze %dma_wait3A_381 : memref<1x40xi32, #tpu.memory_space<vmem>> -> memref<40xi32, #tpu.memory_space<vmem>>
      %dma_wait3A_383 = arith.constant 0 : i32
      %dma_wait3A_384 = arith.constant 0 : i32
      %dma_wait3A_385 = tpu.memref_slice %arg11[%dma_wait3A_383, %dma_wait3A_384] : memref<10000x128xf32, #tpu.memory_space<vmem_shared>> -> memref<10000x128xf32, #tpu.memory_space<vmem_shared>>
      tpu.wait_indirect_dma semaphore(%arg15 : memref<!tpu.dma_semaphore, #tpu.memory_space<semaphore_mem>>) src(%dma_wait3A_379 : memref<40x128xf32, #tpu.memory_space<vmem>>) dst(%dma_wait3A_385 : memref<10000x128xf32, #tpu.memory_space<vmem_shared>>)
      %dma_wait3A_386 = arith.constant 6 : i32
      %dma_wait3A_387 = arith.constant 40 : i32
      %dma_wait3A_388 = arith.constant 0 : i32
      %dma_wait3A_389 = tpu.memref_slice %arg10[%dma_wait3A_387, %dma_wait3A_388] : memref<200x128xf32, #tpu.memory_space<vmem>> -> memref<40x128xf32, #tpu.memory_space<vmem>>
      %dma_wait3A_390 = arith.constant 0 : i32
      %dma_wait3A_391 = tpu.memref_slice %arg9[%dma_wait3A_386, %dma_wait3A_390] : memref<10x40xi32, #tpu.memory_space<vmem>> -> memref<1x40xi32, #tpu.memory_space<vmem>>
      %dma_wait3A_392 = tpu.memref_squeeze %dma_wait3A_391 : memref<1x40xi32, #tpu.memory_space<vmem>> -> memref<40xi32, #tpu.memory_space<vmem>>
      %dma_wait3A_393 = arith.constant 0 : i32
      %dma_wait3A_394 = arith.constant 0 : i32
      %dma_wait3A_395 = tpu.memref_slice %arg11[%dma_wait3A_393, %dma_wait3A_394] : memref<10000x128xf32, #tpu.memory_space<vmem_shared>> -> memref<10000x128xf32, #tpu.memory_space<vmem_shared>>
      tpu.wait_indirect_dma semaphore(%arg15 : memref<!tpu.dma_semaphore, #tpu.memory_space<semaphore_mem>>) src(%dma_wait3A_389 : memref<40x128xf32, #tpu.memory_space<vmem>>) dst(%dma_wait3A_395 : memref<10000x128xf32, #tpu.memory_space<vmem_shared>>)
      %dma_wait3A_396 = arith.constant 7 : i32
      %dma_wait3A_397 = arith.constant 80 : i32
      %dma_wait3A_398 = arith.constant 0 : i32
      %dma_wait3A_399 = tpu.memref_slice %arg10[%dma_wait3A_397, %dma_wait3A_398] : memref<200x128xf32, #tpu.memory_space<vmem>> -> memref<40x128xf32, #tpu.memory_space<vmem>>
      %dma_wait3A_400 = arith.constant 0 : i32
      %dma_wait3A_401 = tpu.memref_slice %arg9[%dma_wait3A_396, %dma_wait3A_400] : memref<10x40xi32, #tpu.memory_space<vmem>> -> memref<1x40xi32, #tpu.memory_space<vmem>>
      %dma_wait3A_402 = tpu.memref_squeeze %dma_wait3A_401 : memref<1x40xi32, #tpu.memory_space<vmem>> -> memref<40xi32, #tpu.memory_space<vmem>>
      %dma_wait3A_403 = arith.constant 0 : i32
      %dma_wait3A_404 = arith.constant 0 : i32
      %dma_wait3A_405 = tpu.memref_slice %arg11[%dma_wait3A_403, %dma_wait3A_404] : memref<10000x128xf32, #tpu.memory_space<vmem_shared>> -> memref<10000x128xf32, #tpu.memory_space<vmem_shared>>
      tpu.wait_indirect_dma semaphore(%arg15 : memref<!tpu.dma_semaphore, #tpu.memory_space<semaphore_mem>>) src(%dma_wait3A_399 : memref<40x128xf32, #tpu.memory_space<vmem>>) dst(%dma_wait3A_405 : memref<10000x128xf32, #tpu.memory_space<vmem_shared>>)
      %dma_wait3A_406 = arith.constant 8 : i32
      %dma_wait3A_407 = arith.constant 120 : i32
      %dma_wait3A_408 = arith.constant 0 : i32
      %dma_wait3A_409 = tpu.memref_slice %arg10[%dma_wait3A_407, %dma_wait3A_408] : memref<200x128xf32, #tpu.memory_space<vmem>> -> memref<40x128xf32, #tpu.memory_space<vmem>>
      %dma_wait3A_410 = arith.constant 0 : i32
      %dma_wait3A_411 = tpu.memref_slice %arg9[%dma_wait3A_406, %dma_wait3A_410] : memref<10x40xi32, #tpu.memory_space<vmem>> -> memref<1x40xi32, #tpu.memory_space<vmem>>
      %dma_wait3A_412 = tpu.memref_squeeze %dma_wait3A_411 : memref<1x40xi32, #tpu.memory_space<vmem>> -> memref<40xi32, #tpu.memory_space<vmem>>
      %dma_wait3A_413 = arith.constant 0 : i32
      %dma_wait3A_414 = arith.constant 0 : i32
      %dma_wait3A_415 = tpu.memref_slice %arg11[%dma_wait3A_413, %dma_wait3A_414] : memref<10000x128xf32, #tpu.memory_space<vmem_shared>> -> memref<10000x128xf32, #tpu.memory_space<vmem_shared>>
      tpu.wait_indirect_dma semaphore(%arg15 : memref<!tpu.dma_semaphore, #tpu.memory_space<semaphore_mem>>) src(%dma_wait3A_409 : memref<40x128xf32, #tpu.memory_space<vmem>>) dst(%dma_wait3A_415 : memref<10000x128xf32, #tpu.memory_space<vmem_shared>>)
      %dma_wait3A_416 = arith.constant 9 : i32
      %dma_wait3A_417 = arith.constant 160 : i32
      %dma_wait3A_418 = arith.constant 0 : i32
      %dma_wait3A_419 = tpu.memref_slice %arg10[%dma_wait3A_417, %dma_wait3A_418] : memref<200x128xf32, #tpu.memory_space<vmem>> -> memref<40x128xf32, #tpu.memory_space<vmem>>
      %dma_wait3A_420 = arith.constant 0 : i32
      %dma_wait3A_421 = tpu.memref_slice %arg9[%dma_wait3A_416, %dma_wait3A_420] : memref<10x40xi32, #tpu.memory_space<vmem>> -> memref<1x40xi32, #tpu.memory_space<vmem>>
      %dma_wait3A_422 = tpu.memref_squeeze %dma_wait3A_421 : memref<1x40xi32, #tpu.memory_space<vmem>> -> memref<40xi32, #tpu.memory_space<vmem>>
      %dma_wait3A_423 = arith.constant 0 : i32
      %dma_wait3A_424 = arith.constant 0 : i32
      %dma_wait3A_425 = tpu.memref_slice %arg11[%dma_wait3A_423, %dma_wait3A_424] : memref<10000x128xf32, #tpu.memory_space<vmem_shared>> -> memref<10000x128xf32, #tpu.memory_space<vmem_shared>>
      tpu.wait_indirect_dma semaphore(%arg15 : memref<!tpu.dma_semaphore, #tpu.memory_space<semaphore_mem>>) src(%dma_wait3A_419 : memref<40x128xf32, #tpu.memory_space<vmem>>) dst(%dma_wait3A_425 : memref<10000x128xf32, #tpu.memory_space<vmem_shared>>)
    }
    %scan3A_67 = arith.constant 25 : i32
    %barrier3A_68 = arith.constant 0 : index
    tpu.barrier barrier_id(%barrier3A_68)
    %lt3A_69 = arith.constant 10 : i32
    %lt3A_70 = arith.cmpi slt, %arg1, %lt3A_69 : i32
    %convert_element_type3A_71 = arith.extui %lt3A_70 : i1 to i32
    %cond3A_72 = arith.constant 0 : i32
    %cond3A_73 = arith.cmpi ne, %convert_element_type3A_71, %cond3A_72 : i32
    scf.if %cond3A_73 {
      %mul3A_74 = arith.constant 1000 : i32
      %mul3A_75 = arith.muli %arg1, %mul3A_74 : i32
      %mul3A_76 = arith.constant 10000 : i32
      %mul3A_77 = arith.muli %arg0, %mul3A_76 : i32
      %mul3A_78 = arith.constant 1000 : i32
      %mul3A_79 = arith.muli %arg1, %mul3A_78 : i32
      %add3A_80 = arith.addi %mul3A_77, %mul3A_79 : i32
      "tpu.region"() ({
        %run_scoped3A = tpu.sem_alloc : memref<!tpu.dma_semaphore, #tpu.memory_space<semaphore_mem>>
        %dma_start3A_81 = arith.constant 0 : i32
        %dma_start3A_82 = tpu.memref_slice %arg6[%add3A_80, %dma_start3A_81] : memref<20000x128xf32, #tpu.memory_space<hbm>> -> memref<1000x128xf32, #tpu.memory_space<hbm>>
        %dma_start3A_83 = arith.constant 0 : i32
        %dma_start3A_84 = tpu.memref_slice %arg11[%mul3A_75, %dma_start3A_83] : memref<10000x128xf32, #tpu.memory_space<vmem_shared>> -> memref<1000x128xf32, #tpu.memory_space<vmem_shared>>
        tpu.enqueue_dma source(%dma_start3A_84 : memref<1000x128xf32, #tpu.memory_space<vmem_shared>>) target(%dma_start3A_82 : memref<1000x128xf32, #tpu.memory_space<hbm>>) target_semaphore(%run_scoped3A : memref<!tpu.dma_semaphore, #tpu.memory_space<semaphore_mem>>)
        %dma_wait3A = arith.constant 0 : i32
        %dma_wait3A_85 = tpu.memref_slice %arg6[%add3A_80, %dma_wait3A] : memref<20000x128xf32, #tpu.memory_space<hbm>> -> memref<1000x128xf32, #tpu.memory_space<hbm>>
        %dma_wait3A_86 = arith.constant 0 : i32
        %dma_wait3A_87 = tpu.memref_slice %arg11[%mul3A_75, %dma_wait3A_86] : memref<10000x128xf32, #tpu.memory_space<vmem_shared>> -> memref<1000x128xf32, #tpu.memory_space<vmem_shared>>
        tpu.wait_dma2 semaphore(%run_scoped3A : memref<!tpu.dma_semaphore, #tpu.memory_space<semaphore_mem>>) src(%dma_wait3A_87 : memref<1000x128xf32, #tpu.memory_space<vmem_shared>>) dst(%dma_wait3A_85 : memref<1000x128xf32, #tpu.memory_space<hbm>>)
        tpu.yield
      }) : () -> ()
    } else {
    }
    return
  }
}

module attributes {stable_mosaic.version = 14 : i64} {
  func.func @_tc_layer1(%arg0: memref<10000x128xf32, #tpu.memory_space<vmem>>, %arg1: memref<20000x128xf32, #tpu.memory_space<vmem>>, %arg2: memref<10000x1xf32, #tpu.memory_space<vmem>>, %arg3: memref<128x128xf32, #tpu.memory_space<vmem>>, %arg4: memref<1x128xf32, #tpu.memory_space<vmem>>, %arg5: memref<128x128xf32, #tpu.memory_space<vmem>>, %arg6: memref<1x128xf32, #tpu.memory_space<vmem>>, %arg7: memref<1x128xf32, #tpu.memory_space<vmem>>, %arg8: memref<10000x128xf32, #tpu.memory_space<vmem>>) attributes {dimension_semantics = [], scalar_prefetch = 0 : i64, scratch_operands = 0 : i64, tpu.core_type = #tpu.core_type<tc>} {
    %get3A = arith.constant 0 : index
    %get3A_0 = arith.constant 0 : index
    %get3A_1 = vector.load %arg0[%get3A, %get3A_0] : memref<10000x128xf32, #tpu.memory_space<vmem>>, vector<10000x128xf32>
    %get3A_2 = arith.constant 0 : index
    %get3A_3 = arith.constant 0 : index
    %get3A_4 = vector.load %arg1[%get3A_2, %get3A_3] : memref<20000x128xf32, #tpu.memory_space<vmem>>, vector<10000x128xf32>
    %get3A_5 = arith.constant 10000 : index
    %get3A_6 = arith.constant 0 : index
    %get3A_7 = vector.load %arg1[%get3A_5, %get3A_6] : memref<20000x128xf32, #tpu.memory_space<vmem>>, vector<10000x128xf32>
    %add3A = arith.addf %get3A_4, %get3A_7 : vector<10000x128xf32>
    %get3A_8 = arith.constant 0 : index
    %get3A_9 = arith.constant 0 : index
    %get3A_10 = vector.load %arg2[%get3A_8, %get3A_9] : memref<10000x1xf32, #tpu.memory_space<vmem>>, vector<10000x1xf32>
    %max3A = arith.constant 1.000000e+00 : f32
    %max3A_11 = vector.broadcast %max3A : f32 to vector<10000x1xf32>
    %max3A_12 = arith.maximumf %get3A_10, %max3A_11 : vector<10000x1xf32>
    %div3A = vector.broadcast %max3A_12 : vector<10000x1xf32> to vector<10000x128xf32>
    %div3A_13 = arith.divf %add3A, %div3A : vector<10000x128xf32>
    %get3A_14 = arith.constant 0 : index
    %get3A_15 = arith.constant 0 : index
    %get3A_16 = vector.load %arg3[%get3A_14, %get3A_15] : memref<128x128xf32, #tpu.memory_space<vmem>>, vector<128x128xf32>
    %dot_general3A = arith.constant dense<0.000000e+00> : vector<10000x128xf32>
    %dot_general3A_17 = tpu.matmul %div3A_13, %get3A_16, %dot_general3A {dimension_numbers = #tpu.dot_dimension_numbers<[1], [0], [0], [1], [0, 0, 1, 1], [], []>, transpose_lhs_hint = false} : vector<10000x128xf32>, vector<128x128xf32>, vector<10000x128xf32> -> vector<10000x128xf32>
    %get3A_18 = arith.constant 0 : index
    %get3A_19 = arith.constant 0 : index
    %get3A_20 = vector.load %arg4[%get3A_18, %get3A_19] : memref<1x128xf32, #tpu.memory_space<vmem>>, vector<1x128xf32>
    %add3A_21 = vector.broadcast %get3A_20 : vector<1x128xf32> to vector<10000x128xf32>
    %add3A_22 = arith.addf %dot_general3A_17, %add3A_21 : vector<10000x128xf32>
    %get3A_23 = arith.constant 0 : index
    %get3A_24 = arith.constant 0 : index
    %get3A_25 = vector.load %arg5[%get3A_23, %get3A_24] : memref<128x128xf32, #tpu.memory_space<vmem>>, vector<128x128xf32>
    %dot_general3A_26 = arith.constant dense<0.000000e+00> : vector<10000x128xf32>
    %dot_general3A_27 = tpu.matmul %get3A_1, %get3A_25, %dot_general3A_26 {dimension_numbers = #tpu.dot_dimension_numbers<[1], [0], [0], [1], [0, 0, 1, 1], [], []>, transpose_lhs_hint = false} : vector<10000x128xf32>, vector<128x128xf32>, vector<10000x128xf32> -> vector<10000x128xf32>
    %add3A_28 = arith.addf %add3A_22, %dot_general3A_27 : vector<10000x128xf32>
    %max3A_29 = arith.constant 0.000000e+00 : f32
    %max3A_30 = vector.broadcast %max3A_29 : f32 to vector<10000x128xf32>
    %max3A_31 = arith.maximumf %add3A_28, %max3A_30 : vector<10000x128xf32>
    %reduce_sum3A = arith.constant dense<0.000000e+00> : vector<128xf32>
    %reduce_sum3A_32 = vector.multi_reduction <add>, %max3A_31, %reduce_sum3A [0] : vector<10000x128xf32> to vector<128xf32>
    %broadcast_in_dim3A = vector.shape_cast %reduce_sum3A_32 : vector<128xf32> to vector<1x128xf32>
    %div3A_33 = arith.constant 1.000000e+04 : f32
    %div3A_34 = vector.broadcast %div3A_33 : f32 to vector<1x128xf32>
    %div3A_35 = arith.divf %broadcast_in_dim3A, %div3A_34 : vector<1x128xf32>
    %sub3A = vector.broadcast %div3A_35 : vector<1x128xf32> to vector<10000x128xf32>
    %sub3A_36 = arith.subf %max3A_31, %sub3A : vector<10000x128xf32>
    %integer_pow3A = arith.mulf %sub3A_36, %sub3A_36 : vector<10000x128xf32>
    %reduce_sum3A_37 = arith.constant dense<0.000000e+00> : vector<128xf32>
    %reduce_sum3A_38 = vector.multi_reduction <add>, %integer_pow3A, %reduce_sum3A_37 [0] : vector<10000x128xf32> to vector<128xf32>
    %broadcast_in_dim3A_39 = vector.shape_cast %reduce_sum3A_38 : vector<128xf32> to vector<1x128xf32>
    %div3A_40 = arith.constant 1.000000e+04 : f32
    %div3A_41 = vector.broadcast %div3A_40 : f32 to vector<1x128xf32>
    %div3A_42 = arith.divf %broadcast_in_dim3A_39, %div3A_41 : vector<1x128xf32>
    %sub3A_43 = vector.broadcast %div3A_35 : vector<1x128xf32> to vector<10000x128xf32>
    %sub3A_44 = arith.subf %max3A_31, %sub3A_43 : vector<10000x128xf32>
    %add3A_45 = arith.constant 9.99999974E-6 : f32
    %add3A_46 = vector.broadcast %add3A_45 : f32 to vector<1x128xf32>
    %add3A_47 = arith.addf %div3A_42, %add3A_46 : vector<1x128xf32>
    %rsqrt3A = math.rsqrt %add3A_47 : vector<1x128xf32>
    %mul3A = vector.broadcast %rsqrt3A : vector<1x128xf32> to vector<10000x128xf32>
    %mul3A_48 = arith.mulf %sub3A_44, %mul3A : vector<10000x128xf32>
    %get3A_49 = arith.constant 0 : index
    %get3A_50 = arith.constant 0 : index
    %get3A_51 = vector.load %arg6[%get3A_49, %get3A_50] : memref<1x128xf32, #tpu.memory_space<vmem>>, vector<1x128xf32>
    %mul3A_52 = vector.broadcast %get3A_51 : vector<1x128xf32> to vector<10000x128xf32>
    %mul3A_53 = arith.mulf %mul3A_48, %mul3A_52 : vector<10000x128xf32>
    %get3A_54 = arith.constant 0 : index
    %get3A_55 = arith.constant 0 : index
    %get3A_56 = vector.load %arg7[%get3A_54, %get3A_55] : memref<1x128xf32, #tpu.memory_space<vmem>>, vector<1x128xf32>
    %add3A_57 = vector.broadcast %get3A_56 : vector<1x128xf32> to vector<10000x128xf32>
    %add3A_58 = arith.addf %mul3A_53, %add3A_57 : vector<10000x128xf32>
    %swap3A = arith.constant 0 : index
    %swap3A_59 = arith.constant 0 : index
    %swap3A_60 = vector.load %arg8[%swap3A, %swap3A_59] : memref<10000x128xf32, #tpu.memory_space<vmem>>, vector<10000x128xf32>
    tpu.vector_store %arg8[%swap3A, %swap3A_59], %add3A_58 {strides = array<i32>} : memref<10000x128xf32, #tpu.memory_space<vmem>>, vector<10000x128xf32>,
    return
  }
}

module attributes {stable_mosaic.version = 14 : i64} {
  func.func @_tc_layer2_head(%arg0: memref<10000x128xf32, #tpu.memory_space<vmem>>, %arg1: memref<20000x128xf32, #tpu.memory_space<vmem>>, %arg2: memref<10000x1xf32, #tpu.memory_space<vmem>>, %arg3: memref<128x128xf32, #tpu.memory_space<vmem>>, %arg4: memref<1x128xf32, #tpu.memory_space<vmem>>, %arg5: memref<128x128xf32, #tpu.memory_space<vmem>>, %arg6: memref<1x128xf32, #tpu.memory_space<vmem>>, %arg7: memref<1x128xf32, #tpu.memory_space<vmem>>, %arg8: memref<10000x1xi32, #tpu.memory_space<vmem>>, %arg9: memref<1x10000xi32, #tpu.memory_space<vmem>>, %arg10: memref<384x384xf32, #tpu.memory_space<vmem>>, %arg11: memref<1x384xf32, #tpu.memory_space<vmem>>, %arg12: memref<384x10xf32, #tpu.memory_space<vmem>>, %arg13: memref<1x10xf32, #tpu.memory_space<vmem>>, %arg14: memref<64x10xf32, #tpu.memory_space<vmem>>) attributes {dimension_semantics = [], scalar_prefetch = 0 : i64, scratch_operands = 0 : i64, tpu.core_type = #tpu.core_type<tc>} {
    %get3A = arith.constant 0 : index
    %get3A_0 = arith.constant 0 : index
    %get3A_1 = vector.load %arg0[%get3A, %get3A_0] : memref<10000x128xf32, #tpu.memory_space<vmem>>, vector<10000x128xf32>
    %get3A_2 = arith.constant 0 : index
    %get3A_3 = arith.constant 0 : index
    %get3A_4 = vector.load %arg1[%get3A_2, %get3A_3] : memref<20000x128xf32, #tpu.memory_space<vmem>>, vector<10000x128xf32>
    %get3A_5 = arith.constant 10000 : index
    %get3A_6 = arith.constant 0 : index
    %get3A_7 = vector.load %arg1[%get3A_5, %get3A_6] : memref<20000x128xf32, #tpu.memory_space<vmem>>, vector<10000x128xf32>
    %add3A = arith.addf %get3A_4, %get3A_7 : vector<10000x128xf32>
    %get3A_8 = arith.constant 0 : index
    %get3A_9 = arith.constant 0 : index
    %get3A_10 = vector.load %arg2[%get3A_8, %get3A_9] : memref<10000x1xf32, #tpu.memory_space<vmem>>, vector<10000x1xf32>
    %max3A = arith.constant 1.000000e+00 : f32
    %max3A_11 = vector.broadcast %max3A : f32 to vector<10000x1xf32>
    %max3A_12 = arith.maximumf %get3A_10, %max3A_11 : vector<10000x1xf32>
    %div3A = vector.broadcast %max3A_12 : vector<10000x1xf32> to vector<10000x128xf32>
    %div3A_13 = arith.divf %add3A, %div3A : vector<10000x128xf32>
    %get3A_14 = arith.constant 0 : index
    %get3A_15 = arith.constant 0 : index
    %get3A_16 = vector.load %arg3[%get3A_14, %get3A_15] : memref<128x128xf32, #tpu.memory_space<vmem>>, vector<128x128xf32>
    %dot_general3A = arith.constant dense<0.000000e+00> : vector<10000x128xf32>
    %dot_general3A_17 = tpu.matmul %div3A_13, %get3A_16, %dot_general3A {dimension_numbers = #tpu.dot_dimension_numbers<[1], [0], [0], [1], [0, 0, 1, 1], [], []>, transpose_lhs_hint = false} : vector<10000x128xf32>, vector<128x128xf32>, vector<10000x128xf32> -> vector<10000x128xf32>
    %get3A_18 = arith.constant 0 : index
    %get3A_19 = arith.constant 0 : index
    %get3A_20 = vector.load %arg4[%get3A_18, %get3A_19] : memref<1x128xf32, #tpu.memory_space<vmem>>, vector<1x128xf32>
    %add3A_21 = vector.broadcast %get3A_20 : vector<1x128xf32> to vector<10000x128xf32>
    %add3A_22 = arith.addf %dot_general3A_17, %add3A_21 : vector<10000x128xf32>
    %get3A_23 = arith.constant 0 : index
    %get3A_24 = arith.constant 0 : index
    %get3A_25 = vector.load %arg5[%get3A_23, %get3A_24] : memref<128x128xf32, #tpu.memory_space<vmem>>, vector<128x128xf32>
    %dot_general3A_26 = arith.constant dense<0.000000e+00> : vector<10000x128xf32>
    %dot_general3A_27 = tpu.matmul %get3A_1, %get3A_25, %dot_general3A_26 {dimension_numbers = #tpu.dot_dimension_numbers<[1], [0], [0], [1], [0, 0, 1, 1], [], []>, transpose_lhs_hint = false} : vector<10000x128xf32>, vector<128x128xf32>, vector<10000x128xf32> -> vector<10000x128xf32>
    %add3A_28 = arith.addf %add3A_22, %dot_general3A_27 : vector<10000x128xf32>
    %max3A_29 = arith.constant 0.000000e+00 : f32
    %max3A_30 = vector.broadcast %max3A_29 : f32 to vector<10000x128xf32>
    %max3A_31 = arith.maximumf %add3A_28, %max3A_30 : vector<10000x128xf32>
    %reduce_sum3A = arith.constant dense<0.000000e+00> : vector<128xf32>
    %reduce_sum3A_32 = vector.multi_reduction <add>, %max3A_31, %reduce_sum3A [0] : vector<10000x128xf32> to vector<128xf32>
    %broadcast_in_dim3A = vector.shape_cast %reduce_sum3A_32 : vector<128xf32> to vector<1x128xf32>
    %div3A_33 = arith.constant 1.000000e+04 : f32
    %div3A_34 = vector.broadcast %div3A_33 : f32 to vector<1x128xf32>
    %div3A_35 = arith.divf %broadcast_in_dim3A, %div3A_34 : vector<1x128xf32>
    %sub3A = vector.broadcast %div3A_35 : vector<1x128xf32> to vector<10000x128xf32>
    %sub3A_36 = arith.subf %max3A_31, %sub3A : vector<10000x128xf32>
    %integer_pow3A = arith.mulf %sub3A_36, %sub3A_36 : vector<10000x128xf32>
    %reduce_sum3A_37 = arith.constant dense<0.000000e+00> : vector<128xf32>
    %reduce_sum3A_38 = vector.multi_reduction <add>, %integer_pow3A, %reduce_sum3A_37 [0] : vector<10000x128xf32> to vector<128xf32>
    %broadcast_in_dim3A_39 = vector.shape_cast %reduce_sum3A_38 : vector<128xf32> to vector<1x128xf32>
    %div3A_40 = arith.constant 1.000000e+04 : f32
    %div3A_41 = vector.broadcast %div3A_40 : f32 to vector<1x128xf32>
    %div3A_42 = arith.divf %broadcast_in_dim3A_39, %div3A_41 : vector<1x128xf32>
    %sub3A_43 = vector.broadcast %div3A_35 : vector<1x128xf32> to vector<10000x128xf32>
    %sub3A_44 = arith.subf %max3A_31, %sub3A_43 : vector<10000x128xf32>
    %add3A_45 = arith.constant 9.99999974E-6 : f32
    %add3A_46 = vector.broadcast %add3A_45 : f32 to vector<1x128xf32>
    %add3A_47 = arith.addf %div3A_42, %add3A_46 : vector<1x128xf32>
    %rsqrt3A = math.rsqrt %add3A_47 : vector<1x128xf32>
    %mul3A = vector.broadcast %rsqrt3A : vector<1x128xf32> to vector<10000x128xf32>
    %mul3A_48 = arith.mulf %sub3A_44, %mul3A : vector<10000x128xf32>
    %get3A_49 = arith.constant 0 : index
    %get3A_50 = arith.constant 0 : index
    %get3A_51 = vector.load %arg6[%get3A_49, %get3A_50] : memref<1x128xf32, #tpu.memory_space<vmem>>, vector<1x128xf32>
    %mul3A_52 = vector.broadcast %get3A_51 : vector<1x128xf32> to vector<10000x128xf32>
    %mul3A_53 = arith.mulf %mul3A_48, %mul3A_52 : vector<10000x128xf32>
    %get3A_54 = arith.constant 0 : index
    %get3A_55 = arith.constant 0 : index
    %get3A_56 = vector.load %arg7[%get3A_54, %get3A_55] : memref<1x128xf32, #tpu.memory_space<vmem>>, vector<1x128xf32>
    %add3A_57 = vector.broadcast %get3A_56 : vector<1x128xf32> to vector<10000x128xf32>
    %add3A_58 = arith.addf %mul3A_53, %add3A_57 : vector<10000x128xf32>
    %get3A_59 = arith.constant 0 : index
    %get3A_60 = arith.constant 0 : index
    %get3A_61 = vector.load %arg9[%get3A_59, %get3A_60] : memref<1x10000xi32, #tpu.memory_space<vmem>>, vector<1x10000xi32>
    %iota3A = tpu.iota {dimensions = array<i32: 0>} : vector<64x1xi32>
    %iota3A_62 = tpu.iota {dimensions = array<i32: 1>} : vector<1x10000xi32>
    %eq3A = vector.broadcast %iota3A : vector<64x1xi32> to vector<64x10000xi32>
    %eq3A_63 = vector.broadcast %get3A_61 : vector<1x10000xi32> to vector<64x10000xi32>
    %eq3A_64 = arith.cmpi eq, %eq3A, %eq3A_63 : vector<64x10000xi32>
    %jit3A = arith.constant 1.000000e+00 : f32
    %jit3A_65 = arith.constant 0.000000e+00 : f32
    %broadcast_in_dim3A_66 = vector.broadcast %jit3A : f32 to vector<64x10000xf32>
    %broadcast_in_dim3A_67 = vector.broadcast %jit3A_65 : f32 to vector<64x10000xf32>
    %select_n3A = arith.select %eq3A_64, %broadcast_in_dim3A_66, %broadcast_in_dim3A_67 : vector<64x10000xi1>, vector<64x10000xf32>
    %dot_general3A_68 = arith.constant dense<0.000000e+00> : vector<64x128xf32>
    %dot_general3A_69 = tpu.matmul %select_n3A, %add3A_58, %dot_general3A_68 {dimension_numbers = #tpu.dot_dimension_numbers<[1], [0], [0], [1], [0, 0, 1, 1], [], []>, transpose_lhs_hint = false} : vector<64x10000xf32>, vector<10000x128xf32>, vector<64x128xf32> -> vector<64x128xf32>
    %broadcast_in_dim3A_70 = arith.constant 1.000000e+00 : f32
    %broadcast_in_dim3A_71 = vector.broadcast %broadcast_in_dim3A_70 : f32 to vector<10000x1xf32>
    %dot_general3A_72 = arith.constant dense<0.000000e+00> : vector<64x1xf32>
    %dot_general3A_73 = tpu.matmul %select_n3A, %broadcast_in_dim3A_71, %dot_general3A_72 {dimension_numbers = #tpu.dot_dimension_numbers<[1], [0], [0], [1], [0, 0, 1, 1], [], []>, transpose_lhs_hint = false} : vector<64x10000xf32>, vector<10000x1xf32>, vector<64x1xf32> -> vector<64x1xf32>
    %max3A_74 = arith.constant 1.000000e+00 : f32
    %max3A_75 = vector.broadcast %max3A_74 : f32 to vector<64x1xf32>
    %max3A_76 = arith.maximumf %dot_general3A_73, %max3A_75 : vector<64x1xf32>
    %div3A_77 = vector.broadcast %max3A_76 : vector<64x1xf32> to vector<64x128xf32>
    %div3A_78 = arith.divf %dot_general3A_69, %div3A_77 : vector<64x128xf32>
    %ge3A = vector.broadcast %get3A_61 : vector<1x10000xi32> to vector<64x10000xi32>
    %ge3A_79 = vector.broadcast %iota3A : vector<64x1xi32> to vector<64x10000xi32>
    %ge3A_80 = arith.cmpi sge, %ge3A, %ge3A_79 : vector<64x10000xi32>
    %jit3A_81 = arith.constant 10000 : i32
    %broadcast_in_dim3A_82 = vector.shape_cast %iota3A_62 : vector<1x10000xi32> to vector<1x10000xi32>
    %broadcast_in_dim3A_83 = vector.broadcast %broadcast_in_dim3A_82 : vector<1x10000xi32> to vector<64x10000xi32>
    %broadcast_in_dim3A_84 = vector.broadcast %jit3A_81 : i32 to vector<64x10000xi32>
    %select_n3A_85 = arith.select %ge3A_80, %broadcast_in_dim3A_83, %broadcast_in_dim3A_84 : vector<64x10000xi1>, vector<64x10000xi32>
    %reduce_min3A = arith.constant dense<2147483647> : vector<64xi32>
    %reduce_min3A_86 = vector.multi_reduction <minsi>, %select_n3A_85, %reduce_min3A [1] : vector<64x10000xi32> to vector<64xi32>
    %broadcast_in_dim3A_87 = vector.shape_cast %reduce_min3A_86 : vector<64xi32> to vector<64x1xi32>
    %min3A = arith.constant 9999 : i32
    %min3A_88 = vector.broadcast %min3A : i32 to vector<64x1xi32>
    %min3A_89 = arith.minsi %broadcast_in_dim3A_87, %min3A_88 : vector<64x1xi32>
    %eq3A_90 = vector.broadcast %min3A_89 : vector<64x1xi32> to vector<64x10000xi32>
    %eq3A_91 = vector.broadcast %iota3A_62 : vector<1x10000xi32> to vector<64x10000xi32>
    %eq3A_92 = arith.cmpi eq, %eq3A_90, %eq3A_91 : vector<64x10000xi32>
    %jit3A_93 = arith.constant 1.000000e+00 : f32
    %jit3A_94 = arith.constant 0.000000e+00 : f32
    %broadcast_in_dim3A_95 = vector.broadcast %jit3A_93 : f32 to vector<64x10000xf32>
    %broadcast_in_dim3A_96 = vector.broadcast %jit3A_94 : f32 to vector<64x10000xf32>
    %select_n3A_97 = arith.select %eq3A_92, %broadcast_in_dim3A_95, %broadcast_in_dim3A_96 : vector<64x10000xi1>, vector<64x10000xf32>
    %dot_general3A_98 = arith.constant dense<0.000000e+00> : vector<64x128xf32>
    %dot_general3A_99 = tpu.matmul %select_n3A_97, %add3A_58, %dot_general3A_98 {dimension_numbers = #tpu.dot_dimension_numbers<[1], [0], [0], [1], [0, 0, 1, 1], [], []>, transpose_lhs_hint = false} : vector<64x10000xf32>, vector<10000x128xf32>, vector<64x128xf32> -> vector<64x128xf32>
    %get3A_100 = arith.constant 0 : index
    %get3A_101 = arith.constant 0 : index
    %get3A_102 = vector.load %arg8[%get3A_100, %get3A_101] : memref<10000x1xi32, #tpu.memory_space<vmem>>, vector<10000x1xi32>
    %broadcast_in_dim3A_103 = arith.constant 0xFF800000 : f32
    %broadcast_in_dim3A_104 = vector.broadcast %broadcast_in_dim3A_103 : f32 to vector<64x128xf32>
    %scan3A = arith.constant 0 : i32
    %scan3A_105 = arith.constant 64 : i32
    %scan3A_106 = arith.addi %scan3A, %scan3A_105 : i32
    %scan3A_107 = arith.constant 1 : i32
    %scan3A_108 = scf.for %scan3A_141 = %scan3A to %scan3A_106 step %scan3A_107 iter_args(%scan3A_142 = %broadcast_in_dim3A_104) -> (vector<64x128xf32>)  : i32 {
      %eq3A_143 = vector.broadcast %scan3A_141 : i32 to vector<10000x1xi32>
      %eq3A_144 = arith.cmpi eq, %get3A_102, %eq3A_143 : vector<10000x1xi32>
      %jit3A_145 = arith.constant 0xFF800000 : f32
      %broadcast_in_dim3A_146 = vector.shape_cast %eq3A_144 : vector<10000x1xi1> to vector<10000x1xi1>
      %broadcast_in_dim3A_147 = vector.broadcast %broadcast_in_dim3A_146 : vector<10000x1xi1> to vector<10000x128xi1>
      %broadcast_in_dim3A_148 = vector.broadcast %jit3A_145 : f32 to vector<10000x128xf32>
      %select_n3A_149 = arith.select %broadcast_in_dim3A_147, %add3A_58, %broadcast_in_dim3A_148 : vector<10000x128xi1>, vector<10000x128xf32>
      %reduce_max3A_150 = arith.constant dense<0xFF800000> : vector<128xf32>
      %reduce_max3A_151 = vector.multi_reduction <maximumf>, %select_n3A_149, %reduce_max3A_150 [0] : vector<10000x128xf32> to vector<128xf32>
      %broadcast_in_dim3A_152 = vector.shape_cast %reduce_max3A_151 : vector<128xf32> to vector<1x128xf32>
      %eq3A_153 = vector.broadcast %scan3A_141 : i32 to vector<64x1xi32>
      %eq3A_154 = arith.cmpi eq, %iota3A, %eq3A_153 : vector<64x1xi32>
      %broadcast_in_dim3A_155 = vector.shape_cast %eq3A_154 : vector<64x1xi1> to vector<64x1xi1>
      %broadcast_in_dim3A_156 = vector.broadcast %broadcast_in_dim3A_155 : vector<64x1xi1> to vector<64x128xi1>
      %broadcast_in_dim3A_157 = vector.shape_cast %broadcast_in_dim3A_152 : vector<1x128xf32> to vector<1x128xf32>
      %broadcast_in_dim3A_158 = vector.broadcast %broadcast_in_dim3A_157 : vector<1x128xf32> to vector<64x128xf32>
      %select_n3A_159 = arith.select %broadcast_in_dim3A_156, %broadcast_in_dim3A_158, %scan3A_142 : vector<64x128xi1>, vector<64x128xf32>
      scf.yield %select_n3A_159 : vector<64x128xf32>
    }
    %scan3A_109 = arith.constant 64 : i32
    %concatenate3A = tpu.concatenate %scan3A_108, %div3A_78, %dot_general3A_99 in 1 : vector<64x128xf32>, vector<64x128xf32>, vector<64x128xf32> -> vector<64x384xf32>
    %get3A_110 = arith.constant 0 : index
    %get3A_111 = arith.constant 0 : index
    %get3A_112 = vector.load %arg10[%get3A_110, %get3A_111] : memref<384x384xf32, #tpu.memory_space<vmem>>, vector<384x384xf32>
    %dot_general3A_113 = arith.constant dense<0.000000e+00> : vector<64x384xf32>
    %dot_general3A_114 = tpu.matmul %concatenate3A, %get3A_112, %dot_general3A_113 {dimension_numbers = #tpu.dot_dimension_numbers<[1], [0], [0], [1], [0, 0, 1, 1], [], []>, transpose_lhs_hint = false} : vector<64x384xf32>, vector<384x384xf32>, vector<64x384xf32> -> vector<64x384xf32>
    %get3A_115 = arith.constant 0 : index
    %get3A_116 = arith.constant 0 : index
    %get3A_117 = vector.load %arg11[%get3A_115, %get3A_116] : memref<1x384xf32, #tpu.memory_space<vmem>>, vector<1x384xf32>
    %add3A_118 = vector.broadcast %get3A_117 : vector<1x384xf32> to vector<64x384xf32>
    %add3A_119 = arith.addf %dot_general3A_114, %add3A_118 : vector<64x384xf32>
    %get3A_120 = arith.constant 0 : index
    %get3A_121 = arith.constant 0 : index
    %get3A_122 = vector.load %arg12[%get3A_120, %get3A_121] : memref<384x10xf32, #tpu.memory_space<vmem>>, vector<384x10xf32>
    %dot_general3A_123 = arith.constant dense<0.000000e+00> : vector<64x10xf32>
    %dot_general3A_124 = tpu.matmul %add3A_119, %get3A_122, %dot_general3A_123 {dimension_numbers = #tpu.dot_dimension_numbers<[1], [0], [0], [1], [0, 0, 1, 1], [], []>, transpose_lhs_hint = false} : vector<64x384xf32>, vector<384x10xf32>, vector<64x10xf32> -> vector<64x10xf32>
    %get3A_125 = arith.constant 0 : index
    %get3A_126 = arith.constant 0 : index
    %get3A_127 = vector.load %arg13[%get3A_125, %get3A_126] : memref<1x10xf32, #tpu.memory_space<vmem>>, vector<1x10xf32>
    %add3A_128 = vector.broadcast %get3A_127 : vector<1x10xf32> to vector<64x10xf32>
    %add3A_129 = arith.addf %dot_general3A_124, %add3A_128 : vector<64x10xf32>
    %reduce_max3A = arith.constant dense<0xFF800000> : vector<64xf32>
    %reduce_max3A_130 = vector.multi_reduction <maximumf>, %add3A_129, %reduce_max3A [1] : vector<64x10xf32> to vector<64xf32>
    %broadcast_in_dim3A_131 = vector.shape_cast %reduce_max3A_130 : vector<64xf32> to vector<64x1xf32>
    %sub3A_132 = vector.broadcast %broadcast_in_dim3A_131 : vector<64x1xf32> to vector<64x10xf32>
    %sub3A_133 = arith.subf %add3A_129, %sub3A_132 : vector<64x10xf32>
    %exp3A = math.exp %sub3A_133 : vector<64x10xf32>
    %reduce_sum3A_134 = arith.constant dense<0.000000e+00> : vector<64xf32>
    %reduce_sum3A_135 = vector.multi_reduction <add>, %exp3A, %reduce_sum3A_134 [1] : vector<64x10xf32> to vector<64xf32>
    %broadcast_in_dim3A_136 = vector.shape_cast %reduce_sum3A_135 : vector<64xf32> to vector<64x1xf32>
    %log3A = math.log %broadcast_in_dim3A_136 : vector<64x1xf32>
    %sub3A_137 = vector.broadcast %log3A : vector<64x1xf32> to vector<64x10xf32>
    %sub3A_138 = arith.subf %sub3A_133, %sub3A_137 : vector<64x10xf32>
    %swap3A = arith.constant 0 : index
    %swap3A_139 = arith.constant 0 : index
    %swap3A_140 = vector.load %arg14[%swap3A, %swap3A_139] : memref<64x10xf32, #tpu.memory_space<vmem>>, vector<64x10xf32>
    tpu.vector_store %arg14[%swap3A, %swap3A_139], %sub3A_138 {strides = array<i32>} : memref<64x10xf32, #tpu.memory_space<vmem>>, vector<64x10xf32>,
    return
  }
}

</mosaic_0001>

<sc_bundles>
// kernel: kernel.6.cloned.1.call-start
scs
__scs_entry_jumppad:
0x0: {  	(pc) =	sbr.rel $0x88, $3  }
0x1: {  	(tag) =	ssettag $0x0;
	lr =	simm.s32 $0x1  }
0x2: {  	[smem:$0x3F90] =	sst lr;
	_ =	strace $0xD0000000  }
0x3: {  	_ = 	snop  }
0x4: {  	_ = 	snop  }
0x5: {  	_ = 	snop  }
0x6: {  	_ = 	snop  }
0x7: {  	_ = 	snop  }
__scs_overlays_trampoline_lowered:
0x8: {  	[smem:$0x3F9F] =	sst s0  }
0x9: {  	[smem:$0x3FA0] =	sst s1  }
0xa: {  	[smem:$0x3FA1] =	sst s2  }
0xb: {  	[smem:$0x3FA2] =	sst s3  }
0xc: {  	[smem:$0x3FA3] =	sst s4  }
0xd: {  	[smem:$0x3FA4] =	sst s5  }
0xe: {  	[smem:$0x3FA5] =	sst s6  }
0xf: {  	[smem:$0x3FA6] =	sst s7  }
0x10: {  	[smem:$0x3FA7] =	sst s8  }
0x11: {  	[smem:$0x3FA8] =	sst s9;
	s0 =	simm.s32 @!p0 $0x0  }
0x12: {  	s1 =	sld [smem:$0x3F8E];
	s0 =	simm.s32 @p0 $0x1  }
0x13: {  	[smem:$0x3FA9] =	sst s0;
	s0 =	simm.s32 @!p1 $0x0  }
0x14: {  	s2 =	sld [smem:$0x3F8D];
	s0 =	simm.s32 @p1 $0x1  }
0x15: {  	[smem:$0x3FAA] =	sst s0;
	s0 =	simm.s32 @!p2 $0x0  }
0x16: {  	s3 =	sld [smem:$0x3FDB];
	s0 =	simm.s32 @p2 $0x1  }
0x17: {  	s4 =	simm.s32 $0x1BF5;
	[smem:$0x3FAC] =	sst s0  }
0x18: {  	s0 =	sld [smem:$0x3F8F];
	_ =	swait.ge [sflag:s4], $0x0  }
0x19: {  	s7 =	sld [smem:$0x3F90]  }
0x1a: {  	s8 =	sadd.s32 $0xFFFFE003, lr  }
0x1b: {  	s9 =	sadd.s32 $0xFFFFFEF7, lr;
	s5 =	simm.s32 $0xFFFFFFFF;
	p2 =	slt.u32 s8, $0xFFFFF086  }
0x1c: {  	p1 =	slt.u32 s9, $0xF7A;
	s5 =	simm.s32 @!p2 $0x0  }
0x1d: {  	s5 =	simm.s32 @p1 $0x1;
	p0 =	seq.s32 s7, s2  }
0x1e: {  	s7 =	smul.u32 @!p0 $0xF7A, s2;
	p2 =	seq.s32 @!p0 s5, $0x0  }
0x1f: {  	s9 =	smul.u32 $0xF7A, s1;
	s8 =	simm.s32 @!p0 $0x1BF5;
	p2 =	por !p2, p0  }
0x20: {  	[sflag:s8] =	ssyncset.s32 @!p0 $0xFFFFF086;
	s6 =	sadd.s32 @!p0 s3, s7;
	s7 =	simm.s32 @!p0 $0x108  }
0x21: {  	s3 =	sadd.s32 s3, s9;
	s6 =	sadd.s32 @!p0 $0x88, s6;
	s7 =	simm.s32 @p2 $0x1082  }
0x22: {  	[simem:s7], [sflag:s8] =	dma.local @!p0 [hbm:s6], $0xF7A  }
0x23: {  	s9 =	sor.u32 $0xD0000000, s2;
	s6 =	simm.s32 $0x108;
	_ =	swait.ge @!p0 [sflag:s8], $0x0  }
0x24: {  	s3 =	sadd.s32 $0x88, s3;
	s6 =	simm.s32 @!p1 $0x1082;
	[sflag:s4] =	ssyncset.s32 $0xFFFFF086  }
0x25: {  	[simem:s6], [sflag:s4] =	dma.local [hbm:s3], $0xF7A  }
0x26: {  	[smem:$0x3F90] =	sst s1;
	(tag) =	ssettag s2;
	_ =	strace s9  }
0x27: {  	s1 =	sld [smem:$0x3FA0]  }
0x28: {  	s2 =	sld [smem:$0x3FA1]  }
0x29: {  	s4 =	sld [smem:$0x3FA3]  }
0x2a: {  	p0 =	seq.s32 s5, $0x0;
	s5 =	sld [smem:$0x3FA4]  }
0x2b: {  	s6 =	sld [smem:$0x3FA5]  }
0x2c: {  	s7 =	sld [smem:$0x3FA6]  }
0x2d: {  	s3 =	simm.s32 $0x108;
	s8 =	sld [smem:$0x3FA7]  }
0x2e: {  	s3 =	simm.s32 @!p0 $0x1082;
	s9 =	sld [smem:$0x3FA8]  }
0x2f: {  	lr =	sadd.s32 s0, s3;
	s0 =	sld [smem:$0x3F9F]  }
0x30: {  	s3 =	sld [smem:$0x3FA2]  }
0x31: {  	[smem:$0x3FAB] =	sst s10  }
0x32: {  	s10 =	sld [smem:$0x3FA9];
	_ =	sdelay $0x3  }
0x33: {  	p0 =	seq.s32 s10, $0x1;
	s10 =	sld [smem:$0x3FAB];
	_ =	sdelay $0x3  }
0x34: {  	[smem:$0x3FAB] =	sst s10  }
0x35: {  	s10 =	sld [smem:$0x3FAA];
	_ =	sdelay $0x3  }
0x36: {  	p1 =	seq.s32 s10, $0x1;
	s10 =	sld [smem:$0x3FAB];
	_ =	sdelay $0x3  }
0x37: {  	[smem:$0x3FAB] =	sst s10  }
0x38: {  	s10 =	sld [smem:$0x3FAC]  }
0x39: {  	_ = 	snop;
	(pc) =	sbr.ind lr, $3  }
0x3a: {  	_ = 	snop  }
0x3b: {  	_ = 	snop  }
0x3c: {  	p2 =	seq.s32 s10, $0x1;
	s10 =	sld [smem:$0x3FAB]  }
0x3d: {  	_ =	shalt  }
0x3e: {  	_ =	shalt  }
0x3f: {  	_ =	shalt  }
0x40: {  	_ =	shalt  }
0x41: {  	_ =	shalt  }
0x42: {  	_ =	shalt  }
0x43: {  	_ =	shalt  }
0x44: {  	_ =	shalt  }
0x45: {  	_ =	shalt  }
0x46: {  	_ =	shalt  }
0x47: {  	_ =	shalt  }
0x48: {  	_ =	shalt  }
0x49: {  	_ =	shalt  }
0x4a: {  	_ =	shalt  }
0x4b: {  	_ =	shalt  }
0x4c: {  	_ =	shalt  }
0x4d: {  	_ =	shalt  }
0x4e: {  	_ =	shalt  }
0x4f: {  	_ =	shalt  }
0x50: {  	_ =	shalt  }
0x51: {  	_ =	shalt  }
0x52: {  	_ =	shalt  }
0x53: {  	_ =	shalt  }
0x54: {  	_ =	shalt  }
0x55: {  	_ =	shalt  }
0x56: {  	_ =	shalt  }
0x57: {  	_ =	shalt  }
0x58: {  	_ =	shalt  }
0x59: {  	_ =	shalt  }
0x5a: {  	_ =	shalt  }
0x5b: {  	_ =	shalt  }
0x5c: {  	_ =	shalt  }
0x5d: {  	_ =	shalt  }
0x5e: {  	_ =	shalt  }
0x5f: {  	_ =	shalt  }
0x60: {  	_ =	shalt  }
0x61: {  	_ =	shalt  }
0x62: {  	_ =	shalt  }
0x63: {  	_ =	shalt  }
0x64: {  	_ =	shalt  }
0x65: {  	_ =	shalt  }
0x66: {  	_ =	shalt  }
0x67: {  	_ =	shalt  }
0x68: {  	_ =	shalt  }
0x69: {  	_ =	shalt  }
0x6a: {  	_ =	shalt  }
0x6b: {  	_ =	shalt  }
0x6c: {  	_ =	shalt  }
0x6d: {  	_ =	shalt  }
0x6e: {  	_ =	shalt  }
0x6f: {  	_ =	shalt  }
0x70: {  	_ =	shalt  }
0x71: {  	_ =	shalt  }
0x72: {  	_ =	shalt  }
0x73: {  	_ =	shalt  }
0x74: {  	_ =	shalt  }
0x75: {  	_ =	shalt  }
0x76: {  	_ =	shalt  }
0x77: {  	_ =	shalt  }
0x78: {  	_ =	shalt  }
0x79: {  	_ =	shalt  }
0x7a: {  	_ =	shalt  }
0x7b: {  	_ =	shalt  }
0x7c: {  	_ =	shalt  }
0x7d: {  	_ =	shalt  }
0x7e: {  	_ =	shalt  }
0x7f: {  	_ =	shalt  }
0x80: {  	_ =	shalt  }
0x81: {  	_ =	shalt  }
0x82: {  	_ =	shalt  }
0x83: {  	_ =	shalt  }
0x84: {  	_ =	shalt  }
0x85: {  	_ =	shalt  }
0x86: {  	_ =	shalt  }
0x87: {  	_ =	shalt  }
.Lfunc_end0:
.L_simem_size_0:
called_computation_lowered:
.L_overlay_start_0:
0x88: {  	s2 =	sld [smem:$0x3FD9]  }
0x89: {  	s3 =	sld [smem:$0x3FFE];
	_ =	sdelay $0x1  }
0x8a: {  	s1 =	srdreg.scid  }
0x8b: {  	s0 =	sand.u32 $0x1, s1  }
0x8c: {  	s17 =	sshll.u32 s0, $0xA;
	s2 =	sadd.s32 s3, s2  }
0x8d: {  	s2 =	sadd.s32 s2, s17  }
0x8e: {  	[smem:$0x3FB7] =	sst s2  }
0x8f: {  	_ = 	snop  }
0x90: {  	s2 =	sld [smem:$0x3FC9]  }
0x91: {  	s18 =	sld [smem:$0x3FD0];
	(tm) =	ssettm $0x1  }
0x92: {  	s4 =	sld [smem:$0x3FFB];
	_ =	sdelay $0x3  }
0x93: {  	_ =	strace s4  }
0x94: {  	s4 =	sld [smem:$0x3FFC];
	_ =	sdelay $0x3  }
0x95: {  	_ =	strace s4  }
0x96: {  	s4 =	sld [smem:$0x3FFD];
	_ =	sdelay $0x3  }
0x97: {  	_ =	strace s4  }
0x98: {  	_ =	strace $0x8FFFFFFF  }
0x99: {  	s19 =	sld [smem:$0x3FDB];
	_ =	sdelay $0x1  }
0x9a: {  	s5 =	simm.s32 $_scs_section_size  }
0x9b: {  	s6 =	simm.s32 $_size__tile_overlayer_lowered;
	s7 =	simm.s32 $_tile_overlayer_lowered  }
0x9c: {  	s22 =	simm.s32 $0x1BFF;
	s21 =	sshll.u32 s7, $0x1;
	s4 =	sadd.s32 s5, s19  }
0x9d: {  	s8 =	simm.s32 $0x0;
	s20 =	sshll.u32 s6, $0x1;
	s6 =	sadd.s32 s21, s4  }
0x9e: {  	[timem:s8], [sflag:s22] =	dma.local [hbm:s6], s20  }
0x9f: {  	_ =	swait.ge [sflag:s22], s20  }
0xa0: {  	s5 =	ssub.s32 $0x0, s20;
	[sflag:s22] =	ssyncset.done $0x0  }
0xa1: {  	[sflag:s22] =	ssyncadd.s32 s5;
	_ =	sdelay $0x1  }
0xa2: {  	s23 =	simm.s32 $0x1B8B  }
0xa3: {  	_ =	swait.ge [sflag:s23], $0x1  }
0xa4: {  	[sflag:s23] =	ssyncset.done $0x0  }
0xa5: {  	s25 =	simm.s32 $0x1B8E;
	s24 =	sld [smem:$0x3FFE];
	[sflag:s23] =	ssyncadd.s32 $0xFFFFFFFF  }
0xa6: {  	s26 =	simm.s32 $execute0_lowered;
	[smem:$0x3FD2] =	sst s25  }
0xa7: {  	s6 =	sshll.u32 s26, $0x1;
	_ =	strace $0x80000046;
	[dreg:$0x1] =	wrdreg $0xFFFFFFFF  }
0xa8: {  	s28 =	simm.s32 $_size_execute0_lowered;
	s4 =	sadd.s32 s4, s6;
	[dreg:$0x0] =	wrdreg $0x0  }
0xa9: {  	s6 =	sshll.u32 s28, $0x1;
	[dreg:$0x2] =	wrdreg s4  }
0xaa: {  	[dreg:$0x3] =	wrdreg s6  }
0xab: {  	[dreg:$0x4] =	wrdreg $0xC0  }
0xac: {  	_ =	task [dreg:s8], $0x5FFFF  }
0xad: {  	[dreg:$0x1] =	wrdreg $0xFFFFFFFF  }
0xae: {  	[dreg:$0x0] =	wrdreg $0x60  }
0xaf: {  	[dreg:$0x2] =	wrdreg s2  }
0xb0: {  	[dreg:$0x3] =	wrdreg s24  }
0xb1: {  	[dreg:$0x4] =	wrdreg s18  }
0xb2: {  	[dreg:$0x5] =	wrdreg $0x6E000  }
0xb3: {  	[dreg:$0x6] =	wrdreg $0x1AB000  }
0xb4: {  	[dreg:$0x7] =	wrdreg $0x9  }
0xb5: {  	_ =	task.clear_ibuf [dreg:s8], $0x8FFFF;
	_ =	strace $0x90000046  }
0xb6: {  	s29 =	simm.s32 $0x9;
	_ =	strace $0x80000048  }
0xb7: {  	_ =	swait.ge [sflag:s29], $0x1  }
0xb8: {  	[sflag:s29] =	ssyncadd.s32 $0xFFFFFFFF  }
0xb9: {  	_ =	strace $0x90000048  }
0xba: {  	_ =	sfence  }
0xbb: {  	s30 =	sld [smem:$0x0];
	_ =	sdelay $0x2  }
0xbc: {  	s31 =	sshll.u32 s1, $0xD;
	s1 =	sshrl.u32 s1, $0x2  }
0xbd: {  	s3 =	sand.u32 $0x4000, s31;
	s1 =	sadd.s32 s1, s30  }
0xbe: {  	s0 =	sor.u32 s3, s0;
	s1 =	sshll.u32 s1, $0x11  }
0xbf: {  	s0 =	sor.u32 s1, s0  }
0xc0: {  	s0 =	sadd.s32 $0x8F2B, s0  }
0xc1: {  	[sflag:s0] =	ssyncadd.remote.s32 $0x1  }
0xc2: {  	_ =	sfence.sel $0xFFFF  }
0xc3: {  	[dreg:$0x0] =	wrdreg $0xFFFFFFFF;
	(pc) =	sbr.abs _section_cstart, $3  }
0xc4: {  	[dreg:$0x1] =	wrdreg $0xFFFFFFFF  }
0xc5: {  	_ =	task.clear_ibuf [dreg:s8], $0x2FFFF;
	_ =	strace $0x9FFFFFFF  }
0xc6: {  	(tm) =	ssettm $0x7FFFFFFF  }
0xc7: {  	_ =	shalt  }
tec
execute0_lowered:
.L_overlay_start_1:
0x0: {  	(tag) =	ssettag $0x1  }
0x1: {  	s0 =	rddreg [dreg:$0x1]  }
0x2: {  	s4 =	rddreg [dreg:$0x3]  }
0x3: {  	s5 =	rddreg [dreg:$0x4];
	s13 =	stileid.u32;
	s6 =	simm.s32 $0x0  }
0x4: {  	s2 =	srdreg.scid;
	s29 =	simm.s32 $0x1A680;
	s31 =	simm.s32 $0x100  }
0x5: {  	s30 =	simm.s32 $0x2;
	s1 =	smul.u32 $0x3E80, s13;
	[smem:$0x7FF] =	sst s6  }
0x6: {  	s3 =	smul.u32 $0x3E8, s13;
	s2 =	sand.u32 $0x1, s2;
	s14 =	sadd.s32 $0xCC00, s0  }
0x7: {  	s15 =	sadd.s32 $0x2E00, s0;
	s8 =	sshll.u32 s13, $0x1;
	s28 =	smul.u32 $0x7D000, s13  }
0x8: {  	s19 =	smul.u32 $0x4E20, s13;
	p0 =	sgt.u32 s13, $0x9;
	s13 =	simm.s32 $0xC8  }
0x9: {  	_ =	strace $0x80000047;
	s7 =	smul.u32 $0x2710, s2;
	[dreg:$0x10] =	wrdreg s14  }
0xa: {  	s8 =	sor.u32 s2, s8;
	s2 =	ssub.s32 $0x2, s2;
	[dreg:$0x11] =	wrdreg s15  }
0xb: {  	s1 =	sadd.s32 s1, s0;
	s9 =	sshrl.u32 s3, $0x3;
	s8 =	smul.u32 $0x2710, s8  }
0xc: {  	s24 =	sshrl.u32 s2, $0x1;
	s18 =	sshrl.u32 s28, $0x2;
	s10 =	sadd.s32 s3, s7  }
0xd: {  	s9 =	sadd.s32 s9, s0;
	s2 =	ssub.s32 s2, s24;
	s21 =	sadd.s32 s18, s4  }
0xe: {  	s1 =	sadd.s32 $0x16A00, s1;
	s11 =	sshll.u32 s10, $0x4;
	s10 =	sshrl.u32 s10, $0x3  }
0xf: {  	s12 =	sshrl.u32 s8, $0x3;
	s26 =	sadd.s32 $0x28, s8;
	[dreg:$0x18] =	wrdreg s21  }
0x10: {  	s8 =	sadd.s32 $0x78, s8;
	[dreg:$0x19] =	wrdreg s1;
	s22 =	sadd.s32 $0x3DC00, s9  }
0x11: {  	s1 =	sadd.s32 s7, s19;
	s2 =	smax.u32 s2, $0x1;
	s11 =	sadd.s32 s11, s0  }
0x12: {  	s0 =	sadd.s32 s10, s0;
	s25 =	sadd.s32 s14, s12;
	s16 =	sadd.s32 s15, s12  }
0x13: {  	s10 =	sshrl.u32 s26, $0x3;
	s8 =	sshrl.u32 s8, $0x3;
	[dreg:$0x1a] =	wrdreg s22  }
0x14: {  	s22 =	sadd.s32 s3, s5;
	s24 =	sadd.s32 $0x230, s1;
	[dreg:$0x1e] =	wrdreg s2  }
0x15: {  	s26 =	sadd.s32 $0x208, s1;
	s3 =	sadd.s32 $0x1E0, s1;
	[dreg:$0x12] =	wrdreg s25  }
0x16: {  	s9 =	sadd.s32 $0xC8, s1;
	s10 =	sadd.s32 s15, s10;
	[dreg:$0x13] =	wrdreg s16  }
0x17: {  	s17 =	sadd.s32 $0xA, s16;
	s8 =	sadd.s32 s15, s8;
	[dreg:$0x1b] =	wrdreg s22  }
0x18: {  	s20 =	sadd.s32 $0x14, s16;
	s23 =	sadd.s32 $0x3EC00, s11;
	[dreg:$0x14] =	wrdreg s10  }
0x19: {  	s0 =	sadd.s32 $0x3E200, s0;
	s25 =	sshrl.u32 s24, $0x3;
	[dreg:$0x15] =	wrdreg s17  }
0x1a: {  	s28 =	sshrl.u32 s26, $0x3;
	s7 =	sshrl.u32 s3, $0x3;
	[dreg:$0x16] =	wrdreg s8  }
0x1b: {  	s11 =	sshrl.u32 s9, $0x3;
	s16 =	sadd.s32 $0x168, s1;
	[dreg:$0x17] =	wrdreg s20  }
0x1c: {  	s24 =	sadd.s32 $0xF0, s1;
	s3 =	simm.s32 $0x500;
	[dreg:$0x1c] =	wrdreg s23  }
0x1d: {  	s9 =	simm.s32 $0x600;
	[dreg:$0x1d] =	wrdreg s0;
	s0 =	sadd.s32 s25, s15  }
0x1e: {  	s2 =	sadd.s32 s28, s15;
	s8 =	sadd.s32 $0x1B8, s1;
	s12 =	sadd.s32 s11, s15  }
0x1f: {  	s17 =	sadd.s32 s11, s14;
	s18 =	sshrl.u32 s16, $0x3;
	s20 =	sadd.s32 $0x140, s1  }
0x20: {  	s23 =	sadd.s32 $0x118, s1;
	s26 =	sshrl.u32 s24, $0x3;
	[dreg:$0x6] =	wrdreg s0  }
0x21: {  	s1 =	sadd.s32 $0x190, s1;
	s11 =	simm.s32 $0x680;
	[dreg:$0x7] =	wrdreg s2  }
0x22: {  	s14 =	simm.s32 $0xA00;
	s16 =	simm.s32 $0x28;
	[dreg:$0xa] =	wrdreg s12  }
0x23: {  	s0 =	sadd.s32 s7, s15;
	s2 =	sshrl.u32 s8, $0x3;
	[dreg:$0xb] =	wrdreg s17  }
0x24: {  	s19 =	sadd.s32 s18, s15;
	s21 =	sshrl.u32 s20, $0x3;
	[dreg:$0x1f] =	wrdreg s1  }
0x25: {  	s28 =	sadd.s32 s26, s15;
	s12 =	simm.s32 $0x1;
	[dreg:$0x8] =	wrdreg s0  }
0x26: {  	s17 =	simm.s32 $0x1E00;
	s20 =	simm.s32 $0x4600;
	[dreg:$0xc] =	wrdreg s19  }
0x27: {  	s8 =	simm.s32 $0x0;
	s10 =	sadd.s32 s2, s15;
	[dreg:$0xf] =	wrdreg s28  }
0x28: {  	s0 =	sadd.s32 s21, s15;
	s2 =	sshrl.u32 s23, $0x3;
	[dreg:$0x9] =	wrdreg s10  }
0x29: {  	s19 =	simm.s32 $0x3200;
	s21 =	simm.s32 $0x5A00;
	[dreg:$0xd] =	wrdreg s0  }
0x2a: {  	s25 =	sadd.s32 s2, s15;
	s0 =	simm.s32 $0x480;
	s2 =	simm.s32 $0x580  }
0x2b: {  	s15 =	simm.s32 $0x3;
	s10 =	simm.s32 $0x4;
	[dreg:$0xe] =	wrdreg s25  }
.LBB2_1:
0x2c: {  	[smem:$0x7FB] =	sst s8  }
0x2d: {  	s1 =	rddreg [dreg:$0x12]  }
0x2e: {  	[tilespmem:s6], [sflag:$0x1] =	stream.linear.gather [hbm4b:s1+s6], $0xC8, $0x38;
	[tilespmem:$0x1AD78] =	vst v63  }
0x2f: {  	s26 =	rddreg [dreg:$0x13];
	s23 =	simm.s32 $0x200  }
0x30: {  	[tilespmem:s23], [sflag:$0x1] =	stream.linear.gather [hbm4b:s26+s6], $0x28, $0x38;
	[tilespmem:$0x1AD78] =	vst v63  }
0x31: {  	s28 =	rddreg [dreg:$0x14];
	s24 =	simm.s32 $0x280  }
0x32: {  	[tilespmem:s24], [sflag:$0x1] =	stream.linear.gather [hbm4b:s28+s6], $0x28, $0x38;
	[tilespmem:$0x1AD78] =	vst v63  }
0x33: {  	s7 =	rddreg [dreg:$0x15];
	s25 =	simm.s32 $0x300  }
0x34: {  	[tilespmem:s25], [sflag:$0x1] =	stream.linear.gather [hbm4b:s7+s6], $0x28, $0x38;
	[tilespmem:$0x1AD78] =	vst v63  }
0x35: {  	s8 =	rddreg [dreg:$0x16];
	s26 =	simm.s32 $0x380  }
0x36: {  	[tilespmem:s26], [sflag:$0x1] =	stream.linear.gather [hbm4b:s8+s6], $0x28, $0x38;
	[tilespmem:$0x1AD78] =	vst v63  }
0x37: {  	s18 =	rddreg [dreg:$0x17];
	s28 =	simm.s32 $0x400  }
0x38: {  	[tilespmem:s28], [sflag:$0x1] =	stream.linear.gather [hbm4b:s18+s6], $0x28, $0x38;
	[tilespmem:$0x1AD78] =	vst v63  }
0x39: {  	s7 =	rddreg [dreg:$0x2]  }
0x3a: {  	[tilespmem:s29], [sflag:$0x5] =	stream.linear.gather [hbm4b:s7+s6], $0x80, $0x38;
	[tilespmem:$0x1AD78] =	vst v63  }
0x3b: {  	s7 =	simm.s32 $0x5  }
0x3c: {  	s1 =	stileid.u32;
	_ =	swait.ge [sflag:s7], $0x80  }
0x3d: {  	s1 =	sshll.u32 @!p0 s1, $0x6;
	[sflag:s7] =	ssyncset.done $0x0  }
0x3e: {  	[sflag:s7] =	ssyncadd.s32 $0xFFFFFF80;
	s7 =	sor.u32 @!p0 $0x1C05, s1;
	s1 =	rddreg [dreg:$0x18]  }
0x3f: {  	s8 =	sshrl.u32 @!p0 s1, $0x3;
	s1 =	rddreg [dreg:$0x19]  }
0x40: {  	[smem:$0x7FC] =	sst s7  }
0x41: {  	[smem:$0x7FD] =	sst s8  }
0x42: {  	[spmem:s8], [sflag:s7] =	dma.local @!p0 [hbm:s1], $0x3E80  }
0x43: {  	s1 =	simm.s32 @!p0 $0x5  }
0x44: {  	_ =	swait.ge @!p0 [sflag:s1], $0x3E80  }
0x45: {  	s7 =	simm.s32 @!p0 $0x0;
	[sflag:s1] =	ssyncset.done @!p0 $0x0  }
0x46: {  	s8 =	simm.s32 @!p0 $0x1A700;
	s18 =	rddreg [dreg:$0x1a];
	[sflag:s1] =	ssyncadd.s32 @!p0 $0xFFFFC180  }
0x47: {  	[tilespmem:s8], [sflag:$0x5] =	stream.linear.gather @!p0 [hbm4b:s18+s7], $0x3E8, $0x38;
	[tilespmem:$0x1AD78] =	vst v63  }
0x48: {  	_ =	swait.ge @!p0 [sflag:s1], $0x3E8  }
0x49: {  	[sflag:s1] =	ssyncset.done @!p0 $0x0  }
0x4a: {  	[sflag:s1] =	ssyncadd.s32 @!p0 $0xFFFFFC18  }
0x4b: {  	[spmem:s22] =	stream.linear.scatter @!p0 [tilespmem:s8], [sflag:$0x5], $0x3E8, $0x38;
	[tilespmem:$0x1AD78] =	vst v63  }
0x4c: {  	_ =	swait.ge @!p0 [sflag:s1], $0x3E8  }
0x4d: {  	[sflag:s1] =	ssyncset.done @!p0 $0x0  }
0x4e: {  	[sflag:s1] =	ssyncadd.s32 @!p0 $0xFFFFFC18  }
0x4f: {  	[bflag:$0x0] =	sbarrier.arrive $0xFFFF  }
0x50: {  	s8 =	rddreg [dreg:$0xb]  }
0x51: {  	s18 =	rddreg [dreg:$0xa];
	s1 =	sadd.s32 $0x0, s8  }
0x52: {  	[tilespmem:s31], [sflag:$0x2] =	stream.linear.gather [hbm4b:s1+s6], $0xC8, $0x38;
	[tilespmem:$0x1AD78] =	vst v63  }
0x53: {  	s22 =	rddreg [dreg:$0xf];
	s7 =	sadd.s32 $0x0, s18  }
0x54: {  	[tilespmem:s0], [sflag:$0x2] =	stream.linear.gather [hbm4b:s7+s6], $0x28, $0x38;
	[tilespmem:$0x1AD78] =	vst v63  }
0x55: {  	s18 =	rddreg [dreg:$0xe];
	s22 =	sadd.s32 $0x0, s22  }
0x56: {  	[tilespmem:s3], [sflag:$0x2] =	stream.linear.gather [hbm4b:s22+s6], $0x28, $0x38;
	[tilespmem:$0x1AD78] =	vst v63  }
0x57: {  	s8 =	rddreg [dreg:$0xd];
	s18 =	sadd.s32 $0x0, s18  }
0x58: {  	[tilespmem:s2], [sflag:$0x2] =	stream.linear.gather [hbm4b:s18+s6], $0x28, $0x38;
	[tilespmem:$0x1AD78] =	vst v63  }
0x59: {  	s22 =	rddreg [dreg:$0xc];
	s18 =	sadd.s32 $0x0, s8  }
0x5a: {  	[tilespmem:s9], [sflag:$0x2] =	stream.linear.gather [hbm4b:s18+s6], $0x28, $0x38;
	[tilespmem:$0x1AD78] =	vst v63  }
0x5b: {  	s22 =	sadd.s32 $0x0, s22  }
0x5c: {  	[tilespmem:s11], [sflag:$0x2] =	stream.linear.gather [hbm4b:s22+s6], $0x28, $0x38;
	[tilespmem:$0x1AD78] =	vst v63  }
0x5d: {  	_ =	swait.ge [sflag:s12], $0xC8  }
0x5e: {  	[sflag:s12] =	ssyncset.done $0x0  }
0x5f: {  	[sflag:s12] =	ssyncadd.s32 $0xFFFFFF38  }
0x60: {  	_ =	swait.ge [sflag:s12], $0x28  }
0x61: {  	[sflag:s12] =	ssyncset.done $0x0  }
0x62: {  	[sflag:s12] =	ssyncadd.s32 $0xFFFFFFD8  }
0x63: {  	_ =	swait.ge [sflag:s12], $0x28  }
0x64: {  	[sflag:s12] =	ssyncset.done $0x0  }
0x65: {  	[sflag:s12] =	ssyncadd.s32 $0xFFFFFFD8  }
0x66: {  	_ =	swait.ge [sflag:s12], $0x28  }
0x67: {  	[sflag:s12] =	ssyncset.done $0x0  }
0x68: {  	[sflag:s12] =	ssyncadd.s32 $0xFFFFFFD8  }
0x69: {  	_ =	swait.ge [sflag:s12], $0x28  }
0x6a: {  	[sflag:s12] =	ssyncset.done $0x0  }
0x6b: {  	[sflag:s12] =	ssyncadd.s32 $0xFFFFFFD8  }
0x6c: {  	_ =	swait.ge [sflag:s12], $0x28  }
0x6d: {  	[sflag:s12] =	ssyncset.done $0x0  }
0x6e: {  	[sflag:s12] =	ssyncadd.s32 $0xFFFFFFD8  }
0x6f: {  	s22 =	rddreg [dreg:$0x0]  }
0x70: {  	[tilespmem:s14], [sflag:$0x3] =	stream.indirect.gather [hbm4b:s22+s13], $0x80, s6, s13, $0xb8;
	[tilespmem:$0x1AD78] =	vst v63  }
0x71: {  	_ =	swait.ge [sflag:s15], $0x6400  }
0x72: {  	[sflag:s15] =	ssyncset.done $0x0  }
0x73: {  	[sflag:s15] =	ssyncadd.s32 $0xFFFF9C00  }
0x74: {  	[spmem:s4] =	stream.indirect.scatter.add.f32 [tilespmem:s14], [sflag:$0x4], $0x80, s23, s16, $0xb8;
	[tilespmem:$0x1AD78] =	vst v63  }
0x75: {  	_ = 	snop  }
0x76: {  	[spmem:s5] =	stream.indirect.scatter.add.f32 [tilespmem:s29], [sflag:$0x4], $0x1, s23, s16, $0xb8;
	[tilespmem:$0x1AD78] =	vst v63  }
0x77: {  	_ = 	snop  }
0x78: {  	[spmem:s4] =	stream.indirect.scatter.add.f32 [tilespmem:s17], [sflag:$0x4], $0x80, s24, s16, $0xb8;
	[tilespmem:$0x1AD78] =	vst v63  }
0x79: {  	_ = 	snop  }
0x7a: {  	[spmem:s5] =	stream.indirect.scatter.add.f32 [tilespmem:s29], [sflag:$0x4], $0x1, s24, s16, $0xb8;
	[tilespmem:$0x1AD78] =	vst v63  }
0x7b: {  	_ = 	snop  }
0x7c: {  	[spmem:s4] =	stream.indirect.scatter.add.f32 [tilespmem:s19], [sflag:$0x4], $0x80, s25, s16, $0xb8;
	[tilespmem:$0x1AD78] =	vst v63  }
0x7d: {  	_ = 	snop  }
0x7e: {  	[spmem:s5] =	stream.indirect.scatter.add.f32 [tilespmem:s29], [sflag:$0x4], $0x1, s25, s16, $0xb8;
	[tilespmem:$0x1AD78] =	vst v63  }
0x7f: {  	_ = 	snop  }
0x80: {  	[spmem:s4] =	stream.indirect.scatter.add.f32 [tilespmem:s20], [sflag:$0x4], $0x80, s26, s16, $0xb8;
	[tilespmem:$0x1AD78] =	vst v63  }
0x81: {  	_ = 	snop  }
0x82: {  	[spmem:s5] =	stream.indirect.scatter.add.f32 [tilespmem:s29], [sflag:$0x4], $0x1, s26, s16, $0xb8;
	[tilespmem:$0x1AD78] =	vst v63  }
0x83: {  	_ = 	snop  }
0x84: {  	[spmem:s4] =	stream.indirect.scatter.add.f32 [tilespmem:s21], [sflag:$0x4], $0x80, s28, s16, $0xb8;
	[tilespmem:$0x1AD78] =	vst v63  }
0x85: {  	_ = 	snop  }
0x86: {  	[spmem:s5] =	stream.indirect.scatter.add.f32 [tilespmem:s29], [sflag:$0x4], $0x1, s28, s16, $0xb8;
	[tilespmem:$0x1AD78] =	vst v63  }
0x87: {  	_ =	swait.ge [sflag:s10], $0x1400  }
0x88: {  	[sflag:s10] =	ssyncset.done $0x0  }
0x89: {  	[sflag:s10] =	ssyncadd.s32 $0xFFFFEC00  }
0x8a: {  	_ =	swait.ge [sflag:s10], $0x28  }
0x8b: {  	[sflag:s10] =	ssyncset.done $0x0  }
0x8c: {  	[sflag:s10] =	ssyncadd.s32 $0xFFFFFFD8  }
0x8d: {  	_ =	swait.ge [sflag:s10], $0x1400  }
0x8e: {  	[sflag:s10] =	ssyncset.done $0x0  }
0x8f: {  	[sflag:s10] =	ssyncadd.s32 $0xFFFFEC00  }
0x90: {  	_ =	swait.ge [sflag:s10], $0x28  }
0x91: {  	[sflag:s10] =	ssyncset.done $0x0  }
0x92: {  	[sflag:s10] =	ssyncadd.s32 $0xFFFFFFD8  }
0x93: {  	_ =	swait.ge [sflag:s10], $0x1400  }
0x94: {  	[sflag:s10] =	ssyncset.done $0x0  }
0x95: {  	[sflag:s10] =	ssyncadd.s32 $0xFFFFEC00  }
0x96: {  	_ =	swait.ge [sflag:s10], $0x28  }
0x97: {  	[sflag:s10] =	ssyncset.done $0x0  }
0x98: {  	[sflag:s10] =	ssyncadd.s32 $0xFFFFFFD8  }
0x99: {  	_ =	swait.ge [sflag:s10], $0x1400  }
0x9a: {  	[sflag:s10] =	ssyncset.done $0x0  }
0x9b: {  	[sflag:s10] =	ssyncadd.s32 $0xFFFFEC00  }
0x9c: {  	_ =	swait.ge [sflag:s10], $0x28  }
0x9d: {  	[sflag:s10] =	ssyncset.done $0x0  }
0x9e: {  	[sflag:s10] =	ssyncadd.s32 $0xFFFFFFD8  }
0x9f: {  	_ =	swait.ge [sflag:s10], $0x1400  }
0xa0: {  	[sflag:s10] =	ssyncset.done $0x0  }
0xa1: {  	[sflag:s10] =	ssyncadd.s32 $0xFFFFEC00  }
0xa2: {  	p1 =	por $0x0, $0x0;
	_ =	swait.ge [sflag:s10], $0x28  }
0xa3: {  	s7 =	simm.s32 @!p1 $0x0;
	s23 =	rddreg [dreg:$0x1f]  }
0xa4: {  	[sflag:s10] =	ssyncset.done $0x0;
	s8 =	rddreg [dreg:$0x10];
	s1 =	sshrl.u32 @!p1 s23, $0x3  }
0xa5: {  	s18 =	rddreg [dreg:$0x11];
	[sflag:s10] =	ssyncadd.s32 $0xFFFFFFD8;
	s8 =	sadd.s32 @!p1 s8, s1  }
0xa6: {  	[tilespmem:s7], [sflag:$0x1] =	stream.linear.gather @!p1 [hbm4b:s8+s7], $0xC8, $0x38;
	[tilespmem:$0x1AD78] =	vst v63  }
0xa7: {  	s1 =	sadd.s32 @!p1 s18, s1;
	s18 =	simm.s32 @!p1 $0x200;
	s8 =	rddreg [dreg:$0x9]  }
0xa8: {  	[tilespmem:s18], [sflag:$0x1] =	stream.linear.gather @!p1 [hbm4b:s1+s7], $0x28, $0x38;
	[tilespmem:$0x1AD78] =	vst v63  }
0xa9: {  	s8 =	sadd.s32 @!p1 $0x0, s8;
	s1 =	rddreg [dreg:$0x8];
	s18 =	simm.s32 @!p1 $0x280  }
0xaa: {  	[tilespmem:s18], [sflag:$0x1] =	stream.linear.gather @!p1 [hbm4b:s8+s7], $0x28, $0x38;
	[tilespmem:$0x1AD78] =	vst v63  }
0xab: {  	s1 =	sadd.s32 @!p1 $0x0, s1;
	s8 =	rddreg [dreg:$0x7];
	s18 =	simm.s32 @!p1 $0x300  }
0xac: {  	[tilespmem:s18], [sflag:$0x1] =	stream.linear.gather @!p1 [hbm4b:s1+s7], $0x28, $0x38;
	[tilespmem:$0x1AD78] =	vst v63  }
0xad: {  	s8 =	sadd.s32 @!p1 $0x0, s8;
	s1 =	rddreg [dreg:$0x6];
	s18 =	simm.s32 @!p1 $0x380  }
0xae: {  	[tilespmem:s18], [sflag:$0x1] =	stream.linear.gather @!p1 [hbm4b:s8+s7], $0x28, $0x38;
	[tilespmem:$0x1AD78] =	vst v63  }
0xaf: {  	s1 =	sadd.s32 @!p1 $0x0, s1;
	s8 =	simm.s32 @!p1 $0x400  }
0xb0: {  	[tilespmem:s8], [sflag:$0x1] =	stream.linear.gather @!p1 [hbm4b:s1+s7], $0x28, $0x38;
	[tilespmem:$0x1AD78] =	vst v63  }
0xb1: {  	_ =	swait.ge [sflag:s30], $0xC8  }
0xb2: {  	[sflag:s30] =	ssyncset.done $0x0  }
0xb3: {  	[sflag:s30] =	ssyncadd.s32 $0xFFFFFF38  }
0xb4: {  	_ =	swait.ge [sflag:s30], $0x28  }
0xb5: {  	[sflag:s30] =	ssyncset.done $0x0  }
0xb6: {  	[sflag:s30] =	ssyncadd.s32 $0xFFFFFFD8  }
0xb7: {  	_ =	swait.ge [sflag:s30], $0x28  }
0xb8: {  	[sflag:s30] =	ssyncset.done $0x0  }
0xb9: {  	[sflag:s30] =	ssyncadd.s32 $0xFFFFFFD8  }
0xba: {  	_ =	swait.ge [sflag:s30], $0x28  }
0xbb: {  	[sflag:s30] =	ssyncset.done $0x0  }
0xbc: {  	[sflag:s30] =	ssyncadd.s32 $0xFFFFFFD8  }
0xbd: {  	_ =	swait.ge [sflag:s30], $0x28  }
0xbe: {  	[sflag:s30] =	ssyncset.done $0x0  }
0xbf: {  	[sflag:s30] =	ssyncadd.s32 $0xFFFFFFD8  }
0xc0: {  	_ =	swait.ge [sflag:s30], $0x28  }
0xc1: {  	[sflag:s30] =	ssyncset.done $0x0  }
0xc2: {  	[sflag:s30] =	ssyncadd.s32 $0xFFFFFFD8  }
0xc3: {  	[tilespmem:s14], [sflag:$0x3] =	stream.indirect.gather [hbm4b:s22+s13], $0x80, s31, s13, $0xb8;
	[tilespmem:$0x1AD78] =	vst v63  }
0xc4: {  	_ =	swait.ge [sflag:s15], $0x6400  }
0xc5: {  	[sflag:s15] =	ssyncset.done $0x0  }
0xc6: {  	[sflag:s15] =	ssyncadd.s32 $0xFFFF9C00  }
0xc7: {  	[spmem:s4] =	stream.indirect.scatter.add.f32 [tilespmem:s14], [sflag:$0x4], $0x80, s0, s16, $0xb8;
	[tilespmem:$0x1AD78] =	vst v63  }
0xc8: {  	_ = 	snop  }
0xc9: {  	[spmem:s5] =	stream.indirect.scatter.add.f32 [tilespmem:s29], [sflag:$0x4], $0x1, s0, s16, $0xb8;
	[tilespmem:$0x1AD78] =	vst v63  }
0xca: {  	_ = 	snop  }
0xcb: {  	[spmem:s4] =	stream.indirect.scatter.add.f32 [tilespmem:s17], [sflag:$0x4], $0x80, s3, s16, $0xb8;
	[tilespmem:$0x1AD78] =	vst v63  }
0xcc: {  	_ = 	snop  }
0xcd: {  	[spmem:s5] =	stream.indirect.scatter.add.f32 [tilespmem:s29], [sflag:$0x4], $0x1, s3, s16, $0xb8;
	[tilespmem:$0x1AD78] =	vst v63  }
0xce: {  	_ = 	snop  }
0xcf: {  	[spmem:s4] =	stream.indirect.scatter.add.f32 [tilespmem:s19], [sflag:$0x4], $0x80, s2, s16, $0xb8;
	[tilespmem:$0x1AD78] =	vst v63  }
0xd0: {  	_ = 	snop  }
0xd1: {  	[spmem:s5] =	stream.indirect.scatter.add.f32 [tilespmem:s29], [sflag:$0x4], $0x1, s2, s16, $0xb8;
	[tilespmem:$0x1AD78] =	vst v63  }
0xd2: {  	_ = 	snop  }
0xd3: {  	[spmem:s4] =	stream.indirect.scatter.add.f32 [tilespmem:s20], [sflag:$0x4], $0x80, s9, s16, $0xb8;
	[tilespmem:$0x1AD78] =	vst v63  }
0xd4: {  	_ = 	snop  }
0xd5: {  	[spmem:s5] =	stream.indirect.scatter.add.f32 [tilespmem:s29], [sflag:$0x4], $0x1, s9, s16, $0xb8;
	[tilespmem:$0x1AD78] =	vst v63  }
0xd6: {  	_ = 	snop  }
0xd7: {  	[spmem:s4] =	stream.indirect.scatter.add.f32 [tilespmem:s21], [sflag:$0x4], $0x80, s11, s16, $0xb8;
	[tilespmem:$0x1AD78] =	vst v63  }
0xd8: {  	_ = 	snop  }
0xd9: {  	[spmem:s5] =	stream.indirect.scatter.add.f32 [tilespmem:s29], [sflag:$0x4], $0x1, s11, s16, $0xb8;
	[tilespmem:$0x1AD78] =	vst v63  }
0xda: {  	_ =	swait.ge [sflag:s10], $0x1400  }
0xdb: {  	[sflag:s10] =	ssyncset.done $0x0  }
0xdc: {  	[sflag:s10] =	ssyncadd.s32 $0xFFFFEC00  }
0xdd: {  	_ =	swait.ge [sflag:s10], $0x28  }
0xde: {  	[sflag:s10] =	ssyncset.done $0x0  }
0xdf: {  	[sflag:s10] =	ssyncadd.s32 $0xFFFFFFD8  }
0xe0: {  	_ =	swait.ge [sflag:s10], $0x1400  }
0xe1: {  	[sflag:s10] =	ssyncset.done $0x0  }
0xe2: {  	[sflag:s10] =	ssyncadd.s32 $0xFFFFEC00  }
0xe3: {  	_ =	swait.ge [sflag:s10], $0x28  }
0xe4: {  	[sflag:s10] =	ssyncset.done $0x0  }
0xe5: {  	[sflag:s10] =	ssyncadd.s32 $0xFFFFFFD8  }
0xe6: {  	_ =	swait.ge [sflag:s10], $0x1400  }
0xe7: {  	[sflag:s10] =	ssyncset.done $0x0  }
0xe8: {  	[sflag:s10] =	ssyncadd.s32 $0xFFFFEC00  }
0xe9: {  	_ =	swait.ge [sflag:s10], $0x28  }
0xea: {  	[sflag:s10] =	ssyncset.done $0x0  }
0xeb: {  	[sflag:s10] =	ssyncadd.s32 $0xFFFFFFD8  }
0xec: {  	_ =	swait.ge [sflag:s10], $0x1400  }
0xed: {  	[sflag:s10] =	ssyncset.done $0x0  }
0xee: {  	[sflag:s10] =	ssyncadd.s32 $0xFFFFEC00  }
0xef: {  	_ =	swait.ge [sflag:s10], $0x28  }
0xf0: {  	[sflag:s10] =	ssyncset.done $0x0  }
0xf1: {  	[sflag:s10] =	ssyncadd.s32 $0xFFFFFFD8  }
0xf2: {  	_ =	swait.ge [sflag:s10], $0x1400  }
0xf3: {  	[sflag:s10] =	ssyncset.done $0x0  }
0xf4: {  	[sflag:s10] =	ssyncadd.s32 $0xFFFFEC00  }
0xf5: {  	s18 =	smov.u32 s23;
	s1 =	simm.s32 $0x64;
	_ =	swait.ge [sflag:s10], $0x28  }
0xf6: {  	s22 =	simm.s32 $0x32;
	s8 =	rddreg [dreg:$0xb];
	[sflag:s10] =	ssyncset.done $0x0  }
.LBB2_2:
0xf7: {  	[sflag:s10] =	ssyncadd.s32 $0xFFFFFFD8;
	s23 =	rddreg [dreg:$0xa];
	s8 =	sadd.s32 s22, s8  }
0xf8: {  	[tilespmem:s31], [sflag:$0x2] =	stream.linear.gather [hbm4b:s8+s6], $0xC8, $0x38;
	[tilespmem:$0x1AD78] =	vst v63  }
0xf9: {  	s24 =	rddreg [dreg:$0xf];
	s26 =	sadd.s32 s22, s23  }
0xfa: {  	[tilespmem:s0], [sflag:$0x2] =	stream.linear.gather [hbm4b:s26+s6], $0x28, $0x38;
	[tilespmem:$0x1AD78] =	vst v63  }
0xfb: {  	s28 =	rddreg [dreg:$0xe];
	s24 =	sadd.s32 s22, s24  }
0xfc: {  	[tilespmem:s3], [sflag:$0x2] =	stream.linear.gather [hbm4b:s24+s6], $0x28, $0x38;
	[tilespmem:$0x1AD78] =	vst v63  }
0xfd: {  	s25 =	rddreg [dreg:$0xd];
	s26 =	sadd.s32 s22, s28  }
0xfe: {  	[tilespmem:s2], [sflag:$0x2] =	stream.linear.gather [hbm4b:s26+s6], $0x28, $0x38;
	[tilespmem:$0x1AD78] =	vst v63  }
0xff: {  	s28 =	rddreg [dreg:$0xc];
	s24 =	sadd.s32 s22, s25  }
0x100: {  	[tilespmem:s9], [sflag:$0x2] =	stream.linear.gather [hbm4b:s24+s6], $0x28, $0x38;
	[tilespmem:$0x1AD78] =	vst v63  }
0x101: {  	s25 =	sadd.s32 s22, s28  }
0x102: {  	[tilespmem:s11], [sflag:$0x2] =	stream.linear.gather [hbm4b:s25+s6], $0x28, $0x38;
	[tilespmem:$0x1AD78] =	vst v63  }
0x103: {  	_ =	swait.ge [sflag:s12], $0xC8  }
0x104: {  	[sflag:s12] =	ssyncset.done $0x0  }
0x105: {  	[sflag:s12] =	ssyncadd.s32 $0xFFFFFF38  }
0x106: {  	_ =	swait.ge [sflag:s12], $0x28  }
0x107: {  	[sflag:s12] =	ssyncset.done $0x0  }
0x108: {  	[sflag:s12] =	ssyncadd.s32 $0xFFFFFFD8  }
0x109: {  	_ =	swait.ge [sflag:s12], $0x28  }
0x10a: {  	[sflag:s12] =	ssyncset.done $0x0  }
0x10b: {  	[sflag:s12] =	ssyncadd.s32 $0xFFFFFFD8  }
0x10c: {  	_ =	swait.ge [sflag:s12], $0x28  }
0x10d: {  	[sflag:s12] =	ssyncset.done $0x0  }
0x10e: {  	[sflag:s12] =	ssyncadd.s32 $0xFFFFFFD8  }
0x10f: {  	_ =	swait.ge [sflag:s12], $0x28  }
0x110: {  	[sflag:s12] =	ssyncset.done $0x0  }
0x111: {  	[sflag:s12] =	ssyncadd.s32 $0xFFFFFFD8  }
0x112: {  	_ =	swait.ge [sflag:s12], $0x28  }
0x113: {  	[sflag:s12] =	ssyncset.done $0x0  }
0x114: {  	[sflag:s12] =	ssyncadd.s32 $0xFFFFFFD8  }
0x115: {  	s28 =	rddreg [dreg:$0x0]  }
0x116: {  	[tilespmem:s14], [sflag:$0x3] =	stream.indirect.gather [hbm4b:s28+s13], $0x80, s6, s13, $0xb8;
	[tilespmem:$0x1AD78] =	vst v63  }
0x117: {  	_ =	swait.ge [sflag:s15], $0x6400  }
0x118: {  	[sflag:s15] =	ssyncset.done $0x0  }
0x119: {  	s26 =	simm.s32 $0x200;
	[sflag:s15] =	ssyncadd.s32 $0xFFFF9C00  }
0x11a: {  	[spmem:s4] =	stream.indirect.scatter.add.f32 [tilespmem:s14], [sflag:$0x4], $0x80, s26, s16, $0xb8;
	[tilespmem:$0x1AD78] =	vst v63  }
0x11b: {  	_ = 	snop  }
0x11c: {  	[spmem:s5] =	stream.indirect.scatter.add.f32 [tilespmem:s29], [sflag:$0x4], $0x1, s26, s16, $0xb8;
	[tilespmem:$0x1AD78] =	vst v63  }
0x11d: {  	s23 =	simm.s32 $0x280  }
0x11e: {  	[spmem:s4] =	stream.indirect.scatter.add.f32 [tilespmem:s17], [sflag:$0x4], $0x80, s23, s16, $0xb8;
	[tilespmem:$0x1AD78] =	vst v63  }
0x11f: {  	_ = 	snop  }
0x120: {  	[spmem:s5] =	stream.indirect.scatter.add.f32 [tilespmem:s29], [sflag:$0x4], $0x1, s23, s16, $0xb8;
	[tilespmem:$0x1AD78] =	vst v63  }
0x121: {  	s24 =	simm.s32 $0x300  }
0x122: {  	[spmem:s4] =	stream.indirect.scatter.add.f32 [tilespmem:s19], [sflag:$0x4], $0x80, s24, s16, $0xb8;
	[tilespmem:$0x1AD78] =	vst v63  }
0x123: {  	_ = 	snop  }
0x124: {  	[spmem:s5] =	stream.indirect.scatter.add.f32 [tilespmem:s29], [sflag:$0x4], $0x1, s24, s16, $0xb8;
	[tilespmem:$0x1AD78] =	vst v63  }
0x125: {  	s25 =	simm.s32 $0x380  }
0x126: {  	[spmem:s4] =	stream.indirect.scatter.add.f32 [tilespmem:s20], [sflag:$0x4], $0x80, s25, s16, $0xb8;
	[tilespmem:$0x1AD78] =	vst v63  }
0x127: {  	_ = 	snop  }
0x128: {  	[spmem:s5] =	stream.indirect.scatter.add.f32 [tilespmem:s29], [sflag:$0x4], $0x1, s25, s16, $0xb8;
	[tilespmem:$0x1AD78] =	vst v63  }
0x129: {  	s26 =	simm.s32 $0x400  }
0x12a: {  	[spmem:s4] =	stream.indirect.scatter.add.f32 [tilespmem:s21], [sflag:$0x4], $0x80, s26, s16, $0xb8;
	[tilespmem:$0x1AD78] =	vst v63  }
0x12b: {  	_ = 	snop  }
0x12c: {  	[spmem:s5] =	stream.indirect.scatter.add.f32 [tilespmem:s29], [sflag:$0x4], $0x1, s26, s16, $0xb8;
	[tilespmem:$0x1AD78] =	vst v63  }
0x12d: {  	_ =	swait.ge [sflag:s10], $0x1400  }
0x12e: {  	[sflag:s10] =	ssyncset.done $0x0  }
0x12f: {  	[sflag:s10] =	ssyncadd.s32 $0xFFFFEC00  }
0x130: {  	_ =	swait.ge [sflag:s10], $0x28  }
0x131: {  	[sflag:s10] =	ssyncset.done $0x0  }
0x132: {  	[sflag:s10] =	ssyncadd.s32 $0xFFFFFFD8  }
0x133: {  	_ =	swait.ge [sflag:s10], $0x1400  }
0x134: {  	[sflag:s10] =	ssyncset.done $0x0  }
0x135: {  	[sflag:s10] =	ssyncadd.s32 $0xFFFFEC00  }
0x136: {  	_ =	swait.ge [sflag:s10], $0x28  }
0x137: {  	[sflag:s10] =	ssyncset.done $0x0  }
0x138: {  	[sflag:s10] =	ssyncadd.s32 $0xFFFFFFD8  }
0x139: {  	_ =	swait.ge [sflag:s10], $0x1400  }
0x13a: {  	[sflag:s10] =	ssyncset.done $0x0  }
0x13b: {  	[sflag:s10] =	ssyncadd.s32 $0xFFFFEC00  }
0x13c: {  	_ =	swait.ge [sflag:s10], $0x28  }
0x13d: {  	[sflag:s10] =	ssyncset.done $0x0  }
0x13e: {  	[sflag:s10] =	ssyncadd.s32 $0xFFFFFFD8  }
0x13f: {  	_ =	swait.ge [sflag:s10], $0x1400  }
0x140: {  	[sflag:s10] =	ssyncset.done $0x0  }
0x141: {  	[sflag:s10] =	ssyncadd.s32 $0xFFFFEC00  }
0x142: {  	_ =	swait.ge [sflag:s10], $0x28  }
0x143: {  	[sflag:s10] =	ssyncset.done $0x0  }
0x144: {  	[sflag:s10] =	ssyncadd.s32 $0xFFFFFFD8  }
0x145: {  	_ =	swait.ge [sflag:s10], $0x1400  }
0x146: {  	[sflag:s10] =	ssyncset.done $0x0  }
0x147: {  	[sflag:s10] =	ssyncadd.s32 $0xFFFFEC00  }
0x148: {  	s18 =	sadd.s32 $0x190, s18;
	p2 =	seq.s32 s22, $0x4B0;
	_ =	swait.ge [sflag:s10], $0x28  }
0x149: {  	s8 =	sshrl.u32 @!p2 s18, $0x3;
	[sflag:s10] =	ssyncset.done $0x0;
	s24 =	rddreg [dreg:$0x10]  }
0x14a: {  	s23 =	simm.s32 @!p2 $0x0;
	[sflag:s10] =	ssyncadd.s32 $0xFFFFFFD8;
	s24 =	sadd.s32 @!p2 s24, s8  }
0x14b: {  	[tilespmem:s23], [sflag:$0x1] =	stream.linear.gather @!p2 [hbm4b:s24+s23], $0xC8, $0x38;
	[tilespmem:$0x1AD78] =	vst v63  }
0x14c: {  	s24 =	rddreg [dreg:$0x11]  }
0x14d: {  	s25 =	rddreg [dreg:$0x9];
	s8 =	sadd.s32 @!p2 s24, s8;
	s24 =	simm.s32 @!p2 $0x200  }
0x14e: {  	[tilespmem:s24], [sflag:$0x1] =	stream.linear.gather @!p2 [hbm4b:s8+s23], $0x28, $0x38;
	[tilespmem:$0x1AD78] =	vst v63  }
0x14f: {  	s26 =	rddreg [dreg:$0x8];
	s8 =	sadd.s32 @!p2 s22, s25;
	s24 =	simm.s32 @!p2 $0x280  }
0x150: {  	[tilespmem:s24], [sflag:$0x1] =	stream.linear.gather @!p2 [hbm4b:s8+s23], $0x28, $0x38;
	[tilespmem:$0x1AD78] =	vst v63  }
0x151: {  	s25 =	rddreg [dreg:$0x7];
	s8 =	sadd.s32 @!p2 s22, s26;
	s24 =	simm.s32 @!p2 $0x300  }
0x152: {  	[tilespmem:s24], [sflag:$0x1] =	stream.linear.gather @!p2 [hbm4b:s8+s23], $0x28, $0x38;
	[tilespmem:$0x1AD78] =	vst v63  }
0x153: {  	s26 =	rddreg [dreg:$0x6];
	s8 =	sadd.s32 @!p2 s22, s25;
	s24 =	simm.s32 @!p2 $0x380  }
0x154: {  	[tilespmem:s24], [sflag:$0x1] =	stream.linear.gather @!p2 [hbm4b:s8+s23], $0x28, $0x38;
	[tilespmem:$0x1AD78] =	vst v63  }
0x155: {  	s8 =	sadd.s32 @!p2 s22, s26;
	s24 =	simm.s32 @!p2 $0x400  }
0x156: {  	[tilespmem:s24], [sflag:$0x1] =	stream.linear.gather @!p2 [hbm4b:s8+s23], $0x28, $0x38;
	[tilespmem:$0x1AD78] =	vst v63  }
0x157: {  	_ =	swait.ge [sflag:s30], $0xC8  }
0x158: {  	[sflag:s30] =	ssyncset.done $0x0  }
0x159: {  	[sflag:s30] =	ssyncadd.s32 $0xFFFFFF38  }
0x15a: {  	_ =	swait.ge [sflag:s30], $0x28  }
0x15b: {  	[sflag:s30] =	ssyncset.done $0x0  }
0x15c: {  	[sflag:s30] =	ssyncadd.s32 $0xFFFFFFD8  }
0x15d: {  	_ =	swait.ge [sflag:s30], $0x28  }
0x15e: {  	[sflag:s30] =	ssyncset.done $0x0  }
0x15f: {  	[sflag:s30] =	ssyncadd.s32 $0xFFFFFFD8  }
0x160: {  	_ =	swait.ge [sflag:s30], $0x28  }
0x161: {  	[sflag:s30] =	ssyncset.done $0x0  }
0x162: {  	[sflag:s30] =	ssyncadd.s32 $0xFFFFFFD8  }
0x163: {  	_ =	swait.ge [sflag:s30], $0x28  }
0x164: {  	[sflag:s30] =	ssyncset.done $0x0  }
0x165: {  	[sflag:s30] =	ssyncadd.s32 $0xFFFFFFD8  }
0x166: {  	_ =	swait.ge [sflag:s30], $0x28  }
0x167: {  	[sflag:s30] =	ssyncset.done $0x0  }
0x168: {  	[sflag:s30] =	ssyncadd.s32 $0xFFFFFFD8  }
0x169: {  	[tilespmem:s14], [sflag:$0x3] =	stream.indirect.gather [hbm4b:s28+s13], $0x80, s31, s13, $0xb8;
	[tilespmem:$0x1AD78] =	vst v63  }
0x16a: {  	_ =	swait.ge [sflag:s15], $0x6400  }
0x16b: {  	[sflag:s15] =	ssyncset.done $0x0  }
0x16c: {  	[sflag:s15] =	ssyncadd.s32 $0xFFFF9C00  }
0x16d: {  	[spmem:s4] =	stream.indirect.scatter.add.f32 [tilespmem:s14], [sflag:$0x4], $0x80, s0, s16, $0xb8;
	[tilespmem:$0x1AD78] =	vst v63  }
0x16e: {  	_ = 	snop  }
0x16f: {  	[spmem:s5] =	stream.indirect.scatter.add.f32 [tilespmem:s29], [sflag:$0x4], $0x1, s0, s16, $0xb8;
	[tilespmem:$0x1AD78] =	vst v63  }
0x170: {  	_ = 	snop  }
0x171: {  	[spmem:s4] =	stream.indirect.scatter.add.f32 [tilespmem:s17], [sflag:$0x4], $0x80, s3, s16, $0xb8;
	[tilespmem:$0x1AD78] =	vst v63  }
0x172: {  	_ = 	snop  }
0x173: {  	[spmem:s5] =	stream.indirect.scatter.add.f32 [tilespmem:s29], [sflag:$0x4], $0x1, s3, s16, $0xb8;
	[tilespmem:$0x1AD78] =	vst v63  }
0x174: {  	_ = 	snop  }
0x175: {  	[spmem:s4] =	stream.indirect.scatter.add.f32 [tilespmem:s19], [sflag:$0x4], $0x80, s2, s16, $0xb8;
	[tilespmem:$0x1AD78] =	vst v63  }
0x176: {  	_ = 	snop  }
0x177: {  	[spmem:s5] =	stream.indirect.scatter.add.f32 [tilespmem:s29], [sflag:$0x4], $0x1, s2, s16, $0xb8;
	[tilespmem:$0x1AD78] =	vst v63  }
0x178: {  	_ = 	snop  }
0x179: {  	[spmem:s4] =	stream.indirect.scatter.add.f32 [tilespmem:s20], [sflag:$0x4], $0x80, s9, s16, $0xb8;
	[tilespmem:$0x1AD78] =	vst v63  }
0x17a: {  	_ = 	snop  }
0x17b: {  	[spmem:s5] =	stream.indirect.scatter.add.f32 [tilespmem:s29], [sflag:$0x4], $0x1, s9, s16, $0xb8;
	[tilespmem:$0x1AD78] =	vst v63  }
0x17c: {  	_ = 	snop  }
0x17d: {  	[spmem:s4] =	stream.indirect.scatter.add.f32 [tilespmem:s21], [sflag:$0x4], $0x80, s11, s16, $0xb8;
	[tilespmem:$0x1AD78] =	vst v63  }
0x17e: {  	_ = 	snop  }
0x17f: {  	[spmem:s5] =	stream.indirect.scatter.add.f32 [tilespmem:s29], [sflag:$0x4], $0x1, s11, s16, $0xb8;
	[tilespmem:$0x1AD78] =	vst v63  }
0x180: {  	_ =	swait.ge [sflag:s10], $0x1400  }
0x181: {  	[sflag:s10] =	ssyncset.done $0x0  }
0x182: {  	[sflag:s10] =	ssyncadd.s32 $0xFFFFEC00  }
0x183: {  	_ =	swait.ge [sflag:s10], $0x28  }
0x184: {  	[sflag:s10] =	ssyncset.done $0x0  }
0x185: {  	[sflag:s10] =	ssyncadd.s32 $0xFFFFFFD8  }
0x186: {  	_ =	swait.ge [sflag:s10], $0x1400  }
0x187: {  	[sflag:s10] =	ssyncset.done $0x0  }
0x188: {  	[sflag:s10] =	ssyncadd.s32 $0xFFFFEC00  }
0x189: {  	_ =	swait.ge [sflag:s10], $0x28  }
0x18a: {  	[sflag:s10] =	ssyncset.done $0x0  }
0x18b: {  	[sflag:s10] =	ssyncadd.s32 $0xFFFFFFD8  }
0x18c: {  	_ =	swait.ge [sflag:s10], $0x1400  }
0x18d: {  	[sflag:s10] =	ssyncset.done $0x0  }
0x18e: {  	[sflag:s10] =	ssyncadd.s32 $0xFFFFEC00  }
0x18f: {  	_ =	swait.ge [sflag:s10], $0x28  }
0x190: {  	[sflag:s10] =	ssyncset.done $0x0  }
0x191: {  	[sflag:s10] =	ssyncadd.s32 $0xFFFFFFD8  }
0x192: {  	_ =	swait.ge [sflag:s10], $0x1400  }
0x193: {  	[sflag:s10] =	ssyncset.done $0x0  }
0x194: {  	[sflag:s10] =	ssyncadd.s32 $0xFFFFEC00  }
0x195: {  	_ =	swait.ge [sflag:s10], $0x28  }
0x196: {  	s7 =	smov.u32 s1;
	s1 =	sadd.s32 $0x32, s1;
	[sflag:s10] =	ssyncset.done $0x0  }
0x197: {  	p1 =	sne.s32 s1, $0x4E2;
	[sflag:s10] =	ssyncadd.s32 $0xFFFFFFD8  }
.Ltmp0:
0x198: {  	_ =	swait.ge [sflag:s10], $0x1400;
	(pc) =	sbr.rel @p1 .LBB2_2-.Ltmp0, $4  }
0x199: {  	[sflag:s10] =	ssyncset.done $0x0  }
0x19a: {  	[sflag:s10] =	ssyncadd.s32 $0xFFFFEC00  }
0x19b: {  	_ =	swait.ge [sflag:s10], $0x28  }
0x19c: {  	s22 =	smov.u32 s7;
	s8 =	rddreg [dreg:$0xb];
	[sflag:s10] =	ssyncset.done $0x0  }
0x19d: {  	s1 =	rddreg [dreg:$0xa];
	[sflag:s10] =	ssyncadd.s32 $0xFFFFFFD8;
	s7 =	sadd.s32 s22, s8  }
0x19e: {  	[tilespmem:s31], [sflag:$0x2] =	stream.linear.gather [hbm4b:s7+s6], $0xC8, $0x38;
	[tilespmem:$0x1AD78] =	vst v63  }
0x19f: {  	s24 =	rddreg [dreg:$0xf];
	s1 =	sadd.s32 s22, s1  }
0x1a0: {  	[tilespmem:s0], [sflag:$0x2] =	stream.linear.gather [hbm4b:s1+s6], $0x28, $0x38;
	[tilespmem:$0x1AD78] =	vst v63  }
0x1a1: {  	s25 =	rddreg [dreg:$0xe];
	s26 =	sadd.s32 s22, s24  }
0x1a2: {  	[tilespmem:s3], [sflag:$0x2] =	stream.linear.gather [hbm4b:s26+s6], $0x28, $0x38;
	[tilespmem:$0x1AD78] =	vst v63  }
0x1a3: {  	s28 =	rddreg [dreg:$0xd];
	s23 =	sadd.s32 s22, s25  }
0x1a4: {  	[tilespmem:s2], [sflag:$0x2] =	stream.linear.gather [hbm4b:s23+s6], $0x28, $0x38;
	[tilespmem:$0x1AD78] =	vst v63  }
0x1a5: {  	s24 =	rddreg [dreg:$0xc];
	s25 =	sadd.s32 s22, s28  }
0x1a6: {  	[tilespmem:s9], [sflag:$0x2] =	stream.linear.gather [hbm4b:s25+s6], $0x28, $0x38;
	[tilespmem:$0x1AD78] =	vst v63  }
0x1a7: {  	s26 =	sadd.s32 s22, s24  }
0x1a8: {  	[tilespmem:s11], [sflag:$0x2] =	stream.linear.gather [hbm4b:s26+s6], $0x28, $0x38;
	[tilespmem:$0x1AD78] =	vst v63  }
0x1a9: {  	_ =	swait.ge [sflag:s12], $0xC8  }
0x1aa: {  	[sflag:s12] =	ssyncset.done $0x0  }
0x1ab: {  	[sflag:s12] =	ssyncadd.s32 $0xFFFFFF38  }
0x1ac: {  	_ =	swait.ge [sflag:s12], $0x28  }
0x1ad: {  	[sflag:s12] =	ssyncset.done $0x0  }
0x1ae: {  	[sflag:s12] =	ssyncadd.s32 $0xFFFFFFD8  }
0x1af: {  	_ =	swait.ge [sflag:s12], $0x28  }
0x1b0: {  	[sflag:s12] =	ssyncset.done $0x0  }
0x1b1: {  	[sflag:s12] =	ssyncadd.s32 $0xFFFFFFD8  }
0x1b2: {  	_ =	swait.ge [sflag:s12], $0x28  }
0x1b3: {  	[sflag:s12] =	ssyncset.done $0x0  }
0x1b4: {  	[sflag:s12] =	ssyncadd.s32 $0xFFFFFFD8  }
0x1b5: {  	_ =	swait.ge [sflag:s12], $0x28  }
0x1b6: {  	[sflag:s12] =	ssyncset.done $0x0  }
0x1b7: {  	[sflag:s12] =	ssyncadd.s32 $0xFFFFFFD8  }
0x1b8: {  	_ =	swait.ge [sflag:s12], $0x28  }
0x1b9: {  	[sflag:s12] =	ssyncset.done $0x0  }
0x1ba: {  	[sflag:s12] =	ssyncadd.s32 $0xFFFFFFD8  }
0x1bb: {  	s23 =	rddreg [dreg:$0x0]  }
0x1bc: {  	[tilespmem:s14], [sflag:$0x3] =	stream.indirect.gather [hbm4b:s23+s13], $0x80, s6, s13, $0xb8;
	[tilespmem:$0x1AD78] =	vst v63  }
0x1bd: {  	_ =	swait.ge [sflag:s15], $0x6400  }
0x1be: {  	[sflag:s15] =	ssyncset.done $0x0  }
0x1bf: {  	s28 =	simm.s32 $0x200;
	[sflag:s15] =	ssyncadd.s32 $0xFFFF9C00  }
0x1c0: {  	[spmem:s4] =	stream.indirect.scatter.add.f32 [tilespmem:s14], [sflag:$0x4], $0x80, s28, s16, $0xb8;
	[tilespmem:$0x1AD78] =	vst v63  }
0x1c1: {  	_ = 	snop  }
0x1c2: {  	[spmem:s5] =	stream.indirect.scatter.add.f32 [tilespmem:s29], [sflag:$0x4], $0x1, s28, s16, $0xb8;
	[tilespmem:$0x1AD78] =	vst v63  }
0x1c3: {  	s7 =	simm.s32 $0x280  }
0x1c4: {  	[spmem:s4] =	stream.indirect.scatter.add.f32 [tilespmem:s17], [sflag:$0x4], $0x80, s7, s16, $0xb8;
	[tilespmem:$0x1AD78] =	vst v63  }
0x1c5: {  	_ = 	snop  }
0x1c6: {  	[spmem:s5] =	stream.indirect.scatter.add.f32 [tilespmem:s29], [sflag:$0x4], $0x1, s7, s16, $0xb8;
	[tilespmem:$0x1AD78] =	vst v63  }
0x1c7: {  	s8 =	simm.s32 $0x300  }
0x1c8: {  	[spmem:s4] =	stream.indirect.scatter.add.f32 [tilespmem:s19], [sflag:$0x4], $0x80, s8, s16, $0xb8;
	[tilespmem:$0x1AD78] =	vst v63  }
0x1c9: {  	_ = 	snop  }
0x1ca: {  	[spmem:s5] =	stream.indirect.scatter.add.f32 [tilespmem:s29], [sflag:$0x4], $0x1, s8, s16, $0xb8;
	[tilespmem:$0x1AD78] =	vst v63  }
0x1cb: {  	s24 =	simm.s32 $0x380  }
0x1cc: {  	[spmem:s4] =	stream.indirect.scatter.add.f32 [tilespmem:s20], [sflag:$0x4], $0x80, s24, s16, $0xb8;
	[tilespmem:$0x1AD78] =	vst v63  }
0x1cd: {  	_ = 	snop  }
0x1ce: {  	[spmem:s5] =	stream.indirect.scatter.add.f32 [tilespmem:s29], [sflag:$0x4], $0x1, s24, s16, $0xb8;
	[tilespmem:$0x1AD78] =	vst v63  }
0x1cf: {  	s25 =	simm.s32 $0x400  }
0x1d0: {  	[spmem:s4] =	stream.indirect.scatter.add.f32 [tilespmem:s21], [sflag:$0x4], $0x80, s25, s16, $0xb8;
	[tilespmem:$0x1AD78] =	vst v63  }
0x1d1: {  	_ = 	snop  }
0x1d2: {  	[spmem:s5] =	stream.indirect.scatter.add.f32 [tilespmem:s29], [sflag:$0x4], $0x1, s25, s16, $0xb8;
	[tilespmem:$0x1AD78] =	vst v63  }
0x1d3: {  	_ =	swait.ge [sflag:s10], $0x1400  }
0x1d4: {  	[sflag:s10] =	ssyncset.done $0x0  }
0x1d5: {  	[sflag:s10] =	ssyncadd.s32 $0xFFFFEC00  }
0x1d6: {  	_ =	swait.ge [sflag:s10], $0x28  }
0x1d7: {  	[sflag:s10] =	ssyncset.done $0x0  }
0x1d8: {  	[sflag:s10] =	ssyncadd.s32 $0xFFFFFFD8  }
0x1d9: {  	_ =	swait.ge [sflag:s10], $0x1400  }
0x1da: {  	[sflag:s10] =	ssyncset.done $0x0  }
0x1db: {  	[sflag:s10] =	ssyncadd.s32 $0xFFFFEC00  }
0x1dc: {  	_ =	swait.ge [sflag:s10], $0x28  }
0x1dd: {  	[sflag:s10] =	ssyncset.done $0x0  }
0x1de: {  	[sflag:s10] =	ssyncadd.s32 $0xFFFFFFD8  }
0x1df: {  	_ =	swait.ge [sflag:s10], $0x1400  }
0x1e0: {  	[sflag:s10] =	ssyncset.done $0x0  }
0x1e1: {  	[sflag:s10] =	ssyncadd.s32 $0xFFFFEC00  }
0x1e2: {  	_ =	swait.ge [sflag:s10], $0x28  }
0x1e3: {  	[sflag:s10] =	ssyncset.done $0x0  }
0x1e4: {  	[sflag:s10] =	ssyncadd.s32 $0xFFFFFFD8  }
0x1e5: {  	_ =	swait.ge [sflag:s10], $0x1400  }
0x1e6: {  	[sflag:s10] =	ssyncset.done $0x0  }
0x1e7: {  	[sflag:s10] =	ssyncadd.s32 $0xFFFFEC00  }
0x1e8: {  	_ =	swait.ge [sflag:s10], $0x28  }
0x1e9: {  	[sflag:s10] =	ssyncset.done $0x0  }
0x1ea: {  	[sflag:s10] =	ssyncadd.s32 $0xFFFFFFD8  }
0x1eb: {  	_ =	swait.ge [sflag:s10], $0x1400  }
0x1ec: {  	[sflag:s10] =	ssyncset.done $0x0  }
0x1ed: {  	p1 =	seq.s32 s22, $0x4B0;
	s1 =	sadd.s32 $0x190, s18;
	[sflag:s10] =	ssyncadd.s32 $0xFFFFEC00  }
0x1ee: {  	s1 =	sshrl.u32 @!p1 s1, $0x3;
	_ =	swait.ge [sflag:s10], $0x28  }
0x1ef: {  	s7 =	simm.s32 @!p1 $0x0;
	[sflag:s10] =	ssyncset.done $0x0;
	s8 =	rddreg [dreg:$0x10]  }
0x1f0: {  	s18 =	rddreg [dreg:$0x11];
	[sflag:s10] =	ssyncadd.s32 $0xFFFFFFD8;
	s8 =	sadd.s32 @!p1 s8, s1  }
0x1f1: {  	[tilespmem:s7], [sflag:$0x1] =	stream.linear.gather @!p1 [hbm4b:s8+s7], $0xC8, $0x38;
	[tilespmem:$0x1AD78] =	vst v63  }
0x1f2: {  	s1 =	sadd.s32 @!p1 s18, s1;
	s18 =	simm.s32 @!p1 $0x200;
	s8 =	rddreg [dreg:$0x9]  }
0x1f3: {  	[tilespmem:s18], [sflag:$0x1] =	stream.linear.gather @!p1 [hbm4b:s1+s7], $0x28, $0x38;
	[tilespmem:$0x1AD78] =	vst v63  }
0x1f4: {  	s8 =	sadd.s32 @!p1 s22, s8;
	s1 =	rddreg [dreg:$0x8];
	s18 =	simm.s32 @!p1 $0x280  }
0x1f5: {  	[tilespmem:s18], [sflag:$0x1] =	stream.linear.gather @!p1 [hbm4b:s8+s7], $0x28, $0x38;
	[tilespmem:$0x1AD78] =	vst v63  }
0x1f6: {  	s1 =	sadd.s32 @!p1 s22, s1;
	s8 =	rddreg [dreg:$0x7];
	s18 =	simm.s32 @!p1 $0x300  }
0x1f7: {  	[tilespmem:s18], [sflag:$0x1] =	stream.linear.gather @!p1 [hbm4b:s1+s7], $0x28, $0x38;
	[tilespmem:$0x1AD78] =	vst v63  }
0x1f8: {  	s8 =	sadd.s32 @!p1 s22, s8;
	s1 =	rddreg [dreg:$0x6];
	s18 =	simm.s32 @!p1 $0x380  }
0x1f9: {  	[tilespmem:s18], [sflag:$0x1] =	stream.linear.gather @!p1 [hbm4b:s8+s7], $0x28, $0x38;
	[tilespmem:$0x1AD78] =	vst v63  }
0x1fa: {  	s1 =	sadd.s32 @!p1 s22, s1;
	s8 =	simm.s32 @!p1 $0x400  }
0x1fb: {  	[tilespmem:s8], [sflag:$0x1] =	stream.linear.gather @!p1 [hbm4b:s1+s7], $0x28, $0x38;
	[tilespmem:$0x1AD78] =	vst v63  }
0x1fc: {  	_ =	swait.ge [sflag:s30], $0xC8  }
0x1fd: {  	[sflag:s30] =	ssyncset.done $0x0  }
0x1fe: {  	[sflag:s30] =	ssyncadd.s32 $0xFFFFFF38  }
0x1ff: {  	_ =	swait.ge [sflag:s30], $0x28  }
0x200: {  	[sflag:s30] =	ssyncset.done $0x0  }
0x201: {  	[sflag:s30] =	ssyncadd.s32 $0xFFFFFFD8  }
0x202: {  	_ =	swait.ge [sflag:s30], $0x28  }
0x203: {  	[sflag:s30] =	ssyncset.done $0x0  }
0x204: {  	[sflag:s30] =	ssyncadd.s32 $0xFFFFFFD8  }
0x205: {  	_ =	swait.ge [sflag:s30], $0x28  }
0x206: {  	[sflag:s30] =	ssyncset.done $0x0  }
0x207: {  	[sflag:s30] =	ssyncadd.s32 $0xFFFFFFD8  }
0x208: {  	_ =	swait.ge [sflag:s30], $0x28  }
0x209: {  	[sflag:s30] =	ssyncset.done $0x0  }
0x20a: {  	[sflag:s30] =	ssyncadd.s32 $0xFFFFFFD8  }
0x20b: {  	_ =	swait.ge [sflag:s30], $0x28  }
0x20c: {  	[sflag:s30] =	ssyncset.done $0x0  }
0x20d: {  	[sflag:s30] =	ssyncadd.s32 $0xFFFFFFD8  }
0x20e: {  	[tilespmem:s14], [sflag:$0x3] =	stream.indirect.gather [hbm4b:s23+s13], $0x80, s31, s13, $0xb8;
	[tilespmem:$0x1AD78] =	vst v63  }
0x20f: {  	_ =	swait.ge [sflag:s15], $0x6400  }
0x210: {  	[sflag:s15] =	ssyncset.done $0x0  }
0x211: {  	[sflag:s15] =	ssyncadd.s32 $0xFFFF9C00  }
0x212: {  	[spmem:s4] =	stream.indirect.scatter.add.f32 [tilespmem:s14], [sflag:$0x4], $0x80, s0, s16, $0xb8;
	[tilespmem:$0x1AD78] =	vst v63  }
0x213: {  	_ = 	snop  }
0x214: {  	[spmem:s5] =	stream.indirect.scatter.add.f32 [tilespmem:s29], [sflag:$0x4], $0x1, s0, s16, $0xb8;
	[tilespmem:$0x1AD78] =	vst v63  }
0x215: {  	_ = 	snop  }
0x216: {  	[spmem:s4] =	stream.indirect.scatter.add.f32 [tilespmem:s17], [sflag:$0x4], $0x80, s3, s16, $0xb8;
	[tilespmem:$0x1AD78] =	vst v63  }
0x217: {  	_ = 	snop  }
0x218: {  	[spmem:s5] =	stream.indirect.scatter.add.f32 [tilespmem:s29], [sflag:$0x4], $0x1, s3, s16, $0xb8;
	[tilespmem:$0x1AD78] =	vst v63  }
0x219: {  	_ = 	snop  }
0x21a: {  	[spmem:s4] =	stream.indirect.scatter.add.f32 [tilespmem:s19], [sflag:$0x4], $0x80, s2, s16, $0xb8;
	[tilespmem:$0x1AD78] =	vst v63  }
0x21b: {  	_ = 	snop  }
0x21c: {  	[spmem:s5] =	stream.indirect.scatter.add.f32 [tilespmem:s29], [sflag:$0x4], $0x1, s2, s16, $0xb8;
	[tilespmem:$0x1AD78] =	vst v63  }
0x21d: {  	_ = 	snop  }
0x21e: {  	[spmem:s4] =	stream.indirect.scatter.add.f32 [tilespmem:s20], [sflag:$0x4], $0x80, s9, s16, $0xb8;
	[tilespmem:$0x1AD78] =	vst v63  }
0x21f: {  	_ = 	snop  }
0x220: {  	[spmem:s5] =	stream.indirect.scatter.add.f32 [tilespmem:s29], [sflag:$0x4], $0x1, s9, s16, $0xb8;
	[tilespmem:$0x1AD78] =	vst v63  }
0x221: {  	_ = 	snop  }
0x222: {  	[spmem:s4] =	stream.indirect.scatter.add.f32 [tilespmem:s21], [sflag:$0x4], $0x80, s11, s16, $0xb8;
	[tilespmem:$0x1AD78] =	vst v63  }
0x223: {  	_ = 	snop  }
0x224: {  	[spmem:s5] =	stream.indirect.scatter.add.f32 [tilespmem:s29], [sflag:$0x4], $0x1, s11, s16, $0xb8;
	[tilespmem:$0x1AD78] =	vst v63  }
0x225: {  	_ =	swait.ge [sflag:s10], $0x1400  }
0x226: {  	[sflag:s10] =	ssyncset.done $0x0  }
0x227: {  	[sflag:s10] =	ssyncadd.s32 $0xFFFFEC00  }
0x228: {  	_ =	swait.ge [sflag:s10], $0x28  }
0x229: {  	[sflag:s10] =	ssyncset.done $0x0  }
0x22a: {  	[sflag:s10] =	ssyncadd.s32 $0xFFFFFFD8  }
0x22b: {  	_ =	swait.ge [sflag:s10], $0x1400  }
0x22c: {  	[sflag:s10] =	ssyncset.done $0x0  }
0x22d: {  	[sflag:s10] =	ssyncadd.s32 $0xFFFFEC00  }
0x22e: {  	_ =	swait.ge [sflag:s10], $0x28  }
0x22f: {  	[sflag:s10] =	ssyncset.done $0x0  }
0x230: {  	[sflag:s10] =	ssyncadd.s32 $0xFFFFFFD8  }
0x231: {  	_ =	swait.ge [sflag:s10], $0x1400  }
0x232: {  	[sflag:s10] =	ssyncset.done $0x0  }
0x233: {  	[sflag:s10] =	ssyncadd.s32 $0xFFFFEC00  }
0x234: {  	_ =	swait.ge [sflag:s10], $0x28  }
0x235: {  	[sflag:s10] =	ssyncset.done $0x0  }
0x236: {  	[sflag:s10] =	ssyncadd.s32 $0xFFFFFFD8  }
0x237: {  	_ =	swait.ge [sflag:s10], $0x1400  }
0x238: {  	[sflag:s10] =	ssyncset.done $0x0  }
0x239: {  	[sflag:s10] =	ssyncadd.s32 $0xFFFFEC00  }
0x23a: {  	_ =	swait.ge [sflag:s10], $0x28  }
0x23b: {  	[sflag:s10] =	ssyncset.done $0x0  }
0x23c: {  	[sflag:s10] =	ssyncadd.s32 $0xFFFFFFD8  }
0x23d: {  	_ =	swait.ge [sflag:s10], $0x1400  }
0x23e: {  	[sflag:s10] =	ssyncset.done $0x0  }
0x23f: {  	[sflag:s10] =	ssyncadd.s32 $0xFFFFEC00  }
0x240: {  	_ =	swait.ge [sflag:s10], $0x28  }
0x241: {  	[sflag:s10] =	ssyncset.done $0x0  }
0x242: {  	[sflag:s10] =	ssyncadd.s32 $0xFFFFFFD8  }
0x243: {  	[bflag:$0x0] =	sbarrier.arrive $0xFFFF  }
0x244: {  	s7 =	sld [smem:$0x7FC]  }
0x245: {  	s8 =	sld [smem:$0x7FD];
	_ =	sdelay $0x1  }
0x246: {  	s1 =	rddreg [dreg:$0x1c]  }
0x247: {  	[hbm:s1], [sflag:s7] =	dma.local @!p0 [spmem:s8], $0x3E80  }
0x248: {  	s1 =	simm.s32 @!p0 $0x5  }
0x249: {  	_ =	swait.ge @!p0 [sflag:s1], $0x3E80  }
0x24a: {  	[sflag:s1] =	ssyncset.done @!p0 $0x0  }
0x24b: {  	s7 =	simm.s32 @!p0 $0x1A700;
	s22 =	rddreg [dreg:$0x1b];
	[sflag:s1] =	ssyncadd.s32 @!p0 $0xFFFFC180  }
0x24c: {  	[tilespmem:s7], [sflag:$0x5] =	stream.linear.gather @!p0 [spmem:s22], $0x3E8, $0x38;
	[tilespmem:$0x1AD78] =	vst v63  }
0x24d: {  	_ =	swait.ge @!p0 [sflag:s1], $0x3E8  }
0x24e: {  	[sflag:s1] =	ssyncset.done @!p0 $0x0  }
0x24f: {  	s8 =	simm.s32 @!p0 $0x0;
	s18 =	rddreg [dreg:$0x1d];
	[sflag:s1] =	ssyncadd.s32 @!p0 $0xFFFFFC18  }
0x250: {  	[hbm4b:s18+s8] =	stream.linear.scatter @!p0 [tilespmem:s7], [sflag:$0x5], $0x3E8, $0x38;
	[tilespmem:$0x1AD78] =	vst v63  }
0x251: {  	_ =	swait.ge @!p0 [sflag:s1], $0x3E8  }
0x252: {  	s26 =	sld [smem:$0x7FB];
	_ =	sdelay $0x2  }
0x253: {  	s28 =	rddreg [dreg:$0x1e];
	s8 =	sadd.s32 $0x1, s26  }
0x254: {  	p1 =	sne.s32 s8, s28  }
.Ltmp1:
0x255: {  	_ = 	snop;
	(pc) =	sbr.rel @p1 .LBB2_1-.Ltmp1, $3  }
0x256: {  	_ =	sdelay $0x1  }
0x257: {  	[sflag:s1] =	ssyncset.done @!p0 $0x0  }
0x258: {  	[sflag:s1] =	ssyncadd.s32 @!p0 $0xFFFFFC18  }
0x259: {  	_ =	sfence.sel $0x180000  }
0x25a: {  	[bflag:$0x0] =	sbarrier.arrive $0xFFFF  }
0x25b: {  	_ =	strace $0x90000047  }
0x25c: {  	s0 =	stileid.u32;
	[bflag:$0x2] =	sbarrier.arrive $0xFFFF  }
0x25d: {  	p0 =	sne.s32 s0, $0x0;
	s0 =	rddreg [dreg:$0x5]  }
0x25e: {  	s0 =	sadd.s32 @!p0 $0x100000, s0  }
0x25f: {  	[sflag:s0] =	ssyncadd.tile.s32 @!p0 $0x1;
	_ =	shalt  }
.Lfunc_end2:
_tile_overlayer_lowered:
.L_overlay_start_2:
0x260: {  	(tag) =	ssettag $0x2  }
0x261: {  	s0 =	rddreg [dreg:$0x0];
	s2 =	stileid.u32  }
0x262: {  	s1 =	rddreg [dreg:$0x1];
	p0 =	sne.s32 s2, $0x0  }
0x263: {  	s3 =	rddreg [dreg:$0x2];
	[bflag:$0x3] =	sbarrier.arrive $0xFFFF;
	s2 =	simm.s32 @!p0 $0x1C05  }
0x264: {  	[timem:s3], [sflag:s2] =	dma.local @!p0 [hbm:s0], s1  }
0x265: {  	s0 =	simm.s32 @!p0 $0x5  }
0x266: {  	_ =	swait.ge @!p0 [sflag:s0], s1  }
0x267: {  	s1 =	ssub.s32 @!p0 $0x0, s1;
	[sflag:s0] =	ssyncset.done @!p0 $0x0  }
0x268: {  	[sflag:s0] =	ssyncadd.s32 @!p0 s1  }
0x269: {  	[bflag:$0x3] =	sbarrier.arrive $0xFFFF  }
0x26a: {  	_ =	shalt  }

// kernel: kernel.9.cloned.1.call-start
scs
__scs_entry_jumppad:
0x0: {  	(pc) =	sbr.rel $0x88, $3  }
0x1: {  	(tag) =	ssettag $0x0;
	lr =	simm.s32 $0x1  }
0x2: {  	[smem:$0x3F90] =	sst lr;
	_ =	strace $0xD0000000  }
0x3: {  	_ = 	snop  }
0x4: {  	_ = 	snop  }
0x5: {  	_ = 	snop  }
0x6: {  	_ = 	snop  }
0x7: {  	_ = 	snop  }
__scs_overlays_trampoline_lowered:
0x8: {  	[smem:$0x3F9F] =	sst s0  }
0x9: {  	[smem:$0x3FA0] =	sst s1  }
0xa: {  	[smem:$0x3FA1] =	sst s2  }
0xb: {  	[smem:$0x3FA2] =	sst s3  }
0xc: {  	[smem:$0x3FA3] =	sst s4  }
0xd: {  	[smem:$0x3FA4] =	sst s5  }
0xe: {  	[smem:$0x3FA5] =	sst s6  }
0xf: {  	[smem:$0x3FA6] =	sst s7  }
0x10: {  	[smem:$0x3FA7] =	sst s8  }
0x11: {  	[smem:$0x3FA8] =	sst s9;
	s0 =	simm.s32 @!p0 $0x0  }
0x12: {  	s1 =	sld [smem:$0x3F8E];
	s0 =	simm.s32 @p0 $0x1  }
0x13: {  	[smem:$0x3FA9] =	sst s0;
	s0 =	simm.s32 @!p1 $0x0  }
0x14: {  	s2 =	sld [smem:$0x3F8D];
	s0 =	simm.s32 @p1 $0x1  }
0x15: {  	[smem:$0x3FAA] =	sst s0;
	s0 =	simm.s32 @!p2 $0x0  }
0x16: {  	s3 =	sld [smem:$0x3FDB];
	s0 =	simm.s32 @p2 $0x1  }
0x17: {  	s4 =	simm.s32 $0x1BF5;
	[smem:$0x3FAC] =	sst s0  }
0x18: {  	s0 =	sld [smem:$0x3F8F];
	_ =	swait.ge [sflag:s4], $0x0  }
0x19: {  	s7 =	sld [smem:$0x3F90]  }
0x1a: {  	s8 =	sadd.s32 $0xFFFFE003, lr  }
0x1b: {  	s9 =	sadd.s32 $0xFFFFFEF7, lr;
	s5 =	simm.s32 $0xFFFFFFFF;
	p2 =	slt.u32 s8, $0xFFFFF086  }
0x1c: {  	p1 =	slt.u32 s9, $0xF7A;
	s5 =	simm.s32 @!p2 $0x0  }
0x1d: {  	s5 =	simm.s32 @p1 $0x1;
	p0 =	seq.s32 s7, s2  }
0x1e: {  	s7 =	smul.u32 @!p0 $0xF7A, s2;
	p2 =	seq.s32 @!p0 s5, $0x0  }
0x1f: {  	s9 =	smul.u32 $0xF7A, s1;
	s8 =	simm.s32 @!p0 $0x1BF5;
	p2 =	por !p2, p0  }
0x20: {  	[sflag:s8] =	ssyncset.s32 @!p0 $0xFFFFF086;
	s6 =	sadd.s32 @!p0 s3, s7;
	s7 =	simm.s32 @!p0 $0x108  }
0x21: {  	s3 =	sadd.s32 s3, s9;
	s6 =	sadd.s32 @!p0 $0x88, s6;
	s7 =	simm.s32 @p2 $0x1082  }
0x22: {  	[simem:s7], [sflag:s8] =	dma.local @!p0 [hbm:s6], $0xF7A  }
0x23: {  	s9 =	sor.u32 $0xD0000000, s2;
	s6 =	simm.s32 $0x108;
	_ =	swait.ge @!p0 [sflag:s8], $0x0  }
0x24: {  	s3 =	sadd.s32 $0x88, s3;
	s6 =	simm.s32 @!p1 $0x1082;
	[sflag:s4] =	ssyncset.s32 $0xFFFFF086  }
0x25: {  	[simem:s6], [sflag:s4] =	dma.local [hbm:s3], $0xF7A  }
0x26: {  	[smem:$0x3F90] =	sst s1;
	(tag) =	ssettag s2;
	_ =	strace s9  }
0x27: {  	s1 =	sld [smem:$0x3FA0]  }
0x28: {  	s2 =	sld [smem:$0x3FA1]  }
0x29: {  	s4 =	sld [smem:$0x3FA3]  }
0x2a: {  	p0 =	seq.s32 s5, $0x0;
	s5 =	sld [smem:$0x3FA4]  }
0x2b: {  	s6 =	sld [smem:$0x3FA5]  }
0x2c: {  	s7 =	sld [smem:$0x3FA6]  }
0x2d: {  	s3 =	simm.s32 $0x108;
	s8 =	sld [smem:$0x3FA7]  }
0x2e: {  	s3 =	simm.s32 @!p0 $0x1082;
	s9 =	sld [smem:$0x3FA8]  }
0x2f: {  	lr =	sadd.s32 s0, s3;
	s0 =	sld [smem:$0x3F9F]  }
0x30: {  	s3 =	sld [smem:$0x3FA2]  }
0x31: {  	[smem:$0x3FAB] =	sst s10  }
0x32: {  	s10 =	sld [smem:$0x3FA9];
	_ =	sdelay $0x3  }
0x33: {  	p0 =	seq.s32 s10, $0x1;
	s10 =	sld [smem:$0x3FAB];
	_ =	sdelay $0x3  }
0x34: {  	[smem:$0x3FAB] =	sst s10  }
0x35: {  	s10 =	sld [smem:$0x3FAA];
	_ =	sdelay $0x3  }
0x36: {  	p1 =	seq.s32 s10, $0x1;
	s10 =	sld [smem:$0x3FAB];
	_ =	sdelay $0x3  }
0x37: {  	[smem:$0x3FAB] =	sst s10  }
0x38: {  	s10 =	sld [smem:$0x3FAC]  }
0x39: {  	_ = 	snop;
	(pc) =	sbr.ind lr, $3  }
0x3a: {  	_ = 	snop  }
0x3b: {  	_ = 	snop  }
0x3c: {  	p2 =	seq.s32 s10, $0x1;
	s10 =	sld [smem:$0x3FAB]  }
0x3d: {  	_ =	shalt  }
0x3e: {  	_ =	shalt  }
0x3f: {  	_ =	shalt  }
0x40: {  	_ =	shalt  }
0x41: {  	_ =	shalt  }
0x42: {  	_ =	shalt  }
0x43: {  	_ =	shalt  }
0x44: {  	_ =	shalt  }
0x45: {  	_ =	shalt  }
0x46: {  	_ =	shalt  }
0x47: {  	_ =	shalt  }
0x48: {  	_ =	shalt  }
0x49: {  	_ =	shalt  }
0x4a: {  	_ =	shalt  }
0x4b: {  	_ =	shalt  }
0x4c: {  	_ =	shalt  }
0x4d: {  	_ =	shalt  }
0x4e: {  	_ =	shalt  }
0x4f: {  	_ =	shalt  }
0x50: {  	_ =	shalt  }
0x51: {  	_ =	shalt  }
0x52: {  	_ =	shalt  }
0x53: {  	_ =	shalt  }
0x54: {  	_ =	shalt  }
0x55: {  	_ =	shalt  }
0x56: {  	_ =	shalt  }
0x57: {  	_ =	shalt  }
0x58: {  	_ =	shalt  }
0x59: {  	_ =	shalt  }
0x5a: {  	_ =	shalt  }
0x5b: {  	_ =	shalt  }
0x5c: {  	_ =	shalt  }
0x5d: {  	_ =	shalt  }
0x5e: {  	_ =	shalt  }
0x5f: {  	_ =	shalt  }
0x60: {  	_ =	shalt  }
0x61: {  	_ =	shalt  }
0x62: {  	_ =	shalt  }
0x63: {  	_ =	shalt  }
0x64: {  	_ =	shalt  }
0x65: {  	_ =	shalt  }
0x66: {  	_ =	shalt  }
0x67: {  	_ =	shalt  }
0x68: {  	_ =	shalt  }
0x69: {  	_ =	shalt  }
0x6a: {  	_ =	shalt  }
0x6b: {  	_ =	shalt  }
0x6c: {  	_ =	shalt  }
0x6d: {  	_ =	shalt  }
0x6e: {  	_ =	shalt  }
0x6f: {  	_ =	shalt  }
0x70: {  	_ =	shalt  }
0x71: {  	_ =	shalt  }
0x72: {  	_ =	shalt  }
0x73: {  	_ =	shalt  }
0x74: {  	_ =	shalt  }
0x75: {  	_ =	shalt  }
0x76: {  	_ =	shalt  }
0x77: {  	_ =	shalt  }
0x78: {  	_ =	shalt  }
0x79: {  	_ =	shalt  }
0x7a: {  	_ =	shalt  }
0x7b: {  	_ =	shalt  }
0x7c: {  	_ =	shalt  }
0x7d: {  	_ =	shalt  }
0x7e: {  	_ =	shalt  }
0x7f: {  	_ =	shalt  }
0x80: {  	_ =	shalt  }
0x81: {  	_ =	shalt  }
0x82: {  	_ =	shalt  }
0x83: {  	_ =	shalt  }
0x84: {  	_ =	shalt  }
0x85: {  	_ =	shalt  }
0x86: {  	_ =	shalt  }
0x87: {  	_ =	shalt  }
.Lfunc_end0:
.L_simem_size_0:
called_computation.1_lowered:
.L_overlay_start_0:
0x88: {  	s2 =	sld [smem:$0x3FD9]  }
0x89: {  	s3 =	sld [smem:$0x3FFE];
	_ =	sdelay $0x1  }
0x8a: {  	s1 =	srdreg.scid  }
0x8b: {  	s0 =	sand.u32 $0x1, s1  }
0x8c: {  	s16 =	sshll.u32 s0, $0xA;
	s2 =	sadd.s32 s3, s2  }
0x8d: {  	s2 =	sadd.s32 s2, s16  }
0x8e: {  	[smem:$0x3FB7] =	sst s2  }
0x8f: {  	_ = 	snop  }
0x90: {  	(tm) =	ssettm $0x1  }
0x91: {  	s17 =	sld [smem:$0x3FFB];
	_ =	sdelay $0x3  }
0x92: {  	_ =	strace s17  }
0x93: {  	s2 =	sld [smem:$0x3FFC];
	_ =	sdelay $0x3  }
0x94: {  	_ =	strace s2  }
0x95: {  	s2 =	sld [smem:$0x3FFD];
	_ =	sdelay $0x3  }
0x96: {  	_ =	strace s2  }
0x97: {  	_ =	strace $0x8FFFFFFF  }
0x98: {  	s18 =	sld [smem:$0x3FDB];
	_ =	sdelay $0x1  }
0x99: {  	s19 =	simm.s32 $_scs_section_size  }
0x9a: {  	s4 =	simm.s32 $_size__tile_overlayer_lowered;
	s5 =	simm.s32 $_tile_overlayer_lowered  }
0x9b: {  	s22 =	simm.s32 $0x1BFF;
	s21 =	sshll.u32 s5, $0x1;
	s2 =	sadd.s32 s19, s18  }
0x9c: {  	s6 =	simm.s32 $0x0;
	s20 =	sshll.u32 s4, $0x1;
	s4 =	sadd.s32 s21, s2  }
0x9d: {  	[timem:s6], [sflag:s22] =	dma.local [hbm:s4], s20  }
0x9e: {  	_ =	swait.ge [sflag:s22], s20  }
0x9f: {  	s3 =	ssub.s32 $0x0, s20;
	[sflag:s22] =	ssyncset.done $0x0  }
0xa0: {  	[sflag:s22] =	ssyncadd.s32 s3;
	_ =	sdelay $0x1  }
0xa1: {  	s23 =	simm.s32 $0x1B8B  }
0xa2: {  	_ =	swait.ge [sflag:s23], $0x1  }
0xa3: {  	[sflag:s23] =	ssyncset.done $0x0  }
0xa4: {  	s25 =	simm.s32 $0x1B8E;
	s24 =	sld [smem:$0x3FFE];
	[sflag:s23] =	ssyncadd.s32 $0xFFFFFFFF  }
0xa5: {  	s26 =	simm.s32 $execute0_lowered;
	[smem:$0x3FD2] =	sst s25  }
0xa6: {  	s4 =	sshll.u32 s26, $0x1;
	_ =	strace $0x80000049;
	[dreg:$0x1] =	wrdreg $0xFFFFFFFF  }
0xa7: {  	s28 =	simm.s32 $_size_execute0_lowered;
	s2 =	sadd.s32 s2, s4;
	[dreg:$0x0] =	wrdreg $0x0  }
0xa8: {  	s4 =	sshll.u32 s28, $0x1;
	[dreg:$0x2] =	wrdreg s2  }
0xa9: {  	[dreg:$0x3] =	wrdreg s4  }
0xaa: {  	[dreg:$0x4] =	wrdreg $0xC0  }
0xab: {  	_ =	task [dreg:s6], $0x5FFFF  }
0xac: {  	[dreg:$0x1] =	wrdreg $0xFFFFFFFF  }
0xad: {  	[dreg:$0x0] =	wrdreg $0x60  }
0xae: {  	[dreg:$0x2] =	wrdreg s24  }
0xaf: {  	[dreg:$0x3] =	wrdreg $0x6E000  }
0xb0: {  	[dreg:$0x4] =	wrdreg $0x9  }
0xb1: {  	_ =	task.clear_ibuf [dreg:s6], $0x5FFFF;
	_ =	strace $0x90000049  }
0xb2: {  	s29 =	simm.s32 $0x9;
	_ =	strace $0x8000004B  }
0xb3: {  	_ =	swait.ge [sflag:s29], $0x1  }
0xb4: {  	[sflag:s29] =	ssyncadd.s32 $0xFFFFFFFF  }
0xb5: {  	_ =	strace $0x9000004B  }
0xb6: {  	_ =	sfence  }
0xb7: {  	s30 =	sld [smem:$0x0];
	_ =	sdelay $0x2  }
0xb8: {  	s31 =	sshll.u32 s1, $0xD;
	s1 =	sshrl.u32 s1, $0x2  }
0xb9: {  	s3 =	sand.u32 $0x4000, s31;
	s1 =	sadd.s32 s1, s30  }
0xba: {  	s0 =	sor.u32 s3, s0;
	s1 =	sshll.u32 s1, $0x11  }
0xbb: {  	s0 =	sor.u32 s1, s0  }
0xbc: {  	s0 =	sadd.s32 $0x8F2B, s0  }
0xbd: {  	[sflag:s0] =	ssyncadd.remote.s32 $0x1  }
0xbe: {  	_ =	sfence.sel $0xFFFF  }
0xbf: {  	[dreg:$0x0] =	wrdreg $0xFFFFFFFF;
	(pc) =	sbr.abs _section_cstart, $3  }
0xc0: {  	[dreg:$0x1] =	wrdreg $0xFFFFFFFF  }
0xc1: {  	_ =	task.clear_ibuf [dreg:s6], $0x2FFFF;
	_ =	strace $0x9FFFFFFF  }
0xc2: {  	(tm) =	ssettm $0x7FFFFFFF  }
0xc3: {  	_ =	shalt  }
tec
execute0_lowered:
.L_overlay_start_1:
0x0: {  	(tag) =	ssettag $0x1  }
0x1: {  	s0 =	rddreg [dreg:$0x0]  }
0x2: {  	s2 =	rddreg [dreg:$0x1];
	s3 =	simm.s32 $0x0  }
0x3: {  	s13 =	stileid.u32;
	s1 =	srdreg.scid;
	s28 =	simm.s32 $0x600  }
0x4: {  	s29 =	simm.s32 $0x680;
	s30 =	simm.s32 $0x1;
	s31 =	simm.s32 $0xC8  }
0x5: {  	[smem:$0x7FF] =	sst s3;
	s7 =	smul.u32 $0x3E80, s13;
	s1 =	sand.u32 $0x1, s1  }
0x6: {  	s4 =	sshll.u32 s13, $0x1;
	s5 =	sadd.s32 $0xCC00, s0;
	s17 =	smul.u32 $0x4E20, s13  }
0x7: {  	s19 =	smul.u32 $0x7D000, s13;
	p0 =	sgt.u32 s13, $0x9;
	s13 =	simm.s32 $0x4  }
0x8: {  	_ =	strace $0x8000004A;
	s8 =	smul.u32 $0x27100, s1;
	s6 =	sor.u32 s1, s4  }
0x9: {  	s4 =	sadd.s32 $0x3DC00, s0;
	s11 =	ssub.s32 $0x2, s1;
	s1 =	smul.u32 $0x2710, s1  }
0xa: {  	s9 =	smul.u32 $0x2710, s6;
	s6 =	sadd.s32 $0x2E00, s0;
	s10 =	sadd.s32 s7, s0  }
0xb: {  	s14 =	sshrl.u32 s11, $0x1;
	s21 =	sshrl.u32 s19, $0x2;
	s7 =	sadd.s32 s7, s8  }
0xc: {  	s1 =	sadd.s32 s1, s17;
	s10 =	sadd.s32 $0x16A00, s10;
	s12 =	sshrl.u32 s9, $0x3  }
0xd: {  	s0 =	sadd.s32 s7, s0;
	s7 =	ssub.s32 s11, s14;
	s16 =	sadd.s32 $0x28, s9  }
0xe: {  	s9 =	sadd.s32 $0x78, s9;
	s22 =	sadd.s32 $0x230, s1;
	s24 =	sadd.s32 $0x208, s1  }
0xf: {  	[dreg:$0x14] =	wrdreg s10;
	s26 =	sadd.s32 $0x1E0, s1;
	s10 =	sadd.s32 $0x1B8, s1  }
0x10: {  	s11 =	sadd.s32 $0xC8, s1;
	s15 =	sadd.s32 s5, s12;
	s12 =	sadd.s32 s6, s12  }
0x11: {  	s8 =	sshrl.u32 s16, $0x3;
	s18 =	sshrl.u32 s9, $0x3;
	[dreg:$0xd] =	wrdreg s15  }
0x12: {  	s23 =	sshrl.u32 s22, $0x3;
	s0 =	sadd.s32 $0x64E00, s0;
	[dreg:$0xe] =	wrdreg s12  }
0x13: {  	s9 =	sshrl.u32 s24, $0x3;
	s7 =	smax.u32 s7, $0x1;
	[dreg:$0x15] =	wrdreg s0  }
0x14: {  	s16 =	sadd.s32 $0x168, s1;
	s8 =	sadd.s32 s6, s8;
	[dreg:$0x16] =	wrdreg s7  }
0x15: {  	s22 =	sadd.s32 $0x118, s1;
	s14 =	sadd.s32 $0xA, s12;
	[dreg:$0xf] =	wrdreg s8  }
0x16: {  	s20 =	sadd.s32 $0x14, s12;
	s25 =	sadd.s32 s9, s6;
	[dreg:$0x10] =	wrdreg s14  }
0x17: {  	s9 =	sshrl.u32 s26, $0x3;
	s0 =	simm.s32 $0xA00;
	[dreg:$0x12] =	wrdreg s20  }
0x18: {  	s7 =	simm.s32 $0x28;
	s8 =	sadd.s32 s6, s18;
	[dreg:$0x4] =	wrdreg s25  }
0x19: {  	s14 =	sshrl.u32 s11, $0x3;
	s18 =	sshrl.u32 s16, $0x3;
	s20 =	sadd.s32 $0x140, s1  }
0x1a: {  	s11 =	simm.s32 $0x4600;
	[dreg:$0x11] =	wrdreg s8;
	s8 =	sadd.s32 s21, s2  }
0x1b: {  	s16 =	simm.s32 $0x0;
	s15 =	sadd.s32 s14, s6;
	[dreg:$0x13] =	wrdreg s8  }
0x1c: {  	s17 =	sadd.s32 s14, s5;
	s19 =	sadd.s32 s18, s6;
	[dreg:$0x7] =	wrdreg s15  }
0x1d: {  	s21 =	sshrl.u32 s20, $0x3;
	s14 =	simm.s32 $0x2;
	[dreg:$0x8] =	wrdreg s17  }
0x1e: {  	s8 =	sadd.s32 s23, s6;
	[dreg:$0x9] =	wrdreg s19;
	s23 =	sadd.s32 $0xF0, s1  }
0x1f: {  	s1 =	sadd.s32 $0x190, s1;
	[dreg:$0x3] =	wrdreg s8;
	s8 =	sadd.s32 s9, s6  }
0x20: {  	s9 =	sshrl.u32 s10, $0x3;
	s25 =	sshrl.u32 s23, $0x3;
	[dreg:$0x17] =	wrdreg s1  }
0x21: {  	s23 =	simm.s32 $0x100;
	s1 =	simm.s32 $0x3;
	s10 =	simm.s32 $0x3200  }
0x22: {  	[dreg:$0x5] =	wrdreg s8;
	s12 =	sadd.s32 s9, s6;
	s8 =	sadd.s32 s21, s6  }
0x23: {  	s9 =	sshrl.u32 s22, $0x3;
	s26 =	sadd.s32 s25, s6;
	[dreg:$0x6] =	wrdreg s12  }
0x24: {  	s25 =	simm.s32 $0x500;
	[dreg:$0xa] =	wrdreg s8;
	s24 =	sadd.s32 s9, s6  }
0x25: {  	[dreg:$0xc] =	wrdreg s26;
	s26 =	simm.s32 $0x580;
	s9 =	simm.s32 $0x1E00  }
0x26: {  	s12 =	simm.s32 $0x5A00;
	[dreg:$0xb] =	wrdreg s24;
	s24 =	simm.s32 $0x480  }
.LBB2_1:
0x27: {  	[dreg:$0x18] =	wrdreg s16  }
0x28: {  	s8 =	rddreg [dreg:$0xd]  }
0x29: {  	[tilespmem:s3], [sflag:$0x1] =	stream.linear.gather [hbm4b:s8+s3], $0xC8, $0x38;
	[tilespmem:$0x1A680] =	vst v63  }
0x2a: {  	s19 =	rddreg [dreg:$0xe];
	s17 =	simm.s32 $0x200  }
0x2b: {  	[tilespmem:s17], [sflag:$0x1] =	stream.linear.gather [hbm4b:s19+s3], $0x28, $0x38;
	[tilespmem:$0x1A680] =	vst v63  }
0x2c: {  	s20 =	rddreg [dreg:$0xf];
	s18 =	simm.s32 $0x280  }
0x2d: {  	[tilespmem:s18], [sflag:$0x1] =	stream.linear.gather [hbm4b:s20+s3], $0x28, $0x38;
	[tilespmem:$0x1A680] =	vst v63  }
0x2e: {  	s21 =	rddreg [dreg:$0x10];
	s19 =	simm.s32 $0x300  }
0x2f: {  	[tilespmem:s19], [sflag:$0x1] =	stream.linear.gather [hbm4b:s21+s3], $0x28, $0x38;
	[tilespmem:$0x1A680] =	vst v63  }
0x30: {  	s22 =	rddreg [dreg:$0x11];
	s8 =	stileid.u32;
	s20 =	simm.s32 $0x380  }
0x31: {  	[tilespmem:s20], [sflag:$0x1] =	stream.linear.gather [hbm4b:s22+s3], $0x28, $0x38;
	[tilespmem:$0x1A680] =	vst v63  }
0x32: {  	s15 =	rddreg [dreg:$0x12];
	s8 =	sshll.u32 @!p0 s8, $0x6;
	s21 =	simm.s32 $0x400  }
0x33: {  	[tilespmem:s21], [sflag:$0x1] =	stream.linear.gather [hbm4b:s15+s3], $0x28, $0x38;
	[tilespmem:$0x1A680] =	vst v63  }
0x34: {  	s15 =	sor.u32 @!p0 $0x1C05, s8;
	s8 =	rddreg [dreg:$0x13]  }
0x35: {  	s16 =	sshrl.u32 @!p0 s8, $0x3;
	s8 =	rddreg [dreg:$0x14]  }
0x36: {  	[dreg:$0x19] =	wrdreg s15  }
0x37: {  	[dreg:$0x1a] =	wrdreg s16  }
0x38: {  	[spmem:s16], [sflag:s15] =	dma.local @!p0 [hbm:s8], $0x3E80  }
0x39: {  	s8 =	simm.s32 @!p0 $0x5  }
0x3a: {  	_ =	swait.ge @!p0 [sflag:s8], $0x3E80  }
0x3b: {  	[sflag:s8] =	ssyncset.done @!p0 $0x0  }
0x3c: {  	[sflag:s8] =	ssyncadd.s32 @!p0 $0xFFFFC180  }
0x3d: {  	[bflag:$0x0] =	sbarrier.arrive $0xFFFF  }
0x3e: {  	s16 =	rddreg [dreg:$0x8]  }
0x3f: {  	s22 =	rddreg [dreg:$0x7];
	s8 =	sadd.s32 $0x0, s16  }
0x40: {  	[tilespmem:s23], [sflag:$0x2] =	stream.linear.gather [hbm4b:s8+s3], $0xC8, $0x38;
	[tilespmem:$0x1A680] =	vst v63  }
0x41: {  	s16 =	rddreg [dreg:$0xc];
	s22 =	sadd.s32 $0x0, s22  }
0x42: {  	[tilespmem:s24], [sflag:$0x2] =	stream.linear.gather [hbm4b:s22+s3], $0x28, $0x38;
	[tilespmem:$0x1A680] =	vst v63  }
0x43: {  	s15 =	rddreg [dreg:$0xb];
	s22 =	sadd.s32 $0x0, s16  }
0x44: {  	[tilespmem:s25], [sflag:$0x2] =	stream.linear.gather [hbm4b:s22+s3], $0x28, $0x38;
	[tilespmem:$0x1A680] =	vst v63  }
0x45: {  	s15 =	sadd.s32 $0x0, s15;
	s16 =	rddreg [dreg:$0xa]  }
0x46: {  	[tilespmem:s26], [sflag:$0x2] =	stream.linear.gather [hbm4b:s15+s3], $0x28, $0x38;
	[tilespmem:$0x1A680] =	vst v63  }
0x47: {  	s16 =	sadd.s32 $0x0, s16;
	s22 =	rddreg [dreg:$0x9]  }
0x48: {  	[tilespmem:s28], [sflag:$0x2] =	stream.linear.gather [hbm4b:s16+s3], $0x28, $0x38;
	[tilespmem:$0x1A680] =	vst v63  }
0x49: {  	s22 =	sadd.s32 $0x0, s22  }
0x4a: {  	[tilespmem:s29], [sflag:$0x2] =	stream.linear.gather [hbm4b:s22+s3], $0x28, $0x38;
	[tilespmem:$0x1A680] =	vst v63  }
0x4b: {  	_ =	swait.ge [sflag:s30], $0xC8  }
0x4c: {  	[sflag:s30] =	ssyncset.done $0x0  }
0x4d: {  	[sflag:s30] =	ssyncadd.s32 $0xFFFFFF38  }
0x4e: {  	_ =	swait.ge [sflag:s30], $0x28  }
0x4f: {  	[sflag:s30] =	ssyncset.done $0x0  }
0x50: {  	[sflag:s30] =	ssyncadd.s32 $0xFFFFFFD8  }
0x51: {  	_ =	swait.ge [sflag:s30], $0x28  }
0x52: {  	[sflag:s30] =	ssyncset.done $0x0  }
0x53: {  	[sflag:s30] =	ssyncadd.s32 $0xFFFFFFD8  }
0x54: {  	_ =	swait.ge [sflag:s30], $0x28  }
0x55: {  	[sflag:s30] =	ssyncset.done $0x0  }
0x56: {  	[sflag:s30] =	ssyncadd.s32 $0xFFFFFFD8  }
0x57: {  	_ =	swait.ge [sflag:s30], $0x28  }
0x58: {  	[sflag:s30] =	ssyncset.done $0x0  }
0x59: {  	[sflag:s30] =	ssyncadd.s32 $0xFFFFFFD8  }
0x5a: {  	_ =	swait.ge [sflag:s30], $0x28  }
0x5b: {  	[sflag:s30] =	ssyncset.done $0x0  }
0x5c: {  	[sflag:s30] =	ssyncadd.s32 $0xFFFFFFD8  }
0x5d: {  	[tilespmem:s0], [sflag:$0x3] =	stream.indirect.gather [hbm4b:s4+s31], $0x80, s3, s31, $0xb8;
	[tilespmem:$0x1A680] =	vst v63  }
0x5e: {  	_ =	swait.ge [sflag:s1], $0x6400  }
0x5f: {  	[sflag:s1] =	ssyncset.done $0x0  }
0x60: {  	[sflag:s1] =	ssyncadd.s32 $0xFFFF9C00  }
0x61: {  	[spmem:s2] =	stream.indirect.scatter.add.f32 [tilespmem:s0], [sflag:$0x4], $0x80, s17, s7, $0xb8;
	[tilespmem:$0x1A680] =	vst v63  }
0x62: {  	_ = 	snop  }
0x63: {  	[spmem:s2] =	stream.indirect.scatter.add.f32 [tilespmem:s9], [sflag:$0x4], $0x80, s18, s7, $0xb8;
	[tilespmem:$0x1A680] =	vst v63  }
0x64: {  	_ = 	snop  }
0x65: {  	[spmem:s2] =	stream.indirect.scatter.add.f32 [tilespmem:s10], [sflag:$0x4], $0x80, s19, s7, $0xb8;
	[tilespmem:$0x1A680] =	vst v63  }
0x66: {  	_ = 	snop  }
0x67: {  	[spmem:s2] =	stream.indirect.scatter.add.f32 [tilespmem:s11], [sflag:$0x4], $0x80, s20, s7, $0xb8;
	[tilespmem:$0x1A680] =	vst v63  }
0x68: {  	_ = 	snop  }
0x69: {  	[spmem:s2] =	stream.indirect.scatter.add.f32 [tilespmem:s12], [sflag:$0x4], $0x80, s21, s7, $0xb8;
	[tilespmem:$0x1A680] =	vst v63  }
0x6a: {  	_ =	swait.ge [sflag:s13], $0x1400  }
0x6b: {  	[sflag:s13] =	ssyncset.done $0x0  }
0x6c: {  	[sflag:s13] =	ssyncadd.s32 $0xFFFFEC00  }
0x6d: {  	_ =	swait.ge [sflag:s13], $0x1400  }
0x6e: {  	[sflag:s13] =	ssyncset.done $0x0  }
0x6f: {  	[sflag:s13] =	ssyncadd.s32 $0xFFFFEC00  }
0x70: {  	_ =	swait.ge [sflag:s13], $0x1400  }
0x71: {  	[sflag:s13] =	ssyncset.done $0x0  }
0x72: {  	[sflag:s13] =	ssyncadd.s32 $0xFFFFEC00  }
0x73: {  	_ =	swait.ge [sflag:s13], $0x1400  }
0x74: {  	[sflag:s13] =	ssyncset.done $0x0  }
0x75: {  	[sflag:s13] =	ssyncadd.s32 $0xFFFFEC00  }
0x76: {  	_ =	swait.ge [sflag:s13], $0x1400  }
0x77: {  	p1 =	por $0x0, $0x0;
	s19 =	rddreg [dreg:$0x17]  }
0x78: {  	[sflag:s13] =	ssyncset.done $0x0;
	s8 =	sshrl.u32 @!p1 s19, $0x3  }
0x79: {  	s15 =	simm.s32 @!p1 $0x0;
	[sflag:s13] =	ssyncadd.s32 $0xFFFFEC00;
	s16 =	sadd.s32 @!p1 s5, s8  }
0x7a: {  	[tilespmem:s15], [sflag:$0x1] =	stream.linear.gather @!p1 [hbm4b:s16+s15], $0xC8, $0x38;
	[tilespmem:$0x1A680] =	vst v63  }
0x7b: {  	s17 =	simm.s32 @!p1 $0x200;
	s8 =	sadd.s32 @!p1 s6, s8;
	s16 =	rddreg [dreg:$0x6]  }
0x7c: {  	[tilespmem:s17], [sflag:$0x1] =	stream.linear.gather @!p1 [hbm4b:s8+s15], $0x28, $0x38;
	[tilespmem:$0x1A680] =	vst v63  }
0x7d: {  	s16 =	sadd.s32 @!p1 $0x0, s16;
	s8 =	rddreg [dreg:$0x5];
	s17 =	simm.s32 @!p1 $0x280  }
0x7e: {  	[tilespmem:s17], [sflag:$0x1] =	stream.linear.gather @!p1 [hbm4b:s16+s15], $0x28, $0x38;
	[tilespmem:$0x1A680] =	vst v63  }
0x7f: {  	s8 =	sadd.s32 @!p1 $0x0, s8;
	s16 =	rddreg [dreg:$0x4];
	s17 =	simm.s32 @!p1 $0x300  }
0x80: {  	[tilespmem:s17], [sflag:$0x1] =	stream.linear.gather @!p1 [hbm4b:s8+s15], $0x28, $0x38;
	[tilespmem:$0x1A680] =	vst v63  }
0x81: {  	s16 =	sadd.s32 @!p1 $0x0, s16;
	s8 =	rddreg [dreg:$0x3];
	s17 =	simm.s32 @!p1 $0x380  }
0x82: {  	[tilespmem:s17], [sflag:$0x1] =	stream.linear.gather @!p1 [hbm4b:s16+s15], $0x28, $0x38;
	[tilespmem:$0x1A680] =	vst v63  }
0x83: {  	s8 =	sadd.s32 @!p1 $0x0, s8;
	s16 =	simm.s32 @!p1 $0x400  }
0x84: {  	[tilespmem:s16], [sflag:$0x1] =	stream.linear.gather @!p1 [hbm4b:s8+s15], $0x28, $0x38;
	[tilespmem:$0x1A680] =	vst v63  }
0x85: {  	_ =	swait.ge [sflag:s14], $0xC8  }
0x86: {  	[sflag:s14] =	ssyncset.done $0x0  }
0x87: {  	[sflag:s14] =	ssyncadd.s32 $0xFFFFFF38  }
0x88: {  	_ =	swait.ge [sflag:s14], $0x28  }
0x89: {  	[sflag:s14] =	ssyncset.done $0x0  }
0x8a: {  	[sflag:s14] =	ssyncadd.s32 $0xFFFFFFD8  }
0x8b: {  	_ =	swait.ge [sflag:s14], $0x28  }
0x8c: {  	[sflag:s14] =	ssyncset.done $0x0  }
0x8d: {  	[sflag:s14] =	ssyncadd.s32 $0xFFFFFFD8  }
0x8e: {  	_ =	swait.ge [sflag:s14], $0x28  }
0x8f: {  	[sflag:s14] =	ssyncset.done $0x0  }
0x90: {  	[sflag:s14] =	ssyncadd.s32 $0xFFFFFFD8  }
0x91: {  	_ =	swait.ge [sflag:s14], $0x28  }
0x92: {  	[sflag:s14] =	ssyncset.done $0x0  }
0x93: {  	[sflag:s14] =	ssyncadd.s32 $0xFFFFFFD8  }
0x94: {  	_ =	swait.ge [sflag:s14], $0x28  }
0x95: {  	[sflag:s14] =	ssyncset.done $0x0  }
0x96: {  	[sflag:s14] =	ssyncadd.s32 $0xFFFFFFD8  }
0x97: {  	[tilespmem:s0], [sflag:$0x3] =	stream.indirect.gather [hbm4b:s4+s31], $0x80, s23, s31, $0xb8;
	[tilespmem:$0x1A680] =	vst v63  }
0x98: {  	_ =	swait.ge [sflag:s1], $0x6400  }
0x99: {  	[sflag:s1] =	ssyncset.done $0x0  }
0x9a: {  	[sflag:s1] =	ssyncadd.s32 $0xFFFF9C00  }
0x9b: {  	[spmem:s2] =	stream.indirect.scatter.add.f32 [tilespmem:s0], [sflag:$0x4], $0x80, s24, s7, $0xb8;
	[tilespmem:$0x1A680] =	vst v63  }
0x9c: {  	_ = 	snop  }
0x9d: {  	[spmem:s2] =	stream.indirect.scatter.add.f32 [tilespmem:s9], [sflag:$0x4], $0x80, s25, s7, $0xb8;
	[tilespmem:$0x1A680] =	vst v63  }
0x9e: {  	_ = 	snop  }
0x9f: {  	[spmem:s2] =	stream.indirect.scatter.add.f32 [tilespmem:s10], [sflag:$0x4], $0x80, s26, s7, $0xb8;
	[tilespmem:$0x1A680] =	vst v63  }
0xa0: {  	_ = 	snop  }
0xa1: {  	[spmem:s2] =	stream.indirect.scatter.add.f32 [tilespmem:s11], [sflag:$0x4], $0x80, s28, s7, $0xb8;
	[tilespmem:$0x1A680] =	vst v63  }
0xa2: {  	_ = 	snop  }
0xa3: {  	[spmem:s2] =	stream.indirect.scatter.add.f32 [tilespmem:s12], [sflag:$0x4], $0x80, s29, s7, $0xb8;
	[tilespmem:$0x1A680] =	vst v63  }
0xa4: {  	_ =	swait.ge [sflag:s13], $0x1400  }
0xa5: {  	[sflag:s13] =	ssyncset.done $0x0  }
0xa6: {  	[sflag:s13] =	ssyncadd.s32 $0xFFFFEC00  }
0xa7: {  	_ =	swait.ge [sflag:s13], $0x1400  }
0xa8: {  	[sflag:s13] =	ssyncset.done $0x0  }
0xa9: {  	[sflag:s13] =	ssyncadd.s32 $0xFFFFEC00  }
0xaa: {  	_ =	swait.ge [sflag:s13], $0x1400  }
0xab: {  	[sflag:s13] =	ssyncset.done $0x0  }
0xac: {  	[sflag:s13] =	ssyncadd.s32 $0xFFFFEC00  }
0xad: {  	_ =	swait.ge [sflag:s13], $0x1400  }
0xae: {  	[sflag:s13] =	ssyncset.done $0x0  }
0xaf: {  	[sflag:s13] =	ssyncadd.s32 $0xFFFFEC00  }
0xb0: {  	s17 =	simm.s32 $0x32;
	s16 =	simm.s32 $0x64;
	_ =	swait.ge [sflag:s13], $0x1400  }
0xb1: {  	s15 =	smov.u32 s19;
	s18 =	rddreg [dreg:$0x8];
	[sflag:s13] =	ssyncset.done $0x0  }
.LBB2_2:
0xb2: {  	[sflag:s13] =	ssyncadd.s32 $0xFFFFEC00;
	s19 =	rddreg [dreg:$0x7];
	s18 =	sadd.s32 s17, s18  }
0xb3: {  	[tilespmem:s23], [sflag:$0x2] =	stream.linear.gather [hbm4b:s18+s3], $0xC8, $0x38;
	[tilespmem:$0x1A680] =	vst v63  }
0xb4: {  	s20 =	rddreg [dreg:$0xc];
	s19 =	sadd.s32 s17, s19  }
0xb5: {  	[tilespmem:s24], [sflag:$0x2] =	stream.linear.gather [hbm4b:s19+s3], $0x28, $0x38;
	[tilespmem:$0x1A680] =	vst v63  }
0xb6: {  	s21 =	rddreg [dreg:$0xb];
	s22 =	sadd.s32 s17, s20  }
0xb7: {  	[tilespmem:s25], [sflag:$0x2] =	stream.linear.gather [hbm4b:s22+s3], $0x28, $0x38;
	[tilespmem:$0x1A680] =	vst v63  }
0xb8: {  	s20 =	rddreg [dreg:$0xa];
	s21 =	sadd.s32 s17, s21  }
0xb9: {  	[tilespmem:s26], [sflag:$0x2] =	stream.linear.gather [hbm4b:s21+s3], $0x28, $0x38;
	[tilespmem:$0x1A680] =	vst v63  }
0xba: {  	s20 =	sadd.s32 s17, s20;
	s22 =	rddreg [dreg:$0x9]  }
0xbb: {  	[tilespmem:s28], [sflag:$0x2] =	stream.linear.gather [hbm4b:s20+s3], $0x28, $0x38;
	[tilespmem:$0x1A680] =	vst v63  }
0xbc: {  	s21 =	sadd.s32 s17, s22  }
0xbd: {  	[tilespmem:s29], [sflag:$0x2] =	stream.linear.gather [hbm4b:s21+s3], $0x28, $0x38;
	[tilespmem:$0x1A680] =	vst v63  }
0xbe: {  	_ =	swait.ge [sflag:s30], $0xC8  }
0xbf: {  	[sflag:s30] =	ssyncset.done $0x0  }
0xc0: {  	[sflag:s30] =	ssyncadd.s32 $0xFFFFFF38  }
0xc1: {  	_ =	swait.ge [sflag:s30], $0x28  }
0xc2: {  	[sflag:s30] =	ssyncset.done $0x0  }
0xc3: {  	[sflag:s30] =	ssyncadd.s32 $0xFFFFFFD8  }
0xc4: {  	_ =	swait.ge [sflag:s30], $0x28  }
0xc5: {  	[sflag:s30] =	ssyncset.done $0x0  }
0xc6: {  	[sflag:s30] =	ssyncadd.s32 $0xFFFFFFD8  }
0xc7: {  	_ =	swait.ge [sflag:s30], $0x28  }
0xc8: {  	[sflag:s30] =	ssyncset.done $0x0  }
0xc9: {  	[sflag:s30] =	ssyncadd.s32 $0xFFFFFFD8  }
0xca: {  	_ =	swait.ge [sflag:s30], $0x28  }
0xcb: {  	[sflag:s30] =	ssyncset.done $0x0  }
0xcc: {  	[sflag:s30] =	ssyncadd.s32 $0xFFFFFFD8  }
0xcd: {  	_ =	swait.ge [sflag:s30], $0x28  }
0xce: {  	[sflag:s30] =	ssyncset.done $0x0  }
0xcf: {  	[sflag:s30] =	ssyncadd.s32 $0xFFFFFFD8  }
0xd0: {  	[tilespmem:s0], [sflag:$0x3] =	stream.indirect.gather [hbm4b:s4+s31], $0x80, s3, s31, $0xb8;
	[tilespmem:$0x1A680] =	vst v63  }
0xd1: {  	_ =	swait.ge [sflag:s1], $0x6400  }
0xd2: {  	[sflag:s1] =	ssyncset.done $0x0  }
0xd3: {  	s22 =	simm.s32 $0x200;
	[sflag:s1] =	ssyncadd.s32 $0xFFFF9C00  }
0xd4: {  	[spmem:s2] =	stream.indirect.scatter.add.f32 [tilespmem:s0], [sflag:$0x4], $0x80, s22, s7, $0xb8;
	[tilespmem:$0x1A680] =	vst v63  }
0xd5: {  	s19 =	simm.s32 $0x280  }
0xd6: {  	[spmem:s2] =	stream.indirect.scatter.add.f32 [tilespmem:s9], [sflag:$0x4], $0x80, s19, s7, $0xb8;
	[tilespmem:$0x1A680] =	vst v63  }
0xd7: {  	s20 =	simm.s32 $0x300  }
0xd8: {  	[spmem:s2] =	stream.indirect.scatter.add.f32 [tilespmem:s10], [sflag:$0x4], $0x80, s20, s7, $0xb8;
	[tilespmem:$0x1A680] =	vst v63  }
0xd9: {  	s21 =	simm.s32 $0x380  }
0xda: {  	[spmem:s2] =	stream.indirect.scatter.add.f32 [tilespmem:s11], [sflag:$0x4], $0x80, s21, s7, $0xb8;
	[tilespmem:$0x1A680] =	vst v63  }
0xdb: {  	s22 =	simm.s32 $0x400  }
0xdc: {  	[spmem:s2] =	stream.indirect.scatter.add.f32 [tilespmem:s12], [sflag:$0x4], $0x80, s22, s7, $0xb8;
	[tilespmem:$0x1A680] =	vst v63  }
0xdd: {  	_ =	swait.ge [sflag:s13], $0x1400  }
0xde: {  	[sflag:s13] =	ssyncset.done $0x0  }
0xdf: {  	[sflag:s13] =	ssyncadd.s32 $0xFFFFEC00  }
0xe0: {  	_ =	swait.ge [sflag:s13], $0x1400  }
0xe1: {  	[sflag:s13] =	ssyncset.done $0x0  }
0xe2: {  	[sflag:s13] =	ssyncadd.s32 $0xFFFFEC00  }
0xe3: {  	_ =	swait.ge [sflag:s13], $0x1400  }
0xe4: {  	[sflag:s13] =	ssyncset.done $0x0  }
0xe5: {  	[sflag:s13] =	ssyncadd.s32 $0xFFFFEC00  }
0xe6: {  	_ =	swait.ge [sflag:s13], $0x1400  }
0xe7: {  	[sflag:s13] =	ssyncset.done $0x0  }
0xe8: {  	[sflag:s13] =	ssyncadd.s32 $0xFFFFEC00  }
0xe9: {  	s15 =	sadd.s32 $0x190, s15;
	p2 =	seq.s32 s17, $0x4B0;
	_ =	swait.ge [sflag:s13], $0x1400  }
0xea: {  	s18 =	sshrl.u32 @!p2 s15, $0x3;
	[sflag:s13] =	ssyncset.done $0x0  }
0xeb: {  	s19 =	simm.s32 @!p2 $0x0;
	s20 =	sadd.s32 @!p2 s5, s18;
	[sflag:s13] =	ssyncadd.s32 $0xFFFFEC00  }
0xec: {  	[tilespmem:s19], [sflag:$0x1] =	stream.linear.gather @!p2 [hbm4b:s20+s19], $0xC8, $0x38;
	[tilespmem:$0x1A680] =	vst v63  }
0xed: {  	s18 =	sadd.s32 @!p2 s6, s18;
	s21 =	rddreg [dreg:$0x6];
	s20 =	simm.s32 @!p2 $0x200  }
0xee: {  	[tilespmem:s20], [sflag:$0x1] =	stream.linear.gather @!p2 [hbm4b:s18+s19], $0x28, $0x38;
	[tilespmem:$0x1A680] =	vst v63  }
0xef: {  	s22 =	rddreg [dreg:$0x5];
	s18 =	sadd.s32 @!p2 s17, s21;
	s20 =	simm.s32 @!p2 $0x280  }
0xf0: {  	[tilespmem:s20], [sflag:$0x1] =	stream.linear.gather @!p2 [hbm4b:s18+s19], $0x28, $0x38;
	[tilespmem:$0x1A680] =	vst v63  }
0xf1: {  	s21 =	rddreg [dreg:$0x4];
	s18 =	sadd.s32 @!p2 s17, s22;
	s20 =	simm.s32 @!p2 $0x300  }
0xf2: {  	[tilespmem:s20], [sflag:$0x1] =	stream.linear.gather @!p2 [hbm4b:s18+s19], $0x28, $0x38;
	[tilespmem:$0x1A680] =	vst v63  }
0xf3: {  	s22 =	rddreg [dreg:$0x3];
	s18 =	sadd.s32 @!p2 s17, s21;
	s20 =	simm.s32 @!p2 $0x380  }
0xf4: {  	[tilespmem:s20], [sflag:$0x1] =	stream.linear.gather @!p2 [hbm4b:s18+s19], $0x28, $0x38;
	[tilespmem:$0x1A680] =	vst v63  }
0xf5: {  	s18 =	sadd.s32 @!p2 s17, s22;
	s20 =	simm.s32 @!p2 $0x400  }
0xf6: {  	[tilespmem:s20], [sflag:$0x1] =	stream.linear.gather @!p2 [hbm4b:s18+s19], $0x28, $0x38;
	[tilespmem:$0x1A680] =	vst v63  }
0xf7: {  	_ =	swait.ge [sflag:s14], $0xC8  }
0xf8: {  	[sflag:s14] =	ssyncset.done $0x0  }
0xf9: {  	[sflag:s14] =	ssyncadd.s32 $0xFFFFFF38  }
0xfa: {  	_ =	swait.ge [sflag:s14], $0x28  }
0xfb: {  	[sflag:s14] =	ssyncset.done $0x0  }
0xfc: {  	[sflag:s14] =	ssyncadd.s32 $0xFFFFFFD8  }
0xfd: {  	_ =	swait.ge [sflag:s14], $0x28  }
0xfe: {  	[sflag:s14] =	ssyncset.done $0x0  }
0xff: {  	[sflag:s14] =	ssyncadd.s32 $0xFFFFFFD8  }
0x100: {  	_ =	swait.ge [sflag:s14], $0x28  }
0x101: {  	[sflag:s14] =	ssyncset.done $0x0  }
0x102: {  	[sflag:s14] =	ssyncadd.s32 $0xFFFFFFD8  }
0x103: {  	_ =	swait.ge [sflag:s14], $0x28  }
0x104: {  	[sflag:s14] =	ssyncset.done $0x0  }
0x105: {  	[sflag:s14] =	ssyncadd.s32 $0xFFFFFFD8  }
0x106: {  	_ =	swait.ge [sflag:s14], $0x28  }
0x107: {  	[sflag:s14] =	ssyncset.done $0x0  }
0x108: {  	[sflag:s14] =	ssyncadd.s32 $0xFFFFFFD8  }
0x109: {  	[tilespmem:s0], [sflag:$0x3] =	stream.indirect.gather [hbm4b:s4+s31], $0x80, s23, s31, $0xb8;
	[tilespmem:$0x1A680] =	vst v63  }
0x10a: {  	_ =	swait.ge [sflag:s1], $0x6400  }
0x10b: {  	[sflag:s1] =	ssyncset.done $0x0  }
0x10c: {  	[sflag:s1] =	ssyncadd.s32 $0xFFFF9C00  }
0x10d: {  	[spmem:s2] =	stream.indirect.scatter.add.f32 [tilespmem:s0], [sflag:$0x4], $0x80, s24, s7, $0xb8;
	[tilespmem:$0x1A680] =	vst v63  }
0x10e: {  	_ = 	snop  }
0x10f: {  	[spmem:s2] =	stream.indirect.scatter.add.f32 [tilespmem:s9], [sflag:$0x4], $0x80, s25, s7, $0xb8;
	[tilespmem:$0x1A680] =	vst v63  }
0x110: {  	_ = 	snop  }
0x111: {  	[spmem:s2] =	stream.indirect.scatter.add.f32 [tilespmem:s10], [sflag:$0x4], $0x80, s26, s7, $0xb8;
	[tilespmem:$0x1A680] =	vst v63  }
0x112: {  	_ = 	snop  }
0x113: {  	[spmem:s2] =	stream.indirect.scatter.add.f32 [tilespmem:s11], [sflag:$0x4], $0x80, s28, s7, $0xb8;
	[tilespmem:$0x1A680] =	vst v63  }
0x114: {  	_ = 	snop  }
0x115: {  	[spmem:s2] =	stream.indirect.scatter.add.f32 [tilespmem:s12], [sflag:$0x4], $0x80, s29, s7, $0xb8;
	[tilespmem:$0x1A680] =	vst v63  }
0x116: {  	_ =	swait.ge [sflag:s13], $0x1400  }
0x117: {  	[sflag:s13] =	ssyncset.done $0x0  }
0x118: {  	[sflag:s13] =	ssyncadd.s32 $0xFFFFEC00  }
0x119: {  	_ =	swait.ge [sflag:s13], $0x1400  }
0x11a: {  	[sflag:s13] =	ssyncset.done $0x0  }
0x11b: {  	[sflag:s13] =	ssyncadd.s32 $0xFFFFEC00  }
0x11c: {  	_ =	swait.ge [sflag:s13], $0x1400  }
0x11d: {  	s8 =	smov.u32 s16;
	s16 =	sadd.s32 $0x32, s16;
	[sflag:s13] =	ssyncset.done $0x0  }
0x11e: {  	p1 =	sne.s32 s16, $0x4E2;
	[sflag:s13] =	ssyncadd.s32 $0xFFFFEC00  }
.Ltmp0:
0x11f: {  	_ =	swait.ge [sflag:s13], $0x1400;
	(pc) =	sbr.rel @p1 .LBB2_2-.Ltmp0, $4  }
0x120: {  	[sflag:s13] =	ssyncset.done $0x0  }
0x121: {  	[sflag:s13] =	ssyncadd.s32 $0xFFFFEC00  }
0x122: {  	_ =	swait.ge [sflag:s13], $0x1400  }
0x123: {  	s17 =	smov.u32 s8;
	s18 =	rddreg [dreg:$0x8];
	[sflag:s13] =	ssyncset.done $0x0  }
0x124: {  	s8 =	rddreg [dreg:$0x7];
	[sflag:s13] =	ssyncadd.s32 $0xFFFFEC00;
	s16 =	sadd.s32 s17, s18  }
0x125: {  	[tilespmem:s23], [sflag:$0x2] =	stream.linear.gather [hbm4b:s16+s3], $0xC8, $0x38;
	[tilespmem:$0x1A680] =	vst v63  }
0x126: {  	s19 =	rddreg [dreg:$0xc];
	s8 =	sadd.s32 s17, s8  }
0x127: {  	[tilespmem:s24], [sflag:$0x2] =	stream.linear.gather [hbm4b:s8+s3], $0x28, $0x38;
	[tilespmem:$0x1A680] =	vst v63  }
0x128: {  	s20 =	rddreg [dreg:$0xb];
	s21 =	sadd.s32 s17, s19  }
0x129: {  	[tilespmem:s25], [sflag:$0x2] =	stream.linear.gather [hbm4b:s21+s3], $0x28, $0x38;
	[tilespmem:$0x1A680] =	vst v63  }
0x12a: {  	s22 =	rddreg [dreg:$0xa];
	s16 =	sadd.s32 s17, s20  }
0x12b: {  	[tilespmem:s26], [sflag:$0x2] =	stream.linear.gather [hbm4b:s16+s3], $0x28, $0x38;
	[tilespmem:$0x1A680] =	vst v63  }
0x12c: {  	s19 =	rddreg [dreg:$0x9];
	s20 =	sadd.s32 s17, s22  }
0x12d: {  	[tilespmem:s28], [sflag:$0x2] =	stream.linear.gather [hbm4b:s20+s3], $0x28, $0x38;
	[tilespmem:$0x1A680] =	vst v63  }
0x12e: {  	s21 =	sadd.s32 s17, s19  }
0x12f: {  	[tilespmem:s29], [sflag:$0x2] =	stream.linear.gather [hbm4b:s21+s3], $0x28, $0x38;
	[tilespmem:$0x1A680] =	vst v63  }
0x130: {  	_ =	swait.ge [sflag:s30], $0xC8  }
0x131: {  	[sflag:s30] =	ssyncset.done $0x0  }
0x132: {  	[sflag:s30] =	ssyncadd.s32 $0xFFFFFF38  }
0x133: {  	_ =	swait.ge [sflag:s30], $0x28  }
0x134: {  	[sflag:s30] =	ssyncset.done $0x0  }
0x135: {  	[sflag:s30] =	ssyncadd.s32 $0xFFFFFFD8  }
0x136: {  	_ =	swait.ge [sflag:s30], $0x28  }
0x137: {  	[sflag:s30] =	ssyncset.done $0x0  }
0x138: {  	[sflag:s30] =	ssyncadd.s32 $0xFFFFFFD8  }
0x139: {  	_ =	swait.ge [sflag:s30], $0x28  }
0x13a: {  	[sflag:s30] =	ssyncset.done $0x0  }
0x13b: {  	[sflag:s30] =	ssyncadd.s32 $0xFFFFFFD8  }
0x13c: {  	_ =	swait.ge [sflag:s30], $0x28  }
0x13d: {  	[sflag:s30] =	ssyncset.done $0x0  }
0x13e: {  	[sflag:s30] =	ssyncadd.s32 $0xFFFFFFD8  }
0x13f: {  	_ =	swait.ge [sflag:s30], $0x28  }
0x140: {  	[sflag:s30] =	ssyncset.done $0x0  }
0x141: {  	[sflag:s30] =	ssyncadd.s32 $0xFFFFFFD8  }
0x142: {  	[tilespmem:s0], [sflag:$0x3] =	stream.indirect.gather [hbm4b:s4+s31], $0x80, s3, s31, $0xb8;
	[tilespmem:$0x1A680] =	vst v63  }
0x143: {  	_ =	swait.ge [sflag:s1], $0x6400  }
0x144: {  	[sflag:s1] =	ssyncset.done $0x0  }
0x145: {  	s22 =	simm.s32 $0x200;
	[sflag:s1] =	ssyncadd.s32 $0xFFFF9C00  }
0x146: {  	[spmem:s2] =	stream.indirect.scatter.add.f32 [tilespmem:s0], [sflag:$0x4], $0x80, s22, s7, $0xb8;
	[tilespmem:$0x1A680] =	vst v63  }
0x147: {  	s16 =	simm.s32 $0x280  }
0x148: {  	[spmem:s2] =	stream.indirect.scatter.add.f32 [tilespmem:s9], [sflag:$0x4], $0x80, s16, s7, $0xb8;
	[tilespmem:$0x1A680] =	vst v63  }
0x149: {  	s18 =	simm.s32 $0x300  }
0x14a: {  	[spmem:s2] =	stream.indirect.scatter.add.f32 [tilespmem:s10], [sflag:$0x4], $0x80, s18, s7, $0xb8;
	[tilespmem:$0x1A680] =	vst v63  }
0x14b: {  	s19 =	simm.s32 $0x380  }
0x14c: {  	[spmem:s2] =	stream.indirect.scatter.add.f32 [tilespmem:s11], [sflag:$0x4], $0x80, s19, s7, $0xb8;
	[tilespmem:$0x1A680] =	vst v63  }
0x14d: {  	s20 =	simm.s32 $0x400  }
0x14e: {  	[spmem:s2] =	stream.indirect.scatter.add.f32 [tilespmem:s12], [sflag:$0x4], $0x80, s20, s7, $0xb8;
	[tilespmem:$0x1A680] =	vst v63  }
0x14f: {  	_ =	swait.ge [sflag:s13], $0x1400  }
0x150: {  	[sflag:s13] =	ssyncset.done $0x0  }
0x151: {  	[sflag:s13] =	ssyncadd.s32 $0xFFFFEC00  }
0x152: {  	_ =	swait.ge [sflag:s13], $0x1400  }
0x153: {  	[sflag:s13] =	ssyncset.done $0x0  }
0x154: {  	[sflag:s13] =	ssyncadd.s32 $0xFFFFEC00  }
0x155: {  	_ =	swait.ge [sflag:s13], $0x1400  }
0x156: {  	[sflag:s13] =	ssyncset.done $0x0  }
0x157: {  	[sflag:s13] =	ssyncadd.s32 $0xFFFFEC00  }
0x158: {  	_ =	swait.ge [sflag:s13], $0x1400  }
0x159: {  	[sflag:s13] =	ssyncset.done $0x0  }
0x15a: {  	[sflag:s13] =	ssyncadd.s32 $0xFFFFEC00  }
0x15b: {  	p1 =	seq.s32 s17, $0x4B0;
	s8 =	sadd.s32 $0x190, s15;
	_ =	swait.ge [sflag:s13], $0x1400  }
0x15c: {  	s8 =	sshrl.u32 @!p1 s8, $0x3;
	[sflag:s13] =	ssyncset.done $0x0  }
0x15d: {  	s15 =	simm.s32 @!p1 $0x0;
	s16 =	sadd.s32 @!p1 s5, s8;
	[sflag:s13] =	ssyncadd.s32 $0xFFFFEC00  }
0x15e: {  	[tilespmem:s15], [sflag:$0x1] =	stream.linear.gather @!p1 [hbm4b:s16+s15], $0xC8, $0x38;
	[tilespmem:$0x1A680] =	vst v63  }
0x15f: {  	s8 =	sadd.s32 @!p1 s6, s8;
	s18 =	simm.s32 @!p1 $0x200;
	s16 =	rddreg [dreg:$0x6]  }
0x160: {  	[tilespmem:s18], [sflag:$0x1] =	stream.linear.gather @!p1 [hbm4b:s8+s15], $0x28, $0x38;
	[tilespmem:$0x1A680] =	vst v63  }
0x161: {  	s16 =	sadd.s32 @!p1 s17, s16;
	s8 =	rddreg [dreg:$0x5];
	s18 =	simm.s32 @!p1 $0x280  }
0x162: {  	[tilespmem:s18], [sflag:$0x1] =	stream.linear.gather @!p1 [hbm4b:s16+s15], $0x28, $0x38;
	[tilespmem:$0x1A680] =	vst v63  }
0x163: {  	s8 =	sadd.s32 @!p1 s17, s8;
	s16 =	rddreg [dreg:$0x4];
	s18 =	simm.s32 @!p1 $0x300  }
0x164: {  	[tilespmem:s18], [sflag:$0x1] =	stream.linear.gather @!p1 [hbm4b:s8+s15], $0x28, $0x38;
	[tilespmem:$0x1A680] =	vst v63  }
0x165: {  	s16 =	sadd.s32 @!p1 s17, s16;
	s8 =	rddreg [dreg:$0x3];
	s18 =	simm.s32 @!p1 $0x380  }
0x166: {  	[tilespmem:s18], [sflag:$0x1] =	stream.linear.gather @!p1 [hbm4b:s16+s15], $0x28, $0x38;
	[tilespmem:$0x1A680] =	vst v63  }
0x167: {  	s8 =	sadd.s32 @!p1 s17, s8;
	s16 =	simm.s32 @!p1 $0x400  }
0x168: {  	[tilespmem:s16], [sflag:$0x1] =	stream.linear.gather @!p1 [hbm4b:s8+s15], $0x28, $0x38;
	[tilespmem:$0x1A680] =	vst v63  }
0x169: {  	_ =	swait.ge [sflag:s14], $0xC8  }
0x16a: {  	[sflag:s14] =	ssyncset.done $0x0  }
0x16b: {  	[sflag:s14] =	ssyncadd.s32 $0xFFFFFF38  }
0x16c: {  	_ =	swait.ge [sflag:s14], $0x28  }
0x16d: {  	[sflag:s14] =	ssyncset.done $0x0  }
0x16e: {  	[sflag:s14] =	ssyncadd.s32 $0xFFFFFFD8  }
0x16f: {  	_ =	swait.ge [sflag:s14], $0x28  }
0x170: {  	[sflag:s14] =	ssyncset.done $0x0  }
0x171: {  	[sflag:s14] =	ssyncadd.s32 $0xFFFFFFD8  }
0x172: {  	_ =	swait.ge [sflag:s14], $0x28  }
0x173: {  	[sflag:s14] =	ssyncset.done $0x0  }
0x174: {  	[sflag:s14] =	ssyncadd.s32 $0xFFFFFFD8  }
0x175: {  	_ =	swait.ge [sflag:s14], $0x28  }
0x176: {  	[sflag:s14] =	ssyncset.done $0x0  }
0x177: {  	[sflag:s14] =	ssyncadd.s32 $0xFFFFFFD8  }
0x178: {  	_ =	swait.ge [sflag:s14], $0x28  }
0x179: {  	[sflag:s14] =	ssyncset.done $0x0  }
0x17a: {  	[sflag:s14] =	ssyncadd.s32 $0xFFFFFFD8  }
0x17b: {  	[tilespmem:s0], [sflag:$0x3] =	stream.indirect.gather [hbm4b:s4+s31], $0x80, s23, s31, $0xb8;
	[tilespmem:$0x1A680] =	vst v63  }
0x17c: {  	_ =	swait.ge [sflag:s1], $0x6400  }
0x17d: {  	[sflag:s1] =	ssyncset.done $0x0  }
0x17e: {  	[sflag:s1] =	ssyncadd.s32 $0xFFFF9C00  }
0x17f: {  	[spmem:s2] =	stream.indirect.scatter.add.f32 [tilespmem:s0], [sflag:$0x4], $0x80, s24, s7, $0xb8;
	[tilespmem:$0x1A680] =	vst v63  }
0x180: {  	_ = 	snop  }
0x181: {  	[spmem:s2] =	stream.indirect.scatter.add.f32 [tilespmem:s9], [sflag:$0x4], $0x80, s25, s7, $0xb8;
	[tilespmem:$0x1A680] =	vst v63  }
0x182: {  	_ = 	snop  }
0x183: {  	[spmem:s2] =	stream.indirect.scatter.add.f32 [tilespmem:s10], [sflag:$0x4], $0x80, s26, s7, $0xb8;
	[tilespmem:$0x1A680] =	vst v63  }
0x184: {  	_ = 	snop  }
0x185: {  	[spmem:s2] =	stream.indirect.scatter.add.f32 [tilespmem:s11], [sflag:$0x4], $0x80, s28, s7, $0xb8;
	[tilespmem:$0x1A680] =	vst v63  }
0x186: {  	_ = 	snop  }
0x187: {  	[spmem:s2] =	stream.indirect.scatter.add.f32 [tilespmem:s12], [sflag:$0x4], $0x80, s29, s7, $0xb8;
	[tilespmem:$0x1A680] =	vst v63  }
0x188: {  	_ =	swait.ge [sflag:s13], $0x1400  }
0x189: {  	[sflag:s13] =	ssyncset.done $0x0  }
0x18a: {  	[sflag:s13] =	ssyncadd.s32 $0xFFFFEC00  }
0x18b: {  	_ =	swait.ge [sflag:s13], $0x1400  }
0x18c: {  	[sflag:s13] =	ssyncset.done $0x0  }
0x18d: {  	[sflag:s13] =	ssyncadd.s32 $0xFFFFEC00  }
0x18e: {  	_ =	swait.ge [sflag:s13], $0x1400  }
0x18f: {  	[sflag:s13] =	ssyncset.done $0x0  }
0x190: {  	[sflag:s13] =	ssyncadd.s32 $0xFFFFEC00  }
0x191: {  	_ =	swait.ge [sflag:s13], $0x1400  }
0x192: {  	[sflag:s13] =	ssyncset.done $0x0  }
0x193: {  	[sflag:s13] =	ssyncadd.s32 $0xFFFFEC00  }
0x194: {  	_ =	swait.ge [sflag:s13], $0x1400  }
0x195: {  	[sflag:s13] =	ssyncset.done $0x0  }
0x196: {  	[sflag:s13] =	ssyncadd.s32 $0xFFFFEC00  }
0x197: {  	[bflag:$0x0] =	sbarrier.arrive $0xFFFF  }
0x198: {  	s8 =	rddreg [dreg:$0x15]  }
0x199: {  	s15 =	rddreg [dreg:$0x19]  }
0x19a: {  	s16 =	rddreg [dreg:$0x1a]  }
0x19b: {  	[hbm:s8], [sflag:s15] =	dma.local @!p0 [spmem:s16], $0x3E80  }
0x19c: {  	s8 =	simm.s32 @!p0 $0x5  }
0x19d: {  	_ =	swait.ge @!p0 [sflag:s8], $0x3E80  }
0x19e: {  	s21 =	rddreg [dreg:$0x18]  }
0x19f: {  	s22 =	rddreg [dreg:$0x16];
	s16 =	sadd.s32 $0x1, s21  }
0x1a0: {  	p1 =	sne.s32 s16, s22  }
.Ltmp1:
0x1a1: {  	_ = 	snop;
	(pc) =	sbr.rel @p1 .LBB2_1-.Ltmp1, $3  }
0x1a2: {  	_ =	sdelay $0x1  }
0x1a3: {  	[sflag:s8] =	ssyncset.done @!p0 $0x0  }
0x1a4: {  	[sflag:s8] =	ssyncadd.s32 @!p0 $0xFFFFC180  }
0x1a5: {  	_ =	sfence.sel $0x180000  }
0x1a6: {  	[bflag:$0x0] =	sbarrier.arrive $0xFFFF  }
0x1a7: {  	_ =	strace $0x9000004A  }
0x1a8: {  	s0 =	stileid.u32;
	[bflag:$0x2] =	sbarrier.arrive $0xFFFF  }
0x1a9: {  	p0 =	sne.s32 s0, $0x0;
	s0 =	rddreg [dreg:$0x2]  }
0x1aa: {  	s0 =	sadd.s32 @!p0 $0x100000, s0  }
0x1ab: {  	[sflag:s0] =	ssyncadd.tile.s32 @!p0 $0x1;
	_ =	shalt  }
.Lfunc_end2:
_tile_overlayer_lowered:
.L_overlay_start_2:
0x1ac: {  	(tag) =	ssettag $0x2  }
0x1ad: {  	s0 =	rddreg [dreg:$0x0];
	s2 =	stileid.u32  }
0x1ae: {  	s1 =	rddreg [dreg:$0x1];
	p0 =	sne.s32 s2, $0x0  }
0x1af: {  	s3 =	rddreg [dreg:$0x2];
	[bflag:$0x3] =	sbarrier.arrive $0xFFFF;
	s2 =	simm.s32 @!p0 $0x1C05  }
0x1b0: {  	[timem:s3], [sflag:s2] =	dma.local @!p0 [hbm:s0], s1  }
0x1b1: {  	s0 =	simm.s32 @!p0 $0x5  }
0x1b2: {  	_ =	swait.ge @!p0 [sflag:s0], s1  }
0x1b3: {  	s1 =	ssub.s32 @!p0 $0x0, s1;
	[sflag:s0] =	ssyncset.done @!p0 $0x0  }
0x1b4: {  	[sflag:s0] =	ssyncadd.s32 @!p0 s1  }
0x1b5: {  	[bflag:$0x3] =	sbarrier.arrive $0xFFFF  }
0x1b6: {  	_ =	shalt  }

</sc_bundles>
